<compile_context>
chip_gen: v7x
topology: tpu7x:2x2x1
jax: 0.10.2.dev20260603
libtpu: 0.0.44.dev20260713+nightly
codegen_flags: <defaults>
</compile_context>

<pallas_src>
import functools

import jax
import jax.numpy as jnp
from jax import lax
from jax.experimental import pallas as pl
from jax.experimental.pallas import tpu as pltpu
from jax.experimental.pallas import tpu_sc as plsc

F32 = jnp.float32

_LOG1P_Q = (0.9999016475119358, -0.4978750019864502, 0.31764828238151116,
            -0.19375874124753323, 0.08556748448678754, -0.018337923604283612)

_NC, _NS, _LANES = 2, 16, 16
_NW = _NC * _NS



def _emb_body(x_ref, wemb_ref, bemb_ref, t_ref, u_ref, bias_ref,
              h_ref, a_ref, b_ref):
    h = jnp.dot(x_ref[...], wemb_ref[...], preferred_element_type=F32)
    h = h + bemb_ref[...]
    h_ref[...] = h
    a_ref[...] = jnp.dot(h, t_ref[...], preferred_element_type=F32) + bias_ref[...]
    b_ref[...] = jnp.dot(h, u_ref[...], preferred_element_type=F32)


def _layer_body(h_ref, p0_ref, p1_ref, t_ref, u_ref, bias_ref,
                hn_ref, a_ref, b_ref):
    hn = h_ref[...] + p0_ref[...] + p1_ref[...]
    hn_ref[...] = hn
    a_ref[...] = jnp.dot(hn, t_ref[...], preferred_element_type=F32) + bias_ref[...]
    b_ref[...] = jnp.dot(hn, u_ref[...], preferred_element_type=F32)


def _readout_body(h_ref, p0_ref, p1_ref, batch_ref, wfc_ref, bfc_ref,
                  wout_ref, bout_ref, sums_ref, cnt_ref, out_ref, *, nblk, g):
    i = pl.program_id(0)

    @pl.when(i == 0)
    def _():
        sums_ref[...] = jnp.zeros_like(sums_ref)
        cnt_ref[...] = jnp.zeros_like(cnt_ref)

    hf = h_ref[...] + p0_ref[...] + p1_ref[...]
    bb = batch_ref[0]
    gid = lax.broadcasted_iota(jnp.int32, (g, bb.shape[-1]), 0)
    mask = (jnp.broadcast_to(bb, (g, bb.shape[-1])) == gid).astype(F32)
    sums_ref[...] += jnp.dot(mask, hf, preferred_element_type=F32)
    cnt_ref[...] += jnp.broadcast_to(
        jnp.sum(mask, axis=1, keepdims=True), cnt_ref.shape)

    @pl.when(i == nblk - 1)
    def _():
        pooled = sums_ref[...] / jnp.maximum(cnt_ref[...], 1.0)
        fc = jax.nn.softplus(
            jnp.dot(pooled, wfc_ref[...], preferred_element_type=F32)
            + bfc_ref[...])
        out_ref[...] = (jnp.dot(fc, wout_ref[...], preferred_element_type=F32)
                        + bout_ref[...])



def _sigmoid_softplus(uf, us):
    ef = jnp.exp(-jnp.abs(uf))
    p = 1.0 / (1.0 + ef)
    gate = jnp.where(uf >= 0, p, 1.0 - p)
    t = jnp.exp(-jnp.abs(us))
    q = jnp.full_like(t, _LOG1P_Q[5])
    for c in _LOG1P_Q[4::-1]:
        q = q * t + c
    sp = jnp.maximum(us, 0.0) + t * q
    return gate * sp


def _edge_body(a_hbm, b_hbm, dst_hbm, src_hbm, out_hbm,
               dsti, srci, arows, brows, mbuf,
               sem_a, sem_b, *, epw, ch, nchunk, d):
    c = lax.axis_index("c")
    s = lax.axis_index("s")
    w = c * _NS + s

    def _chunk(i, _):
        base = w * epw + i * ch
        pltpu.sync_copy(dst_hbm.at[pl.ds(base, ch)], dsti)
        pltpu.sync_copy(src_hbm.at[pl.ds(base, ch)], srci)
        cp_a = pltpu.async_copy(a_hbm.at[dsti], arows, sem_a)
        cp_b = pltpu.async_copy(b_hbm.at[srci], brows, sem_b)
        cp_a.wait()
        cp_b.wait()

        def _edge(e, _):
            for v in range(d // _LANES):
                uf = (arows[e, pl.ds(v * _LANES, _LANES)]
                      + brows[e, pl.ds(v * _LANES, _LANES)])
                us = (arows[e, pl.ds(d + v * _LANES, _LANES)]
                      + brows[e, pl.ds(d + v * _LANES, _LANES)])
                mbuf[e, pl.ds(v * _LANES, _LANES)] = _sigmoid_softplus(uf, us)
            return 0
        lax.fori_loop(0, ch, _edge, 0)

        pltpu.sync_copy(mbuf, out_hbm.at[pl.ds(base, ch)])
        return 0
    lax.fori_loop(0, nchunk, _chunk, 0)


def _scatter_body(dst_ref, msg_ref, acc_ref, *, eb):
    i = pl.program_id(0)

    @pl.when(i == 0)
    def _():
        acc_ref[...] = jnp.zeros_like(acc_ref)

    def _edge(j, _):
        idx = dst_ref[0, 0, j]
        acc_ref[pl.ds(idx, 1), :] += msg_ref[pl.ds(j, 1), :]
        return 0
    lax.fori_loop(0, eb, _edge, 0)



def kernel(x, edge_index, batch, W_emb, b_emb, W_f, b_f, W_s, b_s,
           W_fc, b_fc, W_out, b_out):
    n, d_in = x.shape
    d = W_emb.shape[1]
    num_layers = W_f.shape[0]
    h_dim = W_fc.shape[1]
    g = 64
    e = edge_index.shape[1]

    src = edge_index[0]
    dst = edge_index[1]

    T = jnp.concatenate([W_f[:, :d, :], W_s[:, :d, :]], axis=2)
    U = jnp.concatenate([W_f[:, d:, :], W_s[:, d:, :]], axis=2)
    bias = jnp.concatenate([b_f, b_s], axis=1)

    bn = 2000
    nblk = n // bn

    def _full(shape):
        return pl.BlockSpec(shape, lambda i: tuple(0 for _ in shape))

    emb_call = pl.pallas_call(
        _emb_body,
        grid=(nblk,),
        in_specs=[
            pl.BlockSpec((bn, d_in), lambda i: (i, 0)),
            _full((d_in, d)), _full((1, d)),
            _full((d, 2 * d)), _full((d, 2 * d)), _full((1, 2 * d)),
        ],
        out_specs=[
            pl.BlockSpec((bn, d), lambda i: (i, 0)),
            pl.BlockSpec((bn, 2 * d), lambda i: (i, 0)),
            pl.BlockSpec((bn, 2 * d), lambda i: (i, 0)),
        ],
        out_shape=[
            jax.ShapeDtypeStruct((n, d), F32),
            jax.ShapeDtypeStruct((n, 2 * d), F32),
            jax.ShapeDtypeStruct((n, 2 * d), F32),
        ],
    )

    layer_call = pl.pallas_call(
        _layer_body,
        grid=(nblk,),
        in_specs=[
            pl.BlockSpec((bn, d), lambda i: (i, 0)),
            pl.BlockSpec((bn, d), lambda i: (i, 0)),
            pl.BlockSpec((bn, d), lambda i: (i, 0)),
            _full((d, 2 * d)), _full((d, 2 * d)), _full((1, 2 * d)),
        ],
        out_specs=[
            pl.BlockSpec((bn, d), lambda i: (i, 0)),
            pl.BlockSpec((bn, 2 * d), lambda i: (i, 0)),
            pl.BlockSpec((bn, 2 * d), lambda i: (i, 0)),
        ],
        out_shape=[
            jax.ShapeDtypeStruct((n, d), F32),
            jax.ShapeDtypeStruct((n, 2 * d), F32),
            jax.ShapeDtypeStruct((n, 2 * d), F32),
        ],
    )

    epw = e // _NW
    ch = 80
    nchunk = epw // ch
    mesh = plsc.VectorSubcoreMesh(core_axis_name="c", subcore_axis_name="s")
    edge_call = pl.kernel(
        functools.partial(_edge_body, epw=epw, ch=ch, nchunk=nchunk, d=d),
        out_type=jax.ShapeDtypeStruct((e, d), F32),
        mesh=mesh,
        scratch_types=[
            pltpu.VMEM((ch,), jnp.int32),
            pltpu.VMEM((ch,), jnp.int32),
            pltpu.VMEM((ch, 2 * d), F32),
            pltpu.VMEM((ch, 2 * d), F32),
            pltpu.VMEM((ch, d), F32),
            pltpu.SemaphoreType.DMA,
            pltpu.SemaphoreType.DMA,
        ],
    )

    eb = 2000
    neb = e // eb
    scatter_call = pl.pallas_call(
        functools.partial(_scatter_body, eb=eb),
        grid=(neb,),
        in_specs=[
            pl.BlockSpec((1, 1, eb), lambda i: (i, 0, 0),
                         memory_space=pltpu.SMEM),
            pl.BlockSpec((eb, d), lambda i: (i, 0)),
        ],
        out_specs=pl.BlockSpec((n, d), lambda i: (0, 0)),
        out_shape=jax.ShapeDtypeStruct((n, d), F32),
    )

    readout_call = pl.pallas_call(
        functools.partial(_readout_body, nblk=nblk, g=g),
        grid=(nblk,),
        in_specs=[
            pl.BlockSpec((bn, d), lambda i: (i, 0)),
            pl.BlockSpec((bn, d), lambda i: (i, 0)),
            pl.BlockSpec((bn, d), lambda i: (i, 0)),
            pl.BlockSpec((1, 1, bn), lambda i: (i, 0, 0)),
            _full((d, h_dim)), _full((1, h_dim)),
            _full((h_dim, 128)), _full((1, 128)),
        ],
        out_specs=[
            pl.BlockSpec((g, d), lambda i: (0, 0)),
            pl.BlockSpec((g, d), lambda i: (0, 0)),
            pl.BlockSpec((g, 128), lambda i: (0, 0)),
        ],
        out_shape=[
            jax.ShapeDtypeStruct((g, d), F32),
            jax.ShapeDtypeStruct((g, d), F32),
            jax.ShapeDtypeStruct((g, 128), F32),
        ],
    )

    dst2d = dst.reshape(neb, 1, eb)
    zeros_nd = jnp.zeros((n, d), F32)
    h, A, B = emb_call(x, W_emb, b_emb.reshape(1, d),
                       T[0], U[0], bias[0].reshape(1, 2 * d))
    for l in range(num_layers):
        msgs = edge_call(A, B, dst, src)
        agg = scatter_call(dst2d, msgs)
        if l + 1 < num_layers:
            h, A, B = layer_call(h, agg, zeros_nd,
                                 T[l + 1], U[l + 1],
                                 bias[l + 1].reshape(1, 2 * d))
        else:
            w_out_pad = jnp.pad(W_out, ((0, 0), (0, 128 - W_out.shape[1])))
            b_out_pad = jnp.pad(b_out, (0, 128 - b_out.shape[0])).reshape(1, 128)
            _, _, out128 = readout_call(
                h, agg, zeros_nd, batch.reshape(nblk, 1, bn),
                W_fc, b_fc.reshape(1, h_dim), w_out_pad, b_out_pad)
            return out128[:, :W_out.shape[1]]

# --- scband reference (transcript-rebuilt; emitter-appended) ---
"""Pipeline reference for scband-chgcnn-5016521802365 (READ-ONLY COPY).

The authoritative reference and input builder live on the scoring server;
editing this copy changes nothing except your own understanding.
"""

import jax, jax.numpy as jnp
import numpy as np

N, E, D_IN, D, H_DIM, L, G = 10000, 320000, 128, 64, 128, 3, 64


def setup_inputs(seed: int = 0) -> dict:
    key = jax.random.key(seed)
    ks = jax.random.split(key, 12)
    x = jax.random.normal(ks[0], (N, D_IN), dtype=jnp.float32)
    edge_index = jax.random.randint(ks[1], (2, E), 0, N)
    batch = jnp.sort(jax.random.randint(ks[2], (N,), 0, G))
    s_emb = 1.0 / np.sqrt(D_IN)
    s_conv = 1.0 / np.sqrt(2 * D)
    s_fc = 1.0 / np.sqrt(D)
    s_out = 1.0 / np.sqrt(H_DIM)
    W_emb = jax.random.normal(ks[3], (D_IN, D), dtype=jnp.float32) * s_emb
    b_emb = jnp.zeros((D,), dtype=jnp.float32)
    # CGConv layers: lin_f (gate) and lin_s (core), each maps 2*D -> D.
    # Original torch code deepcopies one layer; we materialize per-layer params stacked on axis 0.
    W_f = jax.random.normal(ks[4], (L, 2 * D, D), dtype=jnp.float32) * s_conv
    b_f = jnp.zeros((L, D), dtype=jnp.float32)
    W_s = jax.random.normal(ks[5], (L, 2 * D, D), dtype=jnp.float32) * s_conv
    b_s = jnp.zeros((L, D), dtype=jnp.float32)
    W_fc = jax.random.normal(ks[6], (D, H_DIM), dtype=jnp.float32) * s_fc
    b_fc = jnp.zeros((H_DIM,), dtype=jnp.float32)
    W_out = jax.random.normal(ks[7], (H_DIM, 1), dtype=jnp.float32) * s_out
    b_out = jnp.zeros((1,), dtype=jnp.float32)
    return {"x": x, "edge_index": edge_index, "batch": batch,
            "W_emb": W_emb, "b_emb": b_emb,
            "W_f": W_f, "b_f": b_f, "W_s": W_s, "b_s": b_s,
            "W_fc": W_fc, "b_fc": b_fc, "W_out": W_out, "b_out": b_out}


def reference(x, edge_index, batch, W_emb, b_emb, W_f, b_f, W_s, b_s, W_fc, b_fc, W_out, b_out):
    src = edge_index[0]  # x_j (message source)
    dst = edge_index[1]  # x_i (aggregation target)
    h = x @ W_emb + b_emb  # embedding Linear(d_in -> node_dim)
    n = h.shape[0]
    for l in range(W_f.shape[0]):
        # CGConv message: z = cat([x_i, x_j]); m = sigmoid(lin_f(z)) * softplus(lin_s(z))
        z = jnp.concatenate([h[dst], h[src]], axis=-1)
        gate = jax.nn.sigmoid(z @ W_f[l] + b_f[l])
        core = jax.nn.softplus(z @ W_s[l] + b_s[l])
        agg = jax.ops.segment_sum(gate * core, dst, num_segments=n)
        h = h + agg  # residual update (CGConv aggr='add')
    # scatter mean-pool over graphs in batch
    sums = jax.ops.segment_sum(h, batch, num_segments=G)
    cnt = jax.ops.segment_sum(jnp.ones((n, 1), dtype=h.dtype), batch, num_segments=G)
    pooled = sums / jnp.maximum(cnt, 1.0)
    out = jax.nn.softplus(pooled @ W_fc + b_fc)
    out = out @ W_out + b_out
    return out

if __name__ == "__main__":
    import jax
    _d = setup_inputs()
    print(jax.jit(kernel)(*tuple(_d.values())))

</pallas_src>

<mosaic_0001>
#map = affine_map<(d0, d1) -> (0, 0)>
#map1 = affine_map<(d0, d1) -> (0)>
module attributes {stable_mosaic.version = 14 : i64} {
  func.func @_edge_body(%arg0: i32, %arg1: i32, %arg2: memref<10000x128xf32, #tpu.memory_space<hbm>>, %arg3: memref<10000x128xf32, #tpu.memory_space<hbm>>, %arg4: memref<320000xi32, #tpu.memory_space<hbm>>, %arg5: memref<320000xi32, #tpu.memory_space<hbm>>, %arg6: memref<320000x64xf32, #tpu.memory_space<hbm>>, %arg7: memref<80xi32, #tpu.memory_space<vmem>>, %arg8: memref<80xi32, #tpu.memory_space<vmem>>, %arg9: memref<80x128xf32, #tpu.memory_space<vmem>>, %arg10: memref<80x128xf32, #tpu.memory_space<vmem>>, %arg11: memref<80x64xf32, #tpu.memory_space<vmem>>, %arg12: memref<!tpu.dma_semaphore, #tpu.memory_space<semaphore_mem>>, %arg13: memref<!tpu.dma_semaphore, #tpu.memory_space<semaphore_mem>>) attributes {dimension_semantics = [#tpu.dimension_semantics<core_parallel>, #tpu.dimension_semantics<subcore_parallel>], iteration_bounds = array<i64: 2, 16>, scalar_prefetch = 0 : i64, scratch_operands = 7 : i64, tpu.core_type = #tpu.core_type<sc_vector_subcore>, window_params = [{transform_indices = #map}, {transform_indices = #map}, {transform_indices = #map1}, {transform_indices = #map1}, {transform_indices = #map}]} {
    %mul3A = arith.constant 16 : i32
    %mul3A_0 = arith.muli %arg0, %mul3A : i32
    %add3A = arith.addi %mul3A_0, %arg1 : i32
    %scan3A = arith.constant 0 : i32
    %scan3A_1 = arith.constant 0 : i32
    %scan3A_2 = arith.constant 125 : i32
    %scan3A_3 = arith.addi %scan3A_1, %scan3A_2 : i32
    %scan3A_4 = arith.constant 1 : i32
    %scan3A_5 = scf.for %scan3A_7 = %scan3A_1 to %scan3A_3 step %scan3A_4 iter_args(%scan3A_8 = %scan3A) -> (i32)  : i32 {
      %mul3A_9 = arith.constant 10000 : i32
      %mul3A_10 = arith.muli %add3A, %mul3A_9 : i32
      %mul3A_11 = arith.constant 80 : i32
      %mul3A_12 = arith.muli %scan3A_7, %mul3A_11 : i32
      %add3A_13 = arith.addi %mul3A_10, %mul3A_12 : i32
      "tpu.region"() ({
        %run_scoped3A = tpu.sem_alloc : memref<!tpu.dma_semaphore, #tpu.memory_space<semaphore_mem>>
        %dma_start3A_32 = tpu.memref_slice %arg4[%add3A_13] : memref<320000xi32, #tpu.memory_space<hbm>> -> memref<80xi32, #tpu.memory_space<hbm>>
        %dma_start3A_33 = tpu.memref_slice %arg4[%add3A_13] : memref<320000xi32, #tpu.memory_space<hbm>> -> memref<80xi32, #tpu.memory_space<hbm>>
        tpu.enqueue_dma source(%dma_start3A_33 : memref<80xi32, #tpu.memory_space<hbm>>) target(%arg7 : memref<80xi32, #tpu.memory_space<vmem>>) target_semaphore(%run_scoped3A : memref<!tpu.dma_semaphore, #tpu.memory_space<semaphore_mem>>)
        %dma_wait3A_34 = tpu.memref_slice %arg4[%add3A_13] : memref<320000xi32, #tpu.memory_space<hbm>> -> memref<80xi32, #tpu.memory_space<hbm>>
        %dma_wait3A_35 = tpu.memref_slice %arg4[%add3A_13] : memref<320000xi32, #tpu.memory_space<hbm>> -> memref<80xi32, #tpu.memory_space<hbm>>
        tpu.wait_dma2 semaphore(%run_scoped3A : memref<!tpu.dma_semaphore, #tpu.memory_space<semaphore_mem>>) src(%dma_wait3A_35 : memref<80xi32, #tpu.memory_space<hbm>>) dst(%arg7 : memref<80xi32, #tpu.memory_space<vmem>>)
        tpu.yield
      }) : () -> ()
      "tpu.region"() ({
        %run_scoped3A = tpu.sem_alloc : memref<!tpu.dma_semaphore, #tpu.memory_space<semaphore_mem>>
        %dma_start3A_32 = tpu.memref_slice %arg5[%add3A_13] : memref<320000xi32, #tpu.memory_space<hbm>> -> memref<80xi32, #tpu.memory_space<hbm>>
        %dma_start3A_33 = tpu.memref_slice %arg5[%add3A_13] : memref<320000xi32, #tpu.memory_space<hbm>> -> memref<80xi32, #tpu.memory_space<hbm>>
        tpu.enqueue_dma source(%dma_start3A_33 : memref<80xi32, #tpu.memory_space<hbm>>) target(%arg8 : memref<80xi32, #tpu.memory_space<vmem>>) target_semaphore(%run_scoped3A : memref<!tpu.dma_semaphore, #tpu.memory_space<semaphore_mem>>)
        %dma_wait3A_34 = tpu.memref_slice %arg5[%add3A_13] : memref<320000xi32, #tpu.memory_space<hbm>> -> memref<80xi32, #tpu.memory_space<hbm>>
        %dma_wait3A_35 = tpu.memref_slice %arg5[%add3A_13] : memref<320000xi32, #tpu.memory_space<hbm>> -> memref<80xi32, #tpu.memory_space<hbm>>
        tpu.wait_dma2 semaphore(%run_scoped3A : memref<!tpu.dma_semaphore, #tpu.memory_space<semaphore_mem>>) src(%dma_wait3A_35 : memref<80xi32, #tpu.memory_space<hbm>>) dst(%arg8 : memref<80xi32, #tpu.memory_space<vmem>>)
        tpu.yield
      }) : () -> ()
      %dma_start3A = arith.constant 0 : i32
      %dma_start3A_14 = arith.constant 0 : i32
      %dma_start3A_15 = tpu.memref_slice %arg2[%dma_start3A, %dma_start3A_14] : memref<10000x128xf32, #tpu.memory_space<hbm>> -> memref<10000x128xf32, #tpu.memory_space<hbm>>
      tpu.enqueue_indirect_dma source(%dma_start3A_15 : memref<10000x128xf32, #tpu.memory_space<hbm>>) target(%arg9 : memref<80x128xf32, #tpu.memory_space<vmem>>) offsets(%arg7 : memref<80xi32, #tpu.memory_space<vmem>>) semaphore(%arg12 : memref<!tpu.dma_semaphore, #tpu.memory_space<semaphore_mem>>)
      %dma_start3A_16 = arith.constant 0 : i32
      %dma_start3A_17 = arith.constant 0 : i32
      %dma_start3A_18 = tpu.memref_slice %arg3[%dma_start3A_16, %dma_start3A_17] : memref<10000x128xf32, #tpu.memory_space<hbm>> -> memref<10000x128xf32, #tpu.memory_space<hbm>>
      tpu.enqueue_indirect_dma source(%dma_start3A_18 : memref<10000x128xf32, #tpu.memory_space<hbm>>) target(%arg10 : memref<80x128xf32, #tpu.memory_space<vmem>>) offsets(%arg8 : memref<80xi32, #tpu.memory_space<vmem>>) semaphore(%arg13 : memref<!tpu.dma_semaphore, #tpu.memory_space<semaphore_mem>>)
      %dma_wait3A = arith.constant 0 : i32
      %dma_wait3A_19 = arith.constant 0 : i32
      %dma_wait3A_20 = tpu.memref_slice %arg2[%dma_wait3A, %dma_wait3A_19] : memref<10000x128xf32, #tpu.memory_space<hbm>> -> memref<10000x128xf32, #tpu.memory_space<hbm>>
      tpu.wait_indirect_dma semaphore(%arg12 : memref<!tpu.dma_semaphore, #tpu.memory_space<semaphore_mem>>) src(%dma_wait3A_20 : memref<10000x128xf32, #tpu.memory_space<hbm>>) dst(%arg9 : memref<80x128xf32, #tpu.memory_space<vmem>>)
      %dma_wait3A_21 = arith.constant 0 : i32
      %dma_wait3A_22 = arith.constant 0 : i32
      %dma_wait3A_23 = tpu.memref_slice %arg3[%dma_wait3A_21, %dma_wait3A_22] : memref<10000x128xf32, #tpu.memory_space<hbm>> -> memref<10000x128xf32, #tpu.memory_space<hbm>>
      tpu.wait_indirect_dma semaphore(%arg13 : memref<!tpu.dma_semaphore, #tpu.memory_space<semaphore_mem>>) src(%dma_wait3A_23 : memref<10000x128xf32, #tpu.memory_space<hbm>>) dst(%arg10 : memref<80x128xf32, #tpu.memory_space<vmem>>)
      %scan3A_24 = arith.constant 0 : i32
      %scan3A_25 = arith.constant 0 : i32
      %scan3A_26 = arith.constant 80 : i32
      %scan3A_27 = arith.addi %scan3A_25, %scan3A_26 : i32
      %scan3A_28 = arith.constant 1 : i32
      %scan3A_29 = scf.for %scan3A_32 = %scan3A_25 to %scan3A_27 step %scan3A_28 iter_args(%scan3A_33 = %scan3A_24) -> (i32)  : i32 {
        %get3A = arith.index_cast %scan3A_32 : i32 to index
        %get3A_34 = arith.constant 0 : index
        %get3A_35 = tpu.vector_load %arg9[%get3A, %get3A_34] {strides = array<i32>} : memref<80x128xf32, #tpu.memory_space<vmem>>, vector<1x16xf32>,
        %get3A_36 = vector.shape_cast %get3A_35 : vector<1x16xf32> to vector<16xf32>
        %get3A_37 = arith.index_cast %scan3A_32 : i32 to index
        %get3A_38 = arith.constant 0 : index
        %get3A_39 = tpu.vector_load %arg10[%get3A_37, %get3A_38] {strides = array<i32>} : memref<80x128xf32, #tpu.memory_space<vmem>>, vector<1x16xf32>,
        %get3A_40 = vector.shape_cast %get3A_39 : vector<1x16xf32> to vector<16xf32>
        %add3A_41 = arith.addf %get3A_36, %get3A_40 : vector<16xf32>
        %get3A_42 = arith.index_cast %scan3A_32 : i32 to index
        %get3A_43 = arith.constant 64 : index
        %get3A_44 = tpu.vector_load %arg9[%get3A_42, %get3A_43] {strides = array<i32>} : memref<80x128xf32, #tpu.memory_space<vmem>>, vector<1x16xf32>,
        %get3A_45 = vector.shape_cast %get3A_44 : vector<1x16xf32> to vector<16xf32>
        %get3A_46 = arith.index_cast %scan3A_32 : i32 to index
        %get3A_47 = arith.constant 64 : index
        %get3A_48 = tpu.vector_load %arg10[%get3A_46, %get3A_47] {strides = array<i32>} : memref<80x128xf32, #tpu.memory_space<vmem>>, vector<1x16xf32>,
        %get3A_49 = vector.shape_cast %get3A_48 : vector<1x16xf32> to vector<16xf32>
        %add3A_50 = arith.addf %get3A_45, %get3A_49 : vector<16xf32>
        %abs3A = math.absf %add3A_41 : vector<16xf32>
        %neg3A = arith.constant 0.000000e+00 : f32
        %neg3A_51 = vector.broadcast %neg3A : f32 to vector<16xf32>
        %neg3A_52 = arith.subf %neg3A_51, %abs3A : vector<16xf32>
        %exp3A = math.exp %neg3A_52 : vector<16xf32>
        %add3A_53 = arith.constant 1.000000e+00 : f32
        %add3A_54 = vector.broadcast %add3A_53 : f32 to vector<16xf32>
        %add3A_55 = arith.addf %add3A_54, %exp3A : vector<16xf32>
        %div3A = arith.constant 1.000000e+00 : f32
        %div3A_56 = vector.broadcast %div3A : f32 to vector<16xf32>
        %div3A_57 = arith.divf %div3A_56, %add3A_55 : vector<16xf32>
        %ge3A = arith.constant 0.000000e+00 : f32
        %ge3A_58 = vector.broadcast %ge3A : f32 to vector<16xf32>
        %ge3A_59 = arith.cmpf oge, %add3A_41, %ge3A_58 : vector<16xf32>
        %sub3A = arith.constant 1.000000e+00 : f32
        %sub3A_60 = vector.broadcast %sub3A : f32 to vector<16xf32>
        %sub3A_61 = arith.subf %sub3A_60, %div3A_57 : vector<16xf32>
        %select_n3A = arith.select %ge3A_59, %div3A_57, %sub3A_61 : vector<16xi1>, vector<16xf32>
        %abs3A_62 = math.absf %add3A_50 : vector<16xf32>
        %neg3A_63 = arith.constant 0.000000e+00 : f32
        %neg3A_64 = vector.broadcast %neg3A_63 : f32 to vector<16xf32>
        %neg3A_65 = arith.subf %neg3A_64, %abs3A_62 : vector<16xf32>
        %exp3A_66 = math.exp %neg3A_65 : vector<16xf32>
        %broadcast_in_dim3A = arith.constant -0.018337924 : f32
        %broadcast_in_dim3A_67 = vector.broadcast %broadcast_in_dim3A : f32 to vector<16xf32>
        %mul3A_68 = arith.mulf %broadcast_in_dim3A_67, %exp3A_66 : vector<16xf32>
        %add3A_69 = arith.constant 0.0855674818 : f32
        %add3A_70 = vector.broadcast %add3A_69 : f32 to vector<16xf32>
        %add3A_71 = arith.addf %mul3A_68, %add3A_70 : vector<16xf32>
        %mul3A_72 = arith.mulf %add3A_71, %exp3A_66 : vector<16xf32>
        %add3A_73 = arith.constant -0.193758741 : f32
        %add3A_74 = vector.broadcast %add3A_73 : f32 to vector<16xf32>
        %add3A_75 = arith.addf %mul3A_72, %add3A_74 : vector<16xf32>
        %mul3A_76 = arith.mulf %add3A_75, %exp3A_66 : vector<16xf32>
        %add3A_77 = arith.constant 0.317648292 : f32
        %add3A_78 = vector.broadcast %add3A_77 : f32 to vector<16xf32>
        %add3A_79 = arith.addf %mul3A_76, %add3A_78 : vector<16xf32>
        %mul3A_80 = arith.mulf %add3A_79, %exp3A_66 : vector<16xf32>
        %add3A_81 = arith.constant -4.978750e-01 : f32
        %add3A_82 = vector.broadcast %add3A_81 : f32 to vector<16xf32>
        %add3A_83 = arith.addf %mul3A_80, %add3A_82 : vector<16xf32>
        %mul3A_84 = arith.mulf %add3A_83, %exp3A_66 : vector<16xf32>
        %add3A_85 = arith.constant 0.999901652 : f32
        %add3A_86 = vector.broadcast %add3A_85 : f32 to vector<16xf32>
        %add3A_87 = arith.addf %mul3A_84, %add3A_86 : vector<16xf32>
        %max3A = arith.constant 0.000000e+00 : f32
        %max3A_88 = vector.broadcast %max3A : f32 to vector<16xf32>
        %max3A_89 = arith.maximumf %add3A_50, %max3A_88 : vector<16xf32>
        %mul3A_90 = arith.mulf %exp3A_66, %add3A_87 : vector<16xf32>
        %add3A_91 = arith.addf %max3A_89, %mul3A_90 : vector<16xf32>
        %mul3A_92 = arith.mulf %select_n3A, %add3A_91 : vector<16xf32>
        %swap3A = arith.index_cast %scan3A_32 : i32 to index
        %swap3A_93 = arith.constant 0 : index
        %swap3A_94 = tpu.vector_load %arg11[%swap3A, %swap3A_93] {strides = array<i32>} : memref<80x64xf32, #tpu.memory_space<vmem>>, vector<1x16xf32>,
        %swap3A_95 = vector.shape_cast %swap3A_94 : vector<1x16xf32> to vector<16xf32>
        %swap3A_96 = vector.shape_cast %mul3A_92 : vector<16xf32> to vector<1x16xf32>
        tpu.vector_store %arg11[%swap3A, %swap3A_93], %swap3A_96 {strides = array<i32>} : memref<80x64xf32, #tpu.memory_space<vmem>>, vector<1x16xf32>,
        %get3A_97 = arith.index_cast %scan3A_32 : i32 to index
        %get3A_98 = arith.constant 16 : index
        %get3A_99 = tpu.vector_load %arg9[%get3A_97, %get3A_98] {strides = array<i32>} : memref<80x128xf32, #tpu.memory_space<vmem>>, vector<1x16xf32>,
        %get3A_100 = vector.shape_cast %get3A_99 : vector<1x16xf32> to vector<16xf32>
        %get3A_101 = arith.index_cast %scan3A_32 : i32 to index
        %get3A_102 = arith.constant 16 : index
        %get3A_103 = tpu.vector_load %arg10[%get3A_101, %get3A_102] {strides = array<i32>} : memref<80x128xf32, #tpu.memory_space<vmem>>, vector<1x16xf32>,
        %get3A_104 = vector.shape_cast %get3A_103 : vector<1x16xf32> to vector<16xf32>
        %add3A_105 = arith.addf %get3A_100, %get3A_104 : vector<16xf32>
        %get3A_106 = arith.index_cast %scan3A_32 : i32 to index
        %get3A_107 = arith.constant 80 : index
        %get3A_108 = tpu.vector_load %arg9[%get3A_106, %get3A_107] {strides = array<i32>} : memref<80x128xf32, #tpu.memory_space<vmem>>, vector<1x16xf32>,
        %get3A_109 = vector.shape_cast %get3A_108 : vector<1x16xf32> to vector<16xf32>
        %get3A_110 = arith.index_cast %scan3A_32 : i32 to index
        %get3A_111 = arith.constant 80 : index
        %get3A_112 = tpu.vector_load %arg10[%get3A_110, %get3A_111] {strides = array<i32>} : memref<80x128xf32, #tpu.memory_space<vmem>>, vector<1x16xf32>,
        %get3A_113 = vector.shape_cast %get3A_112 : vector<1x16xf32> to vector<16xf32>
        %add3A_114 = arith.addf %get3A_109, %get3A_113 : vector<16xf32>
        %abs3A_115 = math.absf %add3A_105 : vector<16xf32>
        %neg3A_116 = arith.constant 0.000000e+00 : f32
        %neg3A_117 = vector.broadcast %neg3A_116 : f32 to vector<16xf32>
        %neg3A_118 = arith.subf %neg3A_117, %abs3A_115 : vector<16xf32>
        %exp3A_119 = math.exp %neg3A_118 : vector<16xf32>
        %add3A_120 = arith.constant 1.000000e+00 : f32
        %add3A_121 = vector.broadcast %add3A_120 : f32 to vector<16xf32>
        %add3A_122 = arith.addf %add3A_121, %exp3A_119 : vector<16xf32>
        %div3A_123 = arith.constant 1.000000e+00 : f32
        %div3A_124 = vector.broadcast %div3A_123 : f32 to vector<16xf32>
        %div3A_125 = arith.divf %div3A_124, %add3A_122 : vector<16xf32>
        %ge3A_126 = arith.constant 0.000000e+00 : f32
        %ge3A_127 = vector.broadcast %ge3A_126 : f32 to vector<16xf32>
        %ge3A_128 = arith.cmpf oge, %add3A_105, %ge3A_127 : vector<16xf32>
        %sub3A_129 = arith.constant 1.000000e+00 : f32
        %sub3A_130 = vector.broadcast %sub3A_129 : f32 to vector<16xf32>
        %sub3A_131 = arith.subf %sub3A_130, %div3A_125 : vector<16xf32>
        %select_n3A_132 = arith.select %ge3A_128, %div3A_125, %sub3A_131 : vector<16xi1>, vector<16xf32>
        %abs3A_133 = math.absf %add3A_114 : vector<16xf32>
        %neg3A_134 = arith.constant 0.000000e+00 : f32
        %neg3A_135 = vector.broadcast %neg3A_134 : f32 to vector<16xf32>
        %neg3A_136 = arith.subf %neg3A_135, %abs3A_133 : vector<16xf32>
        %exp3A_137 = math.exp %neg3A_136 : vector<16xf32>
        %broadcast_in_dim3A_138 = arith.constant -0.018337924 : f32
        %broadcast_in_dim3A_139 = vector.broadcast %broadcast_in_dim3A_138 : f32 to vector<16xf32>
        %mul3A_140 = arith.mulf %broadcast_in_dim3A_139, %exp3A_137 : vector<16xf32>
        %add3A_141 = arith.constant 0.0855674818 : f32
        %add3A_142 = vector.broadcast %add3A_141 : f32 to vector<16xf32>
        %add3A_143 = arith.addf %mul3A_140, %add3A_142 : vector<16xf32>
        %mul3A_144 = arith.mulf %add3A_143, %exp3A_137 : vector<16xf32>
        %add3A_145 = arith.constant -0.193758741 : f32
        %add3A_146 = vector.broadcast %add3A_145 : f32 to vector<16xf32>
        %add3A_147 = arith.addf %mul3A_144, %add3A_146 : vector<16xf32>
        %mul3A_148 = arith.mulf %add3A_147, %exp3A_137 : vector<16xf32>
        %add3A_149 = arith.constant 0.317648292 : f32
        %add3A_150 = vector.broadcast %add3A_149 : f32 to vector<16xf32>
        %add3A_151 = arith.addf %mul3A_148, %add3A_150 : vector<16xf32>
        %mul3A_152 = arith.mulf %add3A_151, %exp3A_137 : vector<16xf32>
        %add3A_153 = arith.constant -4.978750e-01 : f32
        %add3A_154 = vector.broadcast %add3A_153 : f32 to vector<16xf32>
        %add3A_155 = arith.addf %mul3A_152, %add3A_154 : vector<16xf32>
        %mul3A_156 = arith.mulf %add3A_155, %exp3A_137 : vector<16xf32>
        %add3A_157 = arith.constant 0.999901652 : f32
        %add3A_158 = vector.broadcast %add3A_157 : f32 to vector<16xf32>
        %add3A_159 = arith.addf %mul3A_156, %add3A_158 : vector<16xf32>
        %max3A_160 = arith.constant 0.000000e+00 : f32
        %max3A_161 = vector.broadcast %max3A_160 : f32 to vector<16xf32>
        %max3A_162 = arith.maximumf %add3A_114, %max3A_161 : vector<16xf32>
        %mul3A_163 = arith.mulf %exp3A_137, %add3A_159 : vector<16xf32>
        %add3A_164 = arith.addf %max3A_162, %mul3A_163 : vector<16xf32>
        %mul3A_165 = arith.mulf %select_n3A_132, %add3A_164 : vector<16xf32>
        %swap3A_166 = arith.index_cast %scan3A_32 : i32 to index
        %swap3A_167 = arith.constant 16 : index
        %swap3A_168 = tpu.vector_load %arg11[%swap3A_166, %swap3A_167] {strides = array<i32>} : memref<80x64xf32, #tpu.memory_space<vmem>>, vector<1x16xf32>,
        %swap3A_169 = vector.shape_cast %swap3A_168 : vector<1x16xf32> to vector<16xf32>
        %swap3A_170 = vector.shape_cast %mul3A_165 : vector<16xf32> to vector<1x16xf32>
        tpu.vector_store %arg11[%swap3A_166, %swap3A_167], %swap3A_170 {strides = array<i32>} : memref<80x64xf32, #tpu.memory_space<vmem>>, vector<1x16xf32>,
        %get3A_171 = arith.index_cast %scan3A_32 : i32 to index
        %get3A_172 = arith.constant 32 : index
        %get3A_173 = tpu.vector_load %arg9[%get3A_171, %get3A_172] {strides = array<i32>} : memref<80x128xf32, #tpu.memory_space<vmem>>, vector<1x16xf32>,
        %get3A_174 = vector.shape_cast %get3A_173 : vector<1x16xf32> to vector<16xf32>
        %get3A_175 = arith.index_cast %scan3A_32 : i32 to index
        %get3A_176 = arith.constant 32 : index
        %get3A_177 = tpu.vector_load %arg10[%get3A_175, %get3A_176] {strides = array<i32>} : memref<80x128xf32, #tpu.memory_space<vmem>>, vector<1x16xf32>,
        %get3A_178 = vector.shape_cast %get3A_177 : vector<1x16xf32> to vector<16xf32>
        %add3A_179 = arith.addf %get3A_174, %get3A_178 : vector<16xf32>
        %get3A_180 = arith.index_cast %scan3A_32 : i32 to index
        %get3A_181 = arith.constant 96 : index
        %get3A_182 = tpu.vector_load %arg9[%get3A_180, %get3A_181] {strides = array<i32>} : memref<80x128xf32, #tpu.memory_space<vmem>>, vector<1x16xf32>,
        %get3A_183 = vector.shape_cast %get3A_182 : vector<1x16xf32> to vector<16xf32>
        %get3A_184 = arith.index_cast %scan3A_32 : i32 to index
        %get3A_185 = arith.constant 96 : index
        %get3A_186 = tpu.vector_load %arg10[%get3A_184, %get3A_185] {strides = array<i32>} : memref<80x128xf32, #tpu.memory_space<vmem>>, vector<1x16xf32>,
        %get3A_187 = vector.shape_cast %get3A_186 : vector<1x16xf32> to vector<16xf32>
        %add3A_188 = arith.addf %get3A_183, %get3A_187 : vector<16xf32>
        %abs3A_189 = math.absf %add3A_179 : vector<16xf32>
        %neg3A_190 = arith.constant 0.000000e+00 : f32
        %neg3A_191 = vector.broadcast %neg3A_190 : f32 to vector<16xf32>
        %neg3A_192 = arith.subf %neg3A_191, %abs3A_189 : vector<16xf32>
        %exp3A_193 = math.exp %neg3A_192 : vector<16xf32>
        %add3A_194 = arith.constant 1.000000e+00 : f32
        %add3A_195 = vector.broadcast %add3A_194 : f32 to vector<16xf32>
        %add3A_196 = arith.addf %add3A_195, %exp3A_193 : vector<16xf32>
        %div3A_197 = arith.constant 1.000000e+00 : f32
        %div3A_198 = vector.broadcast %div3A_197 : f32 to vector<16xf32>
        %div3A_199 = arith.divf %div3A_198, %add3A_196 : vector<16xf32>
        %ge3A_200 = arith.constant 0.000000e+00 : f32
        %ge3A_201 = vector.broadcast %ge3A_200 : f32 to vector<16xf32>
        %ge3A_202 = arith.cmpf oge, %add3A_179, %ge3A_201 : vector<16xf32>
        %sub3A_203 = arith.constant 1.000000e+00 : f32
        %sub3A_204 = vector.broadcast %sub3A_203 : f32 to vector<16xf32>
        %sub3A_205 = arith.subf %sub3A_204, %div3A_199 : vector<16xf32>
        %select_n3A_206 = arith.select %ge3A_202, %div3A_199, %sub3A_205 : vector<16xi1>, vector<16xf32>
        %abs3A_207 = math.absf %add3A_188 : vector<16xf32>
        %neg3A_208 = arith.constant 0.000000e+00 : f32
        %neg3A_209 = vector.broadcast %neg3A_208 : f32 to vector<16xf32>
        %neg3A_210 = arith.subf %neg3A_209, %abs3A_207 : vector<16xf32>
        %exp3A_211 = math.exp %neg3A_210 : vector<16xf32>
        %broadcast_in_dim3A_212 = arith.constant -0.018337924 : f32
        %broadcast_in_dim3A_213 = vector.broadcast %broadcast_in_dim3A_212 : f32 to vector<16xf32>
        %mul3A_214 = arith.mulf %broadcast_in_dim3A_213, %exp3A_211 : vector<16xf32>
        %add3A_215 = arith.constant 0.0855674818 : f32
        %add3A_216 = vector.broadcast %add3A_215 : f32 to vector<16xf32>
        %add3A_217 = arith.addf %mul3A_214, %add3A_216 : vector<16xf32>
        %mul3A_218 = arith.mulf %add3A_217, %exp3A_211 : vector<16xf32>
        %add3A_219 = arith.constant -0.193758741 : f32
        %add3A_220 = vector.broadcast %add3A_219 : f32 to vector<16xf32>
        %add3A_221 = arith.addf %mul3A_218, %add3A_220 : vector<16xf32>
        %mul3A_222 = arith.mulf %add3A_221, %exp3A_211 : vector<16xf32>
        %add3A_223 = arith.constant 0.317648292 : f32
        %add3A_224 = vector.broadcast %add3A_223 : f32 to vector<16xf32>
        %add3A_225 = arith.addf %mul3A_222, %add3A_224 : vector<16xf32>
        %mul3A_226 = arith.mulf %add3A_225, %exp3A_211 : vector<16xf32>
        %add3A_227 = arith.constant -4.978750e-01 : f32
        %add3A_228 = vector.broadcast %add3A_227 : f32 to vector<16xf32>
        %add3A_229 = arith.addf %mul3A_226, %add3A_228 : vector<16xf32>
        %mul3A_230 = arith.mulf %add3A_229, %exp3A_211 : vector<16xf32>
        %add3A_231 = arith.constant 0.999901652 : f32
        %add3A_232 = vector.broadcast %add3A_231 : f32 to vector<16xf32>
        %add3A_233 = arith.addf %mul3A_230, %add3A_232 : vector<16xf32>
        %max3A_234 = arith.constant 0.000000e+00 : f32
        %max3A_235 = vector.broadcast %max3A_234 : f32 to vector<16xf32>
        %max3A_236 = arith.maximumf %add3A_188, %max3A_235 : vector<16xf32>
        %mul3A_237 = arith.mulf %exp3A_211, %add3A_233 : vector<16xf32>
        %add3A_238 = arith.addf %max3A_236, %mul3A_237 : vector<16xf32>
        %mul3A_239 = arith.mulf %select_n3A_206, %add3A_238 : vector<16xf32>
        %swap3A_240 = arith.index_cast %scan3A_32 : i32 to index
        %swap3A_241 = arith.constant 32 : index
        %swap3A_242 = tpu.vector_load %arg11[%swap3A_240, %swap3A_241] {strides = array<i32>} : memref<80x64xf32, #tpu.memory_space<vmem>>, vector<1x16xf32>,
        %swap3A_243 = vector.shape_cast %swap3A_242 : vector<1x16xf32> to vector<16xf32>
        %swap3A_244 = vector.shape_cast %mul3A_239 : vector<16xf32> to vector<1x16xf32>
        tpu.vector_store %arg11[%swap3A_240, %swap3A_241], %swap3A_244 {strides = array<i32>} : memref<80x64xf32, #tpu.memory_space<vmem>>, vector<1x16xf32>,
        %get3A_245 = arith.index_cast %scan3A_32 : i32 to index
        %get3A_246 = arith.constant 48 : index
        %get3A_247 = tpu.vector_load %arg9[%get3A_245, %get3A_246] {strides = array<i32>} : memref<80x128xf32, #tpu.memory_space<vmem>>, vector<1x16xf32>,
        %get3A_248 = vector.shape_cast %get3A_247 : vector<1x16xf32> to vector<16xf32>
        %get3A_249 = arith.index_cast %scan3A_32 : i32 to index
        %get3A_250 = arith.constant 48 : index
        %get3A_251 = tpu.vector_load %arg10[%get3A_249, %get3A_250] {strides = array<i32>} : memref<80x128xf32, #tpu.memory_space<vmem>>, vector<1x16xf32>,
        %get3A_252 = vector.shape_cast %get3A_251 : vector<1x16xf32> to vector<16xf32>
        %add3A_253 = arith.addf %get3A_248, %get3A_252 : vector<16xf32>
        %get3A_254 = arith.index_cast %scan3A_32 : i32 to index
        %get3A_255 = arith.constant 112 : index
        %get3A_256 = tpu.vector_load %arg9[%get3A_254, %get3A_255] {strides = array<i32>} : memref<80x128xf32, #tpu.memory_space<vmem>>, vector<1x16xf32>,
        %get3A_257 = vector.shape_cast %get3A_256 : vector<1x16xf32> to vector<16xf32>
        %get3A_258 = arith.index_cast %scan3A_32 : i32 to index
        %get3A_259 = arith.constant 112 : index
        %get3A_260 = tpu.vector_load %arg10[%get3A_258, %get3A_259] {strides = array<i32>} : memref<80x128xf32, #tpu.memory_space<vmem>>, vector<1x16xf32>,
        %get3A_261 = vector.shape_cast %get3A_260 : vector<1x16xf32> to vector<16xf32>
        %add3A_262 = arith.addf %get3A_257, %get3A_261 : vector<16xf32>
        %abs3A_263 = math.absf %add3A_253 : vector<16xf32>
        %neg3A_264 = arith.constant 0.000000e+00 : f32
        %neg3A_265 = vector.broadcast %neg3A_264 : f32 to vector<16xf32>
        %neg3A_266 = arith.subf %neg3A_265, %abs3A_263 : vector<16xf32>
        %exp3A_267 = math.exp %neg3A_266 : vector<16xf32>
        %add3A_268 = arith.constant 1.000000e+00 : f32
        %add3A_269 = vector.broadcast %add3A_268 : f32 to vector<16xf32>
        %add3A_270 = arith.addf %add3A_269, %exp3A_267 : vector<16xf32>
        %div3A_271 = arith.constant 1.000000e+00 : f32
        %div3A_272 = vector.broadcast %div3A_271 : f32 to vector<16xf32>
        %div3A_273 = arith.divf %div3A_272, %add3A_270 : vector<16xf32>
        %ge3A_274 = arith.constant 0.000000e+00 : f32
        %ge3A_275 = vector.broadcast %ge3A_274 : f32 to vector<16xf32>
        %ge3A_276 = arith.cmpf oge, %add3A_253, %ge3A_275 : vector<16xf32>
        %sub3A_277 = arith.constant 1.000000e+00 : f32
        %sub3A_278 = vector.broadcast %sub3A_277 : f32 to vector<16xf32>
        %sub3A_279 = arith.subf %sub3A_278, %div3A_273 : vector<16xf32>
        %select_n3A_280 = arith.select %ge3A_276, %div3A_273, %sub3A_279 : vector<16xi1>, vector<16xf32>
        %abs3A_281 = math.absf %add3A_262 : vector<16xf32>
        %neg3A_282 = arith.constant 0.000000e+00 : f32
        %neg3A_283 = vector.broadcast %neg3A_282 : f32 to vector<16xf32>
        %neg3A_284 = arith.subf %neg3A_283, %abs3A_281 : vector<16xf32>
        %exp3A_285 = math.exp %neg3A_284 : vector<16xf32>
        %broadcast_in_dim3A_286 = arith.constant -0.018337924 : f32
        %broadcast_in_dim3A_287 = vector.broadcast %broadcast_in_dim3A_286 : f32 to vector<16xf32>
        %mul3A_288 = arith.mulf %broadcast_in_dim3A_287, %exp3A_285 : vector<16xf32>
        %add3A_289 = arith.constant 0.0855674818 : f32
        %add3A_290 = vector.broadcast %add3A_289 : f32 to vector<16xf32>
        %add3A_291 = arith.addf %mul3A_288, %add3A_290 : vector<16xf32>
        %mul3A_292 = arith.mulf %add3A_291, %exp3A_285 : vector<16xf32>
        %add3A_293 = arith.constant -0.193758741 : f32
        %add3A_294 = vector.broadcast %add3A_293 : f32 to vector<16xf32>
        %add3A_295 = arith.addf %mul3A_292, %add3A_294 : vector<16xf32>
        %mul3A_296 = arith.mulf %add3A_295, %exp3A_285 : vector<16xf32>
        %add3A_297 = arith.constant 0.317648292 : f32
        %add3A_298 = vector.broadcast %add3A_297 : f32 to vector<16xf32>
        %add3A_299 = arith.addf %mul3A_296, %add3A_298 : vector<16xf32>
        %mul3A_300 = arith.mulf %add3A_299, %exp3A_285 : vector<16xf32>
        %add3A_301 = arith.constant -4.978750e-01 : f32
        %add3A_302 = vector.broadcast %add3A_301 : f32 to vector<16xf32>
        %add3A_303 = arith.addf %mul3A_300, %add3A_302 : vector<16xf32>
        %mul3A_304 = arith.mulf %add3A_303, %exp3A_285 : vector<16xf32>
        %add3A_305 = arith.constant 0.999901652 : f32
        %add3A_306 = vector.broadcast %add3A_305 : f32 to vector<16xf32>
        %add3A_307 = arith.addf %mul3A_304, %add3A_306 : vector<16xf32>
        %max3A_308 = arith.constant 0.000000e+00 : f32
        %max3A_309 = vector.broadcast %max3A_308 : f32 to vector<16xf32>
        %max3A_310 = arith.maximumf %add3A_262, %max3A_309 : vector<16xf32>
        %mul3A_311 = arith.mulf %exp3A_285, %add3A_307 : vector<16xf32>
        %add3A_312 = arith.addf %max3A_310, %mul3A_311 : vector<16xf32>
        %mul3A_313 = arith.mulf %select_n3A_280, %add3A_312 : vector<16xf32>
        %swap3A_314 = arith.index_cast %scan3A_32 : i32 to index
        %swap3A_315 = arith.constant 48 : index
        %swap3A_316 = tpu.vector_load %arg11[%swap3A_314, %swap3A_315] {strides = array<i32>} : memref<80x64xf32, #tpu.memory_space<vmem>>, vector<1x16xf32>,
        %swap3A_317 = vector.shape_cast %swap3A_316 : vector<1x16xf32> to vector<16xf32>
        %swap3A_318 = vector.shape_cast %mul3A_313 : vector<16xf32> to vector<1x16xf32>
        tpu.vector_store %arg11[%swap3A_314, %swap3A_315], %swap3A_318 {strides = array<i32>} : memref<80x64xf32, #tpu.memory_space<vmem>>, vector<1x16xf32>,
        %scan3A_319 = arith.constant 0 : i32
        scf.yield %scan3A_319 : i32
      }
      %scan3A_30 = arith.constant 80 : i32
      "tpu.region"() ({
        %run_scoped3A = tpu.sem_alloc : memref<!tpu.dma_semaphore, #tpu.memory_space<semaphore_mem>>
        %dma_start3A_32 = arith.constant 0 : i32
        %dma_start3A_33 = tpu.memref_slice %arg6[%add3A_13, %dma_start3A_32] : memref<320000x64xf32, #tpu.memory_space<hbm>> -> memref<80x64xf32, #tpu.memory_space<hbm>>
        %dma_start3A_34 = arith.constant 0 : i32
        %dma_start3A_35 = tpu.memref_slice %arg6[%add3A_13, %dma_start3A_34] : memref<320000x64xf32, #tpu.memory_space<hbm>> -> memref<80x64xf32, #tpu.memory_space<hbm>>
        tpu.enqueue_dma source(%arg11 : memref<80x64xf32, #tpu.memory_space<vmem>>) target(%dma_start3A_35 : memref<80x64xf32, #tpu.memory_space<hbm>>) target_semaphore(%run_scoped3A : memref<!tpu.dma_semaphore, #tpu.memory_space<semaphore_mem>>)
        %dma_wait3A_36 = arith.constant 0 : i32
        %dma_wait3A_37 = tpu.memref_slice %arg6[%add3A_13, %dma_wait3A_36] : memref<320000x64xf32, #tpu.memory_space<hbm>> -> memref<80x64xf32, #tpu.memory_space<hbm>>
        %dma_wait3A_38 = arith.constant 0 : i32
        %dma_wait3A_39 = tpu.memref_slice %arg6[%add3A_13, %dma_wait3A_38] : memref<320000x64xf32, #tpu.memory_space<hbm>> -> memref<80x64xf32, #tpu.memory_space<hbm>>
        tpu.wait_dma2 semaphore(%run_scoped3A : memref<!tpu.dma_semaphore, #tpu.memory_space<semaphore_mem>>) src(%arg11 : memref<80x64xf32, #tpu.memory_space<vmem>>) dst(%dma_wait3A_39 : memref<80x64xf32, #tpu.memory_space<hbm>>)
        tpu.yield
      }) : () -> ()
      %scan3A_31 = arith.constant 0 : i32
      scf.yield %scan3A_31 : i32
    }
    %scan3A_6 = arith.constant 125 : i32
    return
  }
}

#map = affine_map<(d0, d1) -> (0, 0)>
#map1 = affine_map<(d0, d1) -> (0)>
module attributes {stable_mosaic.version = 14 : i64} {
  func.func @_edge_body(%arg0: i32, %arg1: i32, %arg2: memref<10000x128xf32, #tpu.memory_space<hbm>>, %arg3: memref<10000x128xf32, #tpu.memory_space<hbm>>, %arg4: memref<320000xi32, #tpu.memory_space<hbm>>, %arg5: memref<320000xi32, #tpu.memory_space<hbm>>, %arg6: memref<320000x64xf32, #tpu.memory_space<hbm>>, %arg7: memref<80xi32, #tpu.memory_space<vmem>>, %arg8: memref<80xi32, #tpu.memory_space<vmem>>, %arg9: memref<80x128xf32, #tpu.memory_space<vmem>>, %arg10: memref<80x128xf32, #tpu.memory_space<vmem>>, %arg11: memref<80x64xf32, #tpu.memory_space<vmem>>, %arg12: memref<!tpu.dma_semaphore, #tpu.memory_space<semaphore_mem>>, %arg13: memref<!tpu.dma_semaphore, #tpu.memory_space<semaphore_mem>>) attributes {dimension_semantics = [#tpu.dimension_semantics<core_parallel>, #tpu.dimension_semantics<subcore_parallel>], iteration_bounds = array<i64: 2, 16>, scalar_prefetch = 0 : i64, scratch_operands = 7 : i64, tpu.core_type = #tpu.core_type<sc_vector_subcore>, window_params = [{transform_indices = #map}, {transform_indices = #map}, {transform_indices = #map1}, {transform_indices = #map1}, {transform_indices = #map}]} {
    %mul3A = arith.constant 16 : i32
    %mul3A_0 = arith.muli %arg0, %mul3A : i32
    %add3A = arith.addi %mul3A_0, %arg1 : i32
    %scan3A = arith.constant 0 : i32
    %scan3A_1 = arith.constant 0 : i32
    %scan3A_2 = arith.constant 125 : i32
    %scan3A_3 = arith.addi %scan3A_1, %scan3A_2 : i32
    %scan3A_4 = arith.constant 1 : i32
    %scan3A_5 = scf.for %scan3A_7 = %scan3A_1 to %scan3A_3 step %scan3A_4 iter_args(%scan3A_8 = %scan3A) -> (i32)  : i32 {
      %mul3A_9 = arith.constant 10000 : i32
      %mul3A_10 = arith.muli %add3A, %mul3A_9 : i32
      %mul3A_11 = arith.constant 80 : i32
      %mul3A_12 = arith.muli %scan3A_7, %mul3A_11 : i32
      %add3A_13 = arith.addi %mul3A_10, %mul3A_12 : i32
      "tpu.region"() ({
        %run_scoped3A = tpu.sem_alloc : memref<!tpu.dma_semaphore, #tpu.memory_space<semaphore_mem>>
        %dma_start3A_32 = tpu.memref_slice %arg4[%add3A_13] : memref<320000xi32, #tpu.memory_space<hbm>> -> memref<80xi32, #tpu.memory_space<hbm>>
        %dma_start3A_33 = tpu.memref_slice %arg4[%add3A_13] : memref<320000xi32, #tpu.memory_space<hbm>> -> memref<80xi32, #tpu.memory_space<hbm>>
        tpu.enqueue_dma source(%dma_start3A_33 : memref<80xi32, #tpu.memory_space<hbm>>) target(%arg7 : memref<80xi32, #tpu.memory_space<vmem>>) target_semaphore(%run_scoped3A : memref<!tpu.dma_semaphore, #tpu.memory_space<semaphore_mem>>)
        %dma_wait3A_34 = tpu.memref_slice %arg4[%add3A_13] : memref<320000xi32, #tpu.memory_space<hbm>> -> memref<80xi32, #tpu.memory_space<hbm>>
        %dma_wait3A_35 = tpu.memref_slice %arg4[%add3A_13] : memref<320000xi32, #tpu.memory_space<hbm>> -> memref<80xi32, #tpu.memory_space<hbm>>
        tpu.wait_dma2 semaphore(%run_scoped3A : memref<!tpu.dma_semaphore, #tpu.memory_space<semaphore_mem>>) src(%dma_wait3A_35 : memref<80xi32, #tpu.memory_space<hbm>>) dst(%arg7 : memref<80xi32, #tpu.memory_space<vmem>>)
        tpu.yield
      }) : () -> ()
      "tpu.region"() ({
        %run_scoped3A = tpu.sem_alloc : memref<!tpu.dma_semaphore, #tpu.memory_space<semaphore_mem>>
        %dma_start3A_32 = tpu.memref_slice %arg5[%add3A_13] : memref<320000xi32, #tpu.memory_space<hbm>> -> memref<80xi32, #tpu.memory_space<hbm>>
        %dma_start3A_33 = tpu.memref_slice %arg5[%add3A_13] : memref<320000xi32, #tpu.memory_space<hbm>> -> memref<80xi32, #tpu.memory_space<hbm>>
        tpu.enqueue_dma source(%dma_start3A_33 : memref<80xi32, #tpu.memory_space<hbm>>) target(%arg8 : memref<80xi32, #tpu.memory_space<vmem>>) target_semaphore(%run_scoped3A : memref<!tpu.dma_semaphore, #tpu.memory_space<semaphore_mem>>)
        %dma_wait3A_34 = tpu.memref_slice %arg5[%add3A_13] : memref<320000xi32, #tpu.memory_space<hbm>> -> memref<80xi32, #tpu.memory_space<hbm>>
        %dma_wait3A_35 = tpu.memref_slice %arg5[%add3A_13] : memref<320000xi32, #tpu.memory_space<hbm>> -> memref<80xi32, #tpu.memory_space<hbm>>
        tpu.wait_dma2 semaphore(%run_scoped3A : memref<!tpu.dma_semaphore, #tpu.memory_space<semaphore_mem>>) src(%dma_wait3A_35 : memref<80xi32, #tpu.memory_space<hbm>>) dst(%arg8 : memref<80xi32, #tpu.memory_space<vmem>>)
        tpu.yield
      }) : () -> ()
      %dma_start3A = arith.constant 0 : i32
      %dma_start3A_14 = arith.constant 0 : i32
      %dma_start3A_15 = tpu.memref_slice %arg2[%dma_start3A, %dma_start3A_14] : memref<10000x128xf32, #tpu.memory_space<hbm>> -> memref<10000x128xf32, #tpu.memory_space<hbm>>
      tpu.enqueue_indirect_dma source(%dma_start3A_15 : memref<10000x128xf32, #tpu.memory_space<hbm>>) target(%arg9 : memref<80x128xf32, #tpu.memory_space<vmem>>) offsets(%arg7 : memref<80xi32, #tpu.memory_space<vmem>>) semaphore(%arg12 : memref<!tpu.dma_semaphore, #tpu.memory_space<semaphore_mem>>)
      %dma_start3A_16 = arith.constant 0 : i32
      %dma_start3A_17 = arith.constant 0 : i32
      %dma_start3A_18 = tpu.memref_slice %arg3[%dma_start3A_16, %dma_start3A_17] : memref<10000x128xf32, #tpu.memory_space<hbm>> -> memref<10000x128xf32, #tpu.memory_space<hbm>>
      tpu.enqueue_indirect_dma source(%dma_start3A_18 : memref<10000x128xf32, #tpu.memory_space<hbm>>) target(%arg10 : memref<80x128xf32, #tpu.memory_space<vmem>>) offsets(%arg8 : memref<80xi32, #tpu.memory_space<vmem>>) semaphore(%arg13 : memref<!tpu.dma_semaphore, #tpu.memory_space<semaphore_mem>>)
      %dma_wait3A = arith.constant 0 : i32
      %dma_wait3A_19 = arith.constant 0 : i32
      %dma_wait3A_20 = tpu.memref_slice %arg2[%dma_wait3A, %dma_wait3A_19] : memref<10000x128xf32, #tpu.memory_space<hbm>> -> memref<10000x128xf32, #tpu.memory_space<hbm>>
      tpu.wait_indirect_dma semaphore(%arg12 : memref<!tpu.dma_semaphore, #tpu.memory_space<semaphore_mem>>) src(%dma_wait3A_20 : memref<10000x128xf32, #tpu.memory_space<hbm>>) dst(%arg9 : memref<80x128xf32, #tpu.memory_space<vmem>>)
      %dma_wait3A_21 = arith.constant 0 : i32
      %dma_wait3A_22 = arith.constant 0 : i32
      %dma_wait3A_23 = tpu.memref_slice %arg3[%dma_wait3A_21, %dma_wait3A_22] : memref<10000x128xf32, #tpu.memory_space<hbm>> -> memref<10000x128xf32, #tpu.memory_space<hbm>>
      tpu.wait_indirect_dma semaphore(%arg13 : memref<!tpu.dma_semaphore, #tpu.memory_space<semaphore_mem>>) src(%dma_wait3A_23 : memref<10000x128xf32, #tpu.memory_space<hbm>>) dst(%arg10 : memref<80x128xf32, #tpu.memory_space<vmem>>)
      %scan3A_24 = arith.constant 0 : i32
      %scan3A_25 = arith.constant 0 : i32
      %scan3A_26 = arith.constant 80 : i32
      %scan3A_27 = arith.addi %scan3A_25, %scan3A_26 : i32
      %scan3A_28 = arith.constant 1 : i32
      %scan3A_29 = scf.for %scan3A_32 = %scan3A_25 to %scan3A_27 step %scan3A_28 iter_args(%scan3A_33 = %scan3A_24) -> (i32)  : i32 {
        %get3A = arith.index_cast %scan3A_32 : i32 to index
        %get3A_34 = arith.constant 0 : index
        %get3A_35 = tpu.vector_load %arg9[%get3A, %get3A_34] {strides = array<i32>} : memref<80x128xf32, #tpu.memory_space<vmem>>, vector<1x16xf32>,
        %get3A_36 = vector.shape_cast %get3A_35 : vector<1x16xf32> to vector<16xf32>
        %get3A_37 = arith.index_cast %scan3A_32 : i32 to index
        %get3A_38 = arith.constant 0 : index
        %get3A_39 = tpu.vector_load %arg10[%get3A_37, %get3A_38] {strides = array<i32>} : memref<80x128xf32, #tpu.memory_space<vmem>>, vector<1x16xf32>,
        %get3A_40 = vector.shape_cast %get3A_39 : vector<1x16xf32> to vector<16xf32>
        %add3A_41 = arith.addf %get3A_36, %get3A_40 : vector<16xf32>
        %get3A_42 = arith.index_cast %scan3A_32 : i32 to index
        %get3A_43 = arith.constant 64 : index
        %get3A_44 = tpu.vector_load %arg9[%get3A_42, %get3A_43] {strides = array<i32>} : memref<80x128xf32, #tpu.memory_space<vmem>>, vector<1x16xf32>,
        %get3A_45 = vector.shape_cast %get3A_44 : vector<1x16xf32> to vector<16xf32>
        %get3A_46 = arith.index_cast %scan3A_32 : i32 to index
        %get3A_47 = arith.constant 64 : index
        %get3A_48 = tpu.vector_load %arg10[%get3A_46, %get3A_47] {strides = array<i32>} : memref<80x128xf32, #tpu.memory_space<vmem>>, vector<1x16xf32>,
        %get3A_49 = vector.shape_cast %get3A_48 : vector<1x16xf32> to vector<16xf32>
        %add3A_50 = arith.addf %get3A_45, %get3A_49 : vector<16xf32>
        %abs3A = math.absf %add3A_41 : vector<16xf32>
        %neg3A = arith.constant 0.000000e+00 : f32
        %neg3A_51 = vector.broadcast %neg3A : f32 to vector<16xf32>
        %neg3A_52 = arith.subf %neg3A_51, %abs3A : vector<16xf32>
        %exp3A = math.exp %neg3A_52 : vector<16xf32>
        %add3A_53 = arith.constant 1.000000e+00 : f32
        %add3A_54 = vector.broadcast %add3A_53 : f32 to vector<16xf32>
        %add3A_55 = arith.addf %add3A_54, %exp3A : vector<16xf32>
        %div3A = arith.constant 1.000000e+00 : f32
        %div3A_56 = vector.broadcast %div3A : f32 to vector<16xf32>
        %div3A_57 = arith.divf %div3A_56, %add3A_55 : vector<16xf32>
        %ge3A = arith.constant 0.000000e+00 : f32
        %ge3A_58 = vector.broadcast %ge3A : f32 to vector<16xf32>
        %ge3A_59 = arith.cmpf oge, %add3A_41, %ge3A_58 : vector<16xf32>
        %sub3A = arith.constant 1.000000e+00 : f32
        %sub3A_60 = vector.broadcast %sub3A : f32 to vector<16xf32>
        %sub3A_61 = arith.subf %sub3A_60, %div3A_57 : vector<16xf32>
        %select_n3A = arith.select %ge3A_59, %div3A_57, %sub3A_61 : vector<16xi1>, vector<16xf32>
        %abs3A_62 = math.absf %add3A_50 : vector<16xf32>
        %neg3A_63 = arith.constant 0.000000e+00 : f32
        %neg3A_64 = vector.broadcast %neg3A_63 : f32 to vector<16xf32>
        %neg3A_65 = arith.subf %neg3A_64, %abs3A_62 : vector<16xf32>
        %exp3A_66 = math.exp %neg3A_65 : vector<16xf32>
        %broadcast_in_dim3A = arith.constant -0.018337924 : f32
        %broadcast_in_dim3A_67 = vector.broadcast %broadcast_in_dim3A : f32 to vector<16xf32>
        %mul3A_68 = arith.mulf %broadcast_in_dim3A_67, %exp3A_66 : vector<16xf32>
        %add3A_69 = arith.constant 0.0855674818 : f32
        %add3A_70 = vector.broadcast %add3A_69 : f32 to vector<16xf32>
        %add3A_71 = arith.addf %mul3A_68, %add3A_70 : vector<16xf32>
        %mul3A_72 = arith.mulf %add3A_71, %exp3A_66 : vector<16xf32>
        %add3A_73 = arith.constant -0.193758741 : f32
        %add3A_74 = vector.broadcast %add3A_73 : f32 to vector<16xf32>
        %add3A_75 = arith.addf %mul3A_72, %add3A_74 : vector<16xf32>
        %mul3A_76 = arith.mulf %add3A_75, %exp3A_66 : vector<16xf32>
        %add3A_77 = arith.constant 0.317648292 : f32
        %add3A_78 = vector.broadcast %add3A_77 : f32 to vector<16xf32>
        %add3A_79 = arith.addf %mul3A_76, %add3A_78 : vector<16xf32>
        %mul3A_80 = arith.mulf %add3A_79, %exp3A_66 : vector<16xf32>
        %add3A_81 = arith.constant -4.978750e-01 : f32
        %add3A_82 = vector.broadcast %add3A_81 : f32 to vector<16xf32>
        %add3A_83 = arith.addf %mul3A_80, %add3A_82 : vector<16xf32>
        %mul3A_84 = arith.mulf %add3A_83, %exp3A_66 : vector<16xf32>
        %add3A_85 = arith.constant 0.999901652 : f32
        %add3A_86 = vector.broadcast %add3A_85 : f32 to vector<16xf32>
        %add3A_87 = arith.addf %mul3A_84, %add3A_86 : vector<16xf32>
        %max3A = arith.constant 0.000000e+00 : f32
        %max3A_88 = vector.broadcast %max3A : f32 to vector<16xf32>
        %max3A_89 = arith.maximumf %add3A_50, %max3A_88 : vector<16xf32>
        %mul3A_90 = arith.mulf %exp3A_66, %add3A_87 : vector<16xf32>
        %add3A_91 = arith.addf %max3A_89, %mul3A_90 : vector<16xf32>
        %mul3A_92 = arith.mulf %select_n3A, %add3A_91 : vector<16xf32>
        %swap3A = arith.index_cast %scan3A_32 : i32 to index
        %swap3A_93 = arith.constant 0 : index
        %swap3A_94 = tpu.vector_load %arg11[%swap3A, %swap3A_93] {strides = array<i32>} : memref<80x64xf32, #tpu.memory_space<vmem>>, vector<1x16xf32>,
        %swap3A_95 = vector.shape_cast %swap3A_94 : vector<1x16xf32> to vector<16xf32>
        %swap3A_96 = vector.shape_cast %mul3A_92 : vector<16xf32> to vector<1x16xf32>
        tpu.vector_store %arg11[%swap3A, %swap3A_93], %swap3A_96 {strides = array<i32>} : memref<80x64xf32, #tpu.memory_space<vmem>>, vector<1x16xf32>,
        %get3A_97 = arith.index_cast %scan3A_32 : i32 to index
        %get3A_98 = arith.constant 16 : index
        %get3A_99 = tpu.vector_load %arg9[%get3A_97, %get3A_98] {strides = array<i32>} : memref<80x128xf32, #tpu.memory_space<vmem>>, vector<1x16xf32>,
        %get3A_100 = vector.shape_cast %get3A_99 : vector<1x16xf32> to vector<16xf32>
        %get3A_101 = arith.index_cast %scan3A_32 : i32 to index
        %get3A_102 = arith.constant 16 : index
        %get3A_103 = tpu.vector_load %arg10[%get3A_101, %get3A_102] {strides = array<i32>} : memref<80x128xf32, #tpu.memory_space<vmem>>, vector<1x16xf32>,
        %get3A_104 = vector.shape_cast %get3A_103 : vector<1x16xf32> to vector<16xf32>
        %add3A_105 = arith.addf %get3A_100, %get3A_104 : vector<16xf32>
        %get3A_106 = arith.index_cast %scan3A_32 : i32 to index
        %get3A_107 = arith.constant 80 : index
        %get3A_108 = tpu.vector_load %arg9[%get3A_106, %get3A_107] {strides = array<i32>} : memref<80x128xf32, #tpu.memory_space<vmem>>, vector<1x16xf32>,
        %get3A_109 = vector.shape_cast %get3A_108 : vector<1x16xf32> to vector<16xf32>
        %get3A_110 = arith.index_cast %scan3A_32 : i32 to index
        %get3A_111 = arith.constant 80 : index
        %get3A_112 = tpu.vector_load %arg10[%get3A_110, %get3A_111] {strides = array<i32>} : memref<80x128xf32, #tpu.memory_space<vmem>>, vector<1x16xf32>,
        %get3A_113 = vector.shape_cast %get3A_112 : vector<1x16xf32> to vector<16xf32>
        %add3A_114 = arith.addf %get3A_109, %get3A_113 : vector<16xf32>
        %abs3A_115 = math.absf %add3A_105 : vector<16xf32>
        %neg3A_116 = arith.constant 0.000000e+00 : f32
        %neg3A_117 = vector.broadcast %neg3A_116 : f32 to vector<16xf32>
        %neg3A_118 = arith.subf %neg3A_117, %abs3A_115 : vector<16xf32>
        %exp3A_119 = math.exp %neg3A_118 : vector<16xf32>
        %add3A_120 = arith.constant 1.000000e+00 : f32
        %add3A_121 = vector.broadcast %add3A_120 : f32 to vector<16xf32>
        %add3A_122 = arith.addf %add3A_121, %exp3A_119 : vector<16xf32>
        %div3A_123 = arith.constant 1.000000e+00 : f32
        %div3A_124 = vector.broadcast %div3A_123 : f32 to vector<16xf32>
        %div3A_125 = arith.divf %div3A_124, %add3A_122 : vector<16xf32>
        %ge3A_126 = arith.constant 0.000000e+00 : f32
        %ge3A_127 = vector.broadcast %ge3A_126 : f32 to vector<16xf32>
        %ge3A_128 = arith.cmpf oge, %add3A_105, %ge3A_127 : vector<16xf32>
        %sub3A_129 = arith.constant 1.000000e+00 : f32
        %sub3A_130 = vector.broadcast %sub3A_129 : f32 to vector<16xf32>
        %sub3A_131 = arith.subf %sub3A_130, %div3A_125 : vector<16xf32>
        %select_n3A_132 = arith.select %ge3A_128, %div3A_125, %sub3A_131 : vector<16xi1>, vector<16xf32>
        %abs3A_133 = math.absf %add3A_114 : vector<16xf32>
        %neg3A_134 = arith.constant 0.000000e+00 : f32
        %neg3A_135 = vector.broadcast %neg3A_134 : f32 to vector<16xf32>
        %neg3A_136 = arith.subf %neg3A_135, %abs3A_133 : vector<16xf32>
        %exp3A_137 = math.exp %neg3A_136 : vector<16xf32>
        %broadcast_in_dim3A_138 = arith.constant -0.018337924 : f32
        %broadcast_in_dim3A_139 = vector.broadcast %broadcast_in_dim3A_138 : f32 to vector<16xf32>
        %mul3A_140 = arith.mulf %broadcast_in_dim3A_139, %exp3A_137 : vector<16xf32>
        %add3A_141 = arith.constant 0.0855674818 : f32
        %add3A_142 = vector.broadcast %add3A_141 : f32 to vector<16xf32>
        %add3A_143 = arith.addf %mul3A_140, %add3A_142 : vector<16xf32>
        %mul3A_144 = arith.mulf %add3A_143, %exp3A_137 : vector<16xf32>
        %add3A_145 = arith.constant -0.193758741 : f32
        %add3A_146 = vector.broadcast %add3A_145 : f32 to vector<16xf32>
        %add3A_147 = arith.addf %mul3A_144, %add3A_146 : vector<16xf32>
        %mul3A_148 = arith.mulf %add3A_147, %exp3A_137 : vector<16xf32>
        %add3A_149 = arith.constant 0.317648292 : f32
        %add3A_150 = vector.broadcast %add3A_149 : f32 to vector<16xf32>
        %add3A_151 = arith.addf %mul3A_148, %add3A_150 : vector<16xf32>
        %mul3A_152 = arith.mulf %add3A_151, %exp3A_137 : vector<16xf32>
        %add3A_153 = arith.constant -4.978750e-01 : f32
        %add3A_154 = vector.broadcast %add3A_153 : f32 to vector<16xf32>
        %add3A_155 = arith.addf %mul3A_152, %add3A_154 : vector<16xf32>
        %mul3A_156 = arith.mulf %add3A_155, %exp3A_137 : vector<16xf32>
        %add3A_157 = arith.constant 0.999901652 : f32
        %add3A_158 = vector.broadcast %add3A_157 : f32 to vector<16xf32>
        %add3A_159 = arith.addf %mul3A_156, %add3A_158 : vector<16xf32>
        %max3A_160 = arith.constant 0.000000e+00 : f32
        %max3A_161 = vector.broadcast %max3A_160 : f32 to vector<16xf32>
        %max3A_162 = arith.maximumf %add3A_114, %max3A_161 : vector<16xf32>
        %mul3A_163 = arith.mulf %exp3A_137, %add3A_159 : vector<16xf32>
        %add3A_164 = arith.addf %max3A_162, %mul3A_163 : vector<16xf32>
        %mul3A_165 = arith.mulf %select_n3A_132, %add3A_164 : vector<16xf32>
        %swap3A_166 = arith.index_cast %scan3A_32 : i32 to index
        %swap3A_167 = arith.constant 16 : index
        %swap3A_168 = tpu.vector_load %arg11[%swap3A_166, %swap3A_167] {strides = array<i32>} : memref<80x64xf32, #tpu.memory_space<vmem>>, vector<1x16xf32>,
        %swap3A_169 = vector.shape_cast %swap3A_168 : vector<1x16xf32> to vector<16xf32>
        %swap3A_170 = vector.shape_cast %mul3A_165 : vector<16xf32> to vector<1x16xf32>
        tpu.vector_store %arg11[%swap3A_166, %swap3A_167], %swap3A_170 {strides = array<i32>} : memref<80x64xf32, #tpu.memory_space<vmem>>, vector<1x16xf32>,
        %get3A_171 = arith.index_cast %scan3A_32 : i32 to index
        %get3A_172 = arith.constant 32 : index
        %get3A_173 = tpu.vector_load %arg9[%get3A_171, %get3A_172] {strides = array<i32>} : memref<80x128xf32, #tpu.memory_space<vmem>>, vector<1x16xf32>,
        %get3A_174 = vector.shape_cast %get3A_173 : vector<1x16xf32> to vector<16xf32>
        %get3A_175 = arith.index_cast %scan3A_32 : i32 to index
        %get3A_176 = arith.constant 32 : index
        %get3A_177 = tpu.vector_load %arg10[%get3A_175, %get3A_176] {strides = array<i32>} : memref<80x128xf32, #tpu.memory_space<vmem>>, vector<1x16xf32>,
        %get3A_178 = vector.shape_cast %get3A_177 : vector<1x16xf32> to vector<16xf32>
        %add3A_179 = arith.addf %get3A_174, %get3A_178 : vector<16xf32>
        %get3A_180 = arith.index_cast %scan3A_32 : i32 to index
        %get3A_181 = arith.constant 96 : index
        %get3A_182 = tpu.vector_load %arg9[%get3A_180, %get3A_181] {strides = array<i32>} : memref<80x128xf32, #tpu.memory_space<vmem>>, vector<1x16xf32>,
        %get3A_183 = vector.shape_cast %get3A_182 : vector<1x16xf32> to vector<16xf32>
        %get3A_184 = arith.index_cast %scan3A_32 : i32 to index
        %get3A_185 = arith.constant 96 : index
        %get3A_186 = tpu.vector_load %arg10[%get3A_184, %get3A_185] {strides = array<i32>} : memref<80x128xf32, #tpu.memory_space<vmem>>, vector<1x16xf32>,
        %get3A_187 = vector.shape_cast %get3A_186 : vector<1x16xf32> to vector<16xf32>
        %add3A_188 = arith.addf %get3A_183, %get3A_187 : vector<16xf32>
        %abs3A_189 = math.absf %add3A_179 : vector<16xf32>
        %neg3A_190 = arith.constant 0.000000e+00 : f32
        %neg3A_191 = vector.broadcast %neg3A_190 : f32 to vector<16xf32>
        %neg3A_192 = arith.subf %neg3A_191, %abs3A_189 : vector<16xf32>
        %exp3A_193 = math.exp %neg3A_192 : vector<16xf32>
        %add3A_194 = arith.constant 1.000000e+00 : f32
        %add3A_195 = vector.broadcast %add3A_194 : f32 to vector<16xf32>
        %add3A_196 = arith.addf %add3A_195, %exp3A_193 : vector<16xf32>
        %div3A_197 = arith.constant 1.000000e+00 : f32
        %div3A_198 = vector.broadcast %div3A_197 : f32 to vector<16xf32>
        %div3A_199 = arith.divf %div3A_198, %add3A_196 : vector<16xf32>
        %ge3A_200 = arith.constant 0.000000e+00 : f32
        %ge3A_201 = vector.broadcast %ge3A_200 : f32 to vector<16xf32>
        %ge3A_202 = arith.cmpf oge, %add3A_179, %ge3A_201 : vector<16xf32>
        %sub3A_203 = arith.constant 1.000000e+00 : f32
        %sub3A_204 = vector.broadcast %sub3A_203 : f32 to vector<16xf32>
        %sub3A_205 = arith.subf %sub3A_204, %div3A_199 : vector<16xf32>
        %select_n3A_206 = arith.select %ge3A_202, %div3A_199, %sub3A_205 : vector<16xi1>, vector<16xf32>
        %abs3A_207 = math.absf %add3A_188 : vector<16xf32>
        %neg3A_208 = arith.constant 0.000000e+00 : f32
        %neg3A_209 = vector.broadcast %neg3A_208 : f32 to vector<16xf32>
        %neg3A_210 = arith.subf %neg3A_209, %abs3A_207 : vector<16xf32>
        %exp3A_211 = math.exp %neg3A_210 : vector<16xf32>
        %broadcast_in_dim3A_212 = arith.constant -0.018337924 : f32
        %broadcast_in_dim3A_213 = vector.broadcast %broadcast_in_dim3A_212 : f32 to vector<16xf32>
        %mul3A_214 = arith.mulf %broadcast_in_dim3A_213, %exp3A_211 : vector<16xf32>
        %add3A_215 = arith.constant 0.0855674818 : f32
        %add3A_216 = vector.broadcast %add3A_215 : f32 to vector<16xf32>
        %add3A_217 = arith.addf %mul3A_214, %add3A_216 : vector<16xf32>
        %mul3A_218 = arith.mulf %add3A_217, %exp3A_211 : vector<16xf32>
        %add3A_219 = arith.constant -0.193758741 : f32
        %add3A_220 = vector.broadcast %add3A_219 : f32 to vector<16xf32>
        %add3A_221 = arith.addf %mul3A_218, %add3A_220 : vector<16xf32>
        %mul3A_222 = arith.mulf %add3A_221, %exp3A_211 : vector<16xf32>
        %add3A_223 = arith.constant 0.317648292 : f32
        %add3A_224 = vector.broadcast %add3A_223 : f32 to vector<16xf32>
        %add3A_225 = arith.addf %mul3A_222, %add3A_224 : vector<16xf32>
        %mul3A_226 = arith.mulf %add3A_225, %exp3A_211 : vector<16xf32>
        %add3A_227 = arith.constant -4.978750e-01 : f32
        %add3A_228 = vector.broadcast %add3A_227 : f32 to vector<16xf32>
        %add3A_229 = arith.addf %mul3A_226, %add3A_228 : vector<16xf32>
        %mul3A_230 = arith.mulf %add3A_229, %exp3A_211 : vector<16xf32>
        %add3A_231 = arith.constant 0.999901652 : f32
        %add3A_232 = vector.broadcast %add3A_231 : f32 to vector<16xf32>
        %add3A_233 = arith.addf %mul3A_230, %add3A_232 : vector<16xf32>
        %max3A_234 = arith.constant 0.000000e+00 : f32
        %max3A_235 = vector.broadcast %max3A_234 : f32 to vector<16xf32>
        %max3A_236 = arith.maximumf %add3A_188, %max3A_235 : vector<16xf32>
        %mul3A_237 = arith.mulf %exp3A_211, %add3A_233 : vector<16xf32>
        %add3A_238 = arith.addf %max3A_236, %mul3A_237 : vector<16xf32>
        %mul3A_239 = arith.mulf %select_n3A_206, %add3A_238 : vector<16xf32>
        %swap3A_240 = arith.index_cast %scan3A_32 : i32 to index
        %swap3A_241 = arith.constant 32 : index
        %swap3A_242 = tpu.vector_load %arg11[%swap3A_240, %swap3A_241] {strides = array<i32>} : memref<80x64xf32, #tpu.memory_space<vmem>>, vector<1x16xf32>,
        %swap3A_243 = vector.shape_cast %swap3A_242 : vector<1x16xf32> to vector<16xf32>
        %swap3A_244 = vector.shape_cast %mul3A_239 : vector<16xf32> to vector<1x16xf32>
        tpu.vector_store %arg11[%swap3A_240, %swap3A_241], %swap3A_244 {strides = array<i32>} : memref<80x64xf32, #tpu.memory_space<vmem>>, vector<1x16xf32>,
        %get3A_245 = arith.index_cast %scan3A_32 : i32 to index
        %get3A_246 = arith.constant 48 : index
        %get3A_247 = tpu.vector_load %arg9[%get3A_245, %get3A_246] {strides = array<i32>} : memref<80x128xf32, #tpu.memory_space<vmem>>, vector<1x16xf32>,
        %get3A_248 = vector.shape_cast %get3A_247 : vector<1x16xf32> to vector<16xf32>
        %get3A_249 = arith.index_cast %scan3A_32 : i32 to index
        %get3A_250 = arith.constant 48 : index
        %get3A_251 = tpu.vector_load %arg10[%get3A_249, %get3A_250] {strides = array<i32>} : memref<80x128xf32, #tpu.memory_space<vmem>>, vector<1x16xf32>,
        %get3A_252 = vector.shape_cast %get3A_251 : vector<1x16xf32> to vector<16xf32>
        %add3A_253 = arith.addf %get3A_248, %get3A_252 : vector<16xf32>
        %get3A_254 = arith.index_cast %scan3A_32 : i32 to index
        %get3A_255 = arith.constant 112 : index
        %get3A_256 = tpu.vector_load %arg9[%get3A_254, %get3A_255] {strides = array<i32>} : memref<80x128xf32, #tpu.memory_space<vmem>>, vector<1x16xf32>,
        %get3A_257 = vector.shape_cast %get3A_256 : vector<1x16xf32> to vector<16xf32>
        %get3A_258 = arith.index_cast %scan3A_32 : i32 to index
        %get3A_259 = arith.constant 112 : index
        %get3A_260 = tpu.vector_load %arg10[%get3A_258, %get3A_259] {strides = array<i32>} : memref<80x128xf32, #tpu.memory_space<vmem>>, vector<1x16xf32>,
        %get3A_261 = vector.shape_cast %get3A_260 : vector<1x16xf32> to vector<16xf32>
        %add3A_262 = arith.addf %get3A_257, %get3A_261 : vector<16xf32>
        %abs3A_263 = math.absf %add3A_253 : vector<16xf32>
        %neg3A_264 = arith.constant 0.000000e+00 : f32
        %neg3A_265 = vector.broadcast %neg3A_264 : f32 to vector<16xf32>
        %neg3A_266 = arith.subf %neg3A_265, %abs3A_263 : vector<16xf32>
        %exp3A_267 = math.exp %neg3A_266 : vector<16xf32>
        %add3A_268 = arith.constant 1.000000e+00 : f32
        %add3A_269 = vector.broadcast %add3A_268 : f32 to vector<16xf32>
        %add3A_270 = arith.addf %add3A_269, %exp3A_267 : vector<16xf32>
        %div3A_271 = arith.constant 1.000000e+00 : f32
        %div3A_272 = vector.broadcast %div3A_271 : f32 to vector<16xf32>
        %div3A_273 = arith.divf %div3A_272, %add3A_270 : vector<16xf32>
        %ge3A_274 = arith.constant 0.000000e+00 : f32
        %ge3A_275 = vector.broadcast %ge3A_274 : f32 to vector<16xf32>
        %ge3A_276 = arith.cmpf oge, %add3A_253, %ge3A_275 : vector<16xf32>
        %sub3A_277 = arith.constant 1.000000e+00 : f32
        %sub3A_278 = vector.broadcast %sub3A_277 : f32 to vector<16xf32>
        %sub3A_279 = arith.subf %sub3A_278, %div3A_273 : vector<16xf32>
        %select_n3A_280 = arith.select %ge3A_276, %div3A_273, %sub3A_279 : vector<16xi1>, vector<16xf32>
        %abs3A_281 = math.absf %add3A_262 : vector<16xf32>
        %neg3A_282 = arith.constant 0.000000e+00 : f32
        %neg3A_283 = vector.broadcast %neg3A_282 : f32 to vector<16xf32>
        %neg3A_284 = arith.subf %neg3A_283, %abs3A_281 : vector<16xf32>
        %exp3A_285 = math.exp %neg3A_284 : vector<16xf32>
        %broadcast_in_dim3A_286 = arith.constant -0.018337924 : f32
        %broadcast_in_dim3A_287 = vector.broadcast %broadcast_in_dim3A_286 : f32 to vector<16xf32>
        %mul3A_288 = arith.mulf %broadcast_in_dim3A_287, %exp3A_285 : vector<16xf32>
        %add3A_289 = arith.constant 0.0855674818 : f32
        %add3A_290 = vector.broadcast %add3A_289 : f32 to vector<16xf32>
        %add3A_291 = arith.addf %mul3A_288, %add3A_290 : vector<16xf32>
        %mul3A_292 = arith.mulf %add3A_291, %exp3A_285 : vector<16xf32>
        %add3A_293 = arith.constant -0.193758741 : f32
        %add3A_294 = vector.broadcast %add3A_293 : f32 to vector<16xf32>
        %add3A_295 = arith.addf %mul3A_292, %add3A_294 : vector<16xf32>
        %mul3A_296 = arith.mulf %add3A_295, %exp3A_285 : vector<16xf32>
        %add3A_297 = arith.constant 0.317648292 : f32
        %add3A_298 = vector.broadcast %add3A_297 : f32 to vector<16xf32>
        %add3A_299 = arith.addf %mul3A_296, %add3A_298 : vector<16xf32>
        %mul3A_300 = arith.mulf %add3A_299, %exp3A_285 : vector<16xf32>
        %add3A_301 = arith.constant -4.978750e-01 : f32
        %add3A_302 = vector.broadcast %add3A_301 : f32 to vector<16xf32>
        %add3A_303 = arith.addf %mul3A_300, %add3A_302 : vector<16xf32>
        %mul3A_304 = arith.mulf %add3A_303, %exp3A_285 : vector<16xf32>
        %add3A_305 = arith.constant 0.999901652 : f32
        %add3A_306 = vector.broadcast %add3A_305 : f32 to vector<16xf32>
        %add3A_307 = arith.addf %mul3A_304, %add3A_306 : vector<16xf32>
        %max3A_308 = arith.constant 0.000000e+00 : f32
        %max3A_309 = vector.broadcast %max3A_308 : f32 to vector<16xf32>
        %max3A_310 = arith.maximumf %add3A_262, %max3A_309 : vector<16xf32>
        %mul3A_311 = arith.mulf %exp3A_285, %add3A_307 : vector<16xf32>
        %add3A_312 = arith.addf %max3A_310, %mul3A_311 : vector<16xf32>
        %mul3A_313 = arith.mulf %select_n3A_280, %add3A_312 : vector<16xf32>
        %swap3A_314 = arith.index_cast %scan3A_32 : i32 to index
        %swap3A_315 = arith.constant 48 : index
        %swap3A_316 = tpu.vector_load %arg11[%swap3A_314, %swap3A_315] {strides = array<i32>} : memref<80x64xf32, #tpu.memory_space<vmem>>, vector<1x16xf32>,
        %swap3A_317 = vector.shape_cast %swap3A_316 : vector<1x16xf32> to vector<16xf32>
        %swap3A_318 = vector.shape_cast %mul3A_313 : vector<16xf32> to vector<1x16xf32>
        tpu.vector_store %arg11[%swap3A_314, %swap3A_315], %swap3A_318 {strides = array<i32>} : memref<80x64xf32, #tpu.memory_space<vmem>>, vector<1x16xf32>,
        %scan3A_319 = arith.constant 0 : i32
        scf.yield %scan3A_319 : i32
      }
      %scan3A_30 = arith.constant 80 : i32
      "tpu.region"() ({
        %run_scoped3A = tpu.sem_alloc : memref<!tpu.dma_semaphore, #tpu.memory_space<semaphore_mem>>
        %dma_start3A_32 = arith.constant 0 : i32
        %dma_start3A_33 = tpu.memref_slice %arg6[%add3A_13, %dma_start3A_32] : memref<320000x64xf32, #tpu.memory_space<hbm>> -> memref<80x64xf32, #tpu.memory_space<hbm>>
        %dma_start3A_34 = arith.constant 0 : i32
        %dma_start3A_35 = tpu.memref_slice %arg6[%add3A_13, %dma_start3A_34] : memref<320000x64xf32, #tpu.memory_space<hbm>> -> memref<80x64xf32, #tpu.memory_space<hbm>>
        tpu.enqueue_dma source(%arg11 : memref<80x64xf32, #tpu.memory_space<vmem>>) target(%dma_start3A_35 : memref<80x64xf32, #tpu.memory_space<hbm>>) target_semaphore(%run_scoped3A : memref<!tpu.dma_semaphore, #tpu.memory_space<semaphore_mem>>)
        %dma_wait3A_36 = arith.constant 0 : i32
        %dma_wait3A_37 = tpu.memref_slice %arg6[%add3A_13, %dma_wait3A_36] : memref<320000x64xf32, #tpu.memory_space<hbm>> -> memref<80x64xf32, #tpu.memory_space<hbm>>
        %dma_wait3A_38 = arith.constant 0 : i32
        %dma_wait3A_39 = tpu.memref_slice %arg6[%add3A_13, %dma_wait3A_38] : memref<320000x64xf32, #tpu.memory_space<hbm>> -> memref<80x64xf32, #tpu.memory_space<hbm>>
        tpu.wait_dma2 semaphore(%run_scoped3A : memref<!tpu.dma_semaphore, #tpu.memory_space<semaphore_mem>>) src(%arg11 : memref<80x64xf32, #tpu.memory_space<vmem>>) dst(%dma_wait3A_39 : memref<80x64xf32, #tpu.memory_space<hbm>>)
        tpu.yield
      }) : () -> ()
      %scan3A_31 = arith.constant 0 : i32
      scf.yield %scan3A_31 : i32
    }
    %scan3A_6 = arith.constant 125 : i32
    return
  }
}

#map = affine_map<(d0, d1) -> (0, 0)>
#map1 = affine_map<(d0, d1) -> (0)>
module attributes {stable_mosaic.version = 14 : i64} {
  func.func @_edge_body(%arg0: i32, %arg1: i32, %arg2: memref<10000x128xf32, #tpu.memory_space<hbm>>, %arg3: memref<10000x128xf32, #tpu.memory_space<hbm>>, %arg4: memref<320000xi32, #tpu.memory_space<hbm>>, %arg5: memref<320000xi32, #tpu.memory_space<hbm>>, %arg6: memref<320000x64xf32, #tpu.memory_space<hbm>>, %arg7: memref<80xi32, #tpu.memory_space<vmem>>, %arg8: memref<80xi32, #tpu.memory_space<vmem>>, %arg9: memref<80x128xf32, #tpu.memory_space<vmem>>, %arg10: memref<80x128xf32, #tpu.memory_space<vmem>>, %arg11: memref<80x64xf32, #tpu.memory_space<vmem>>, %arg12: memref<!tpu.dma_semaphore, #tpu.memory_space<semaphore_mem>>, %arg13: memref<!tpu.dma_semaphore, #tpu.memory_space<semaphore_mem>>) attributes {dimension_semantics = [#tpu.dimension_semantics<core_parallel>, #tpu.dimension_semantics<subcore_parallel>], iteration_bounds = array<i64: 2, 16>, scalar_prefetch = 0 : i64, scratch_operands = 7 : i64, tpu.core_type = #tpu.core_type<sc_vector_subcore>, window_params = [{transform_indices = #map}, {transform_indices = #map}, {transform_indices = #map1}, {transform_indices = #map1}, {transform_indices = #map}]} {
    %mul3A = arith.constant 16 : i32
    %mul3A_0 = arith.muli %arg0, %mul3A : i32
    %add3A = arith.addi %mul3A_0, %arg1 : i32
    %scan3A = arith.constant 0 : i32
    %scan3A_1 = arith.constant 0 : i32
    %scan3A_2 = arith.constant 125 : i32
    %scan3A_3 = arith.addi %scan3A_1, %scan3A_2 : i32
    %scan3A_4 = arith.constant 1 : i32
    %scan3A_5 = scf.for %scan3A_7 = %scan3A_1 to %scan3A_3 step %scan3A_4 iter_args(%scan3A_8 = %scan3A) -> (i32)  : i32 {
      %mul3A_9 = arith.constant 10000 : i32
      %mul3A_10 = arith.muli %add3A, %mul3A_9 : i32
      %mul3A_11 = arith.constant 80 : i32
      %mul3A_12 = arith.muli %scan3A_7, %mul3A_11 : i32
      %add3A_13 = arith.addi %mul3A_10, %mul3A_12 : i32
      "tpu.region"() ({
        %run_scoped3A = tpu.sem_alloc : memref<!tpu.dma_semaphore, #tpu.memory_space<semaphore_mem>>
        %dma_start3A_32 = tpu.memref_slice %arg4[%add3A_13] : memref<320000xi32, #tpu.memory_space<hbm>> -> memref<80xi32, #tpu.memory_space<hbm>>
        %dma_start3A_33 = tpu.memref_slice %arg4[%add3A_13] : memref<320000xi32, #tpu.memory_space<hbm>> -> memref<80xi32, #tpu.memory_space<hbm>>
        tpu.enqueue_dma source(%dma_start3A_33 : memref<80xi32, #tpu.memory_space<hbm>>) target(%arg7 : memref<80xi32, #tpu.memory_space<vmem>>) target_semaphore(%run_scoped3A : memref<!tpu.dma_semaphore, #tpu.memory_space<semaphore_mem>>)
        %dma_wait3A_34 = tpu.memref_slice %arg4[%add3A_13] : memref<320000xi32, #tpu.memory_space<hbm>> -> memref<80xi32, #tpu.memory_space<hbm>>
        %dma_wait3A_35 = tpu.memref_slice %arg4[%add3A_13] : memref<320000xi32, #tpu.memory_space<hbm>> -> memref<80xi32, #tpu.memory_space<hbm>>
        tpu.wait_dma2 semaphore(%run_scoped3A : memref<!tpu.dma_semaphore, #tpu.memory_space<semaphore_mem>>) src(%dma_wait3A_35 : memref<80xi32, #tpu.memory_space<hbm>>) dst(%arg7 : memref<80xi32, #tpu.memory_space<vmem>>)
        tpu.yield
      }) : () -> ()
      "tpu.region"() ({
        %run_scoped3A = tpu.sem_alloc : memref<!tpu.dma_semaphore, #tpu.memory_space<semaphore_mem>>
        %dma_start3A_32 = tpu.memref_slice %arg5[%add3A_13] : memref<320000xi32, #tpu.memory_space<hbm>> -> memref<80xi32, #tpu.memory_space<hbm>>
        %dma_start3A_33 = tpu.memref_slice %arg5[%add3A_13] : memref<320000xi32, #tpu.memory_space<hbm>> -> memref<80xi32, #tpu.memory_space<hbm>>
        tpu.enqueue_dma source(%dma_start3A_33 : memref<80xi32, #tpu.memory_space<hbm>>) target(%arg8 : memref<80xi32, #tpu.memory_space<vmem>>) target_semaphore(%run_scoped3A : memref<!tpu.dma_semaphore, #tpu.memory_space<semaphore_mem>>)
        %dma_wait3A_34 = tpu.memref_slice %arg5[%add3A_13] : memref<320000xi32, #tpu.memory_space<hbm>> -> memref<80xi32, #tpu.memory_space<hbm>>
        %dma_wait3A_35 = tpu.memref_slice %arg5[%add3A_13] : memref<320000xi32, #tpu.memory_space<hbm>> -> memref<80xi32, #tpu.memory_space<hbm>>
        tpu.wait_dma2 semaphore(%run_scoped3A : memref<!tpu.dma_semaphore, #tpu.memory_space<semaphore_mem>>) src(%dma_wait3A_35 : memref<80xi32, #tpu.memory_space<hbm>>) dst(%arg8 : memref<80xi32, #tpu.memory_space<vmem>>)
        tpu.yield
      }) : () -> ()
      %dma_start3A = arith.constant 0 : i32
      %dma_start3A_14 = arith.constant 0 : i32
      %dma_start3A_15 = tpu.memref_slice %arg2[%dma_start3A, %dma_start3A_14] : memref<10000x128xf32, #tpu.memory_space<hbm>> -> memref<10000x128xf32, #tpu.memory_space<hbm>>
      tpu.enqueue_indirect_dma source(%dma_start3A_15 : memref<10000x128xf32, #tpu.memory_space<hbm>>) target(%arg9 : memref<80x128xf32, #tpu.memory_space<vmem>>) offsets(%arg7 : memref<80xi32, #tpu.memory_space<vmem>>) semaphore(%arg12 : memref<!tpu.dma_semaphore, #tpu.memory_space<semaphore_mem>>)
      %dma_start3A_16 = arith.constant 0 : i32
      %dma_start3A_17 = arith.constant 0 : i32
      %dma_start3A_18 = tpu.memref_slice %arg3[%dma_start3A_16, %dma_start3A_17] : memref<10000x128xf32, #tpu.memory_space<hbm>> -> memref<10000x128xf32, #tpu.memory_space<hbm>>
      tpu.enqueue_indirect_dma source(%dma_start3A_18 : memref<10000x128xf32, #tpu.memory_space<hbm>>) target(%arg10 : memref<80x128xf32, #tpu.memory_space<vmem>>) offsets(%arg8 : memref<80xi32, #tpu.memory_space<vmem>>) semaphore(%arg13 : memref<!tpu.dma_semaphore, #tpu.memory_space<semaphore_mem>>)
      %dma_wait3A = arith.constant 0 : i32
      %dma_wait3A_19 = arith.constant 0 : i32
      %dma_wait3A_20 = tpu.memref_slice %arg2[%dma_wait3A, %dma_wait3A_19] : memref<10000x128xf32, #tpu.memory_space<hbm>> -> memref<10000x128xf32, #tpu.memory_space<hbm>>
      tpu.wait_indirect_dma semaphore(%arg12 : memref<!tpu.dma_semaphore, #tpu.memory_space<semaphore_mem>>) src(%dma_wait3A_20 : memref<10000x128xf32, #tpu.memory_space<hbm>>) dst(%arg9 : memref<80x128xf32, #tpu.memory_space<vmem>>)
      %dma_wait3A_21 = arith.constant 0 : i32
      %dma_wait3A_22 = arith.constant 0 : i32
      %dma_wait3A_23 = tpu.memref_slice %arg3[%dma_wait3A_21, %dma_wait3A_22] : memref<10000x128xf32, #tpu.memory_space<hbm>> -> memref<10000x128xf32, #tpu.memory_space<hbm>>
      tpu.wait_indirect_dma semaphore(%arg13 : memref<!tpu.dma_semaphore, #tpu.memory_space<semaphore_mem>>) src(%dma_wait3A_23 : memref<10000x128xf32, #tpu.memory_space<hbm>>) dst(%arg10 : memref<80x128xf32, #tpu.memory_space<vmem>>)
      %scan3A_24 = arith.constant 0 : i32
      %scan3A_25 = arith.constant 0 : i32
      %scan3A_26 = arith.constant 80 : i32
      %scan3A_27 = arith.addi %scan3A_25, %scan3A_26 : i32
      %scan3A_28 = arith.constant 1 : i32
      %scan3A_29 = scf.for %scan3A_32 = %scan3A_25 to %scan3A_27 step %scan3A_28 iter_args(%scan3A_33 = %scan3A_24) -> (i32)  : i32 {
        %get3A = arith.index_cast %scan3A_32 : i32 to index
        %get3A_34 = arith.constant 0 : index
        %get3A_35 = tpu.vector_load %arg9[%get3A, %get3A_34] {strides = array<i32>} : memref<80x128xf32, #tpu.memory_space<vmem>>, vector<1x16xf32>,
        %get3A_36 = vector.shape_cast %get3A_35 : vector<1x16xf32> to vector<16xf32>
        %get3A_37 = arith.index_cast %scan3A_32 : i32 to index
        %get3A_38 = arith.constant 0 : index
        %get3A_39 = tpu.vector_load %arg10[%get3A_37, %get3A_38] {strides = array<i32>} : memref<80x128xf32, #tpu.memory_space<vmem>>, vector<1x16xf32>,
        %get3A_40 = vector.shape_cast %get3A_39 : vector<1x16xf32> to vector<16xf32>
        %add3A_41 = arith.addf %get3A_36, %get3A_40 : vector<16xf32>
        %get3A_42 = arith.index_cast %scan3A_32 : i32 to index
        %get3A_43 = arith.constant 64 : index
        %get3A_44 = tpu.vector_load %arg9[%get3A_42, %get3A_43] {strides = array<i32>} : memref<80x128xf32, #tpu.memory_space<vmem>>, vector<1x16xf32>,
        %get3A_45 = vector.shape_cast %get3A_44 : vector<1x16xf32> to vector<16xf32>
        %get3A_46 = arith.index_cast %scan3A_32 : i32 to index
        %get3A_47 = arith.constant 64 : index
        %get3A_48 = tpu.vector_load %arg10[%get3A_46, %get3A_47] {strides = array<i32>} : memref<80x128xf32, #tpu.memory_space<vmem>>, vector<1x16xf32>,
        %get3A_49 = vector.shape_cast %get3A_48 : vector<1x16xf32> to vector<16xf32>
        %add3A_50 = arith.addf %get3A_45, %get3A_49 : vector<16xf32>
        %abs3A = math.absf %add3A_41 : vector<16xf32>
        %neg3A = arith.constant 0.000000e+00 : f32
        %neg3A_51 = vector.broadcast %neg3A : f32 to vector<16xf32>
        %neg3A_52 = arith.subf %neg3A_51, %abs3A : vector<16xf32>
        %exp3A = math.exp %neg3A_52 : vector<16xf32>
        %add3A_53 = arith.constant 1.000000e+00 : f32
        %add3A_54 = vector.broadcast %add3A_53 : f32 to vector<16xf32>
        %add3A_55 = arith.addf %add3A_54, %exp3A : vector<16xf32>
        %div3A = arith.constant 1.000000e+00 : f32
        %div3A_56 = vector.broadcast %div3A : f32 to vector<16xf32>
        %div3A_57 = arith.divf %div3A_56, %add3A_55 : vector<16xf32>
        %ge3A = arith.constant 0.000000e+00 : f32
        %ge3A_58 = vector.broadcast %ge3A : f32 to vector<16xf32>
        %ge3A_59 = arith.cmpf oge, %add3A_41, %ge3A_58 : vector<16xf32>
        %sub3A = arith.constant 1.000000e+00 : f32
        %sub3A_60 = vector.broadcast %sub3A : f32 to vector<16xf32>
        %sub3A_61 = arith.subf %sub3A_60, %div3A_57 : vector<16xf32>
        %select_n3A = arith.select %ge3A_59, %div3A_57, %sub3A_61 : vector<16xi1>, vector<16xf32>
        %abs3A_62 = math.absf %add3A_50 : vector<16xf32>
        %neg3A_63 = arith.constant 0.000000e+00 : f32
        %neg3A_64 = vector.broadcast %neg3A_63 : f32 to vector<16xf32>
        %neg3A_65 = arith.subf %neg3A_64, %abs3A_62 : vector<16xf32>
        %exp3A_66 = math.exp %neg3A_65 : vector<16xf32>
        %broadcast_in_dim3A = arith.constant -0.018337924 : f32
        %broadcast_in_dim3A_67 = vector.broadcast %broadcast_in_dim3A : f32 to vector<16xf32>
        %mul3A_68 = arith.mulf %broadcast_in_dim3A_67, %exp3A_66 : vector<16xf32>
        %add3A_69 = arith.constant 0.0855674818 : f32
        %add3A_70 = vector.broadcast %add3A_69 : f32 to vector<16xf32>
        %add3A_71 = arith.addf %mul3A_68, %add3A_70 : vector<16xf32>
        %mul3A_72 = arith.mulf %add3A_71, %exp3A_66 : vector<16xf32>
        %add3A_73 = arith.constant -0.193758741 : f32
        %add3A_74 = vector.broadcast %add3A_73 : f32 to vector<16xf32>
        %add3A_75 = arith.addf %mul3A_72, %add3A_74 : vector<16xf32>
        %mul3A_76 = arith.mulf %add3A_75, %exp3A_66 : vector<16xf32>
        %add3A_77 = arith.constant 0.317648292 : f32
        %add3A_78 = vector.broadcast %add3A_77 : f32 to vector<16xf32>
        %add3A_79 = arith.addf %mul3A_76, %add3A_78 : vector<16xf32>
        %mul3A_80 = arith.mulf %add3A_79, %exp3A_66 : vector<16xf32>
        %add3A_81 = arith.constant -4.978750e-01 : f32
        %add3A_82 = vector.broadcast %add3A_81 : f32 to vector<16xf32>
        %add3A_83 = arith.addf %mul3A_80, %add3A_82 : vector<16xf32>
        %mul3A_84 = arith.mulf %add3A_83, %exp3A_66 : vector<16xf32>
        %add3A_85 = arith.constant 0.999901652 : f32
        %add3A_86 = vector.broadcast %add3A_85 : f32 to vector<16xf32>
        %add3A_87 = arith.addf %mul3A_84, %add3A_86 : vector<16xf32>
        %max3A = arith.constant 0.000000e+00 : f32
        %max3A_88 = vector.broadcast %max3A : f32 to vector<16xf32>
        %max3A_89 = arith.maximumf %add3A_50, %max3A_88 : vector<16xf32>
        %mul3A_90 = arith.mulf %exp3A_66, %add3A_87 : vector<16xf32>
        %add3A_91 = arith.addf %max3A_89, %mul3A_90 : vector<16xf32>
        %mul3A_92 = arith.mulf %select_n3A, %add3A_91 : vector<16xf32>
        %swap3A = arith.index_cast %scan3A_32 : i32 to index
        %swap3A_93 = arith.constant 0 : index
        %swap3A_94 = tpu.vector_load %arg11[%swap3A, %swap3A_93] {strides = array<i32>} : memref<80x64xf32, #tpu.memory_space<vmem>>, vector<1x16xf32>,
        %swap3A_95 = vector.shape_cast %swap3A_94 : vector<1x16xf32> to vector<16xf32>
        %swap3A_96 = vector.shape_cast %mul3A_92 : vector<16xf32> to vector<1x16xf32>
        tpu.vector_store %arg11[%swap3A, %swap3A_93], %swap3A_96 {strides = array<i32>} : memref<80x64xf32, #tpu.memory_space<vmem>>, vector<1x16xf32>,
        %get3A_97 = arith.index_cast %scan3A_32 : i32 to index
        %get3A_98 = arith.constant 16 : index
        %get3A_99 = tpu.vector_load %arg9[%get3A_97, %get3A_98] {strides = array<i32>} : memref<80x128xf32, #tpu.memory_space<vmem>>, vector<1x16xf32>,
        %get3A_100 = vector.shape_cast %get3A_99 : vector<1x16xf32> to vector<16xf32>
        %get3A_101 = arith.index_cast %scan3A_32 : i32 to index
        %get3A_102 = arith.constant 16 : index
        %get3A_103 = tpu.vector_load %arg10[%get3A_101, %get3A_102] {strides = array<i32>} : memref<80x128xf32, #tpu.memory_space<vmem>>, vector<1x16xf32>,
        %get3A_104 = vector.shape_cast %get3A_103 : vector<1x16xf32> to vector<16xf32>
        %add3A_105 = arith.addf %get3A_100, %get3A_104 : vector<16xf32>
        %get3A_106 = arith.index_cast %scan3A_32 : i32 to index
        %get3A_107 = arith.constant 80 : index
        %get3A_108 = tpu.vector_load %arg9[%get3A_106, %get3A_107] {strides = array<i32>} : memref<80x128xf32, #tpu.memory_space<vmem>>, vector<1x16xf32>,
        %get3A_109 = vector.shape_cast %get3A_108 : vector<1x16xf32> to vector<16xf32>
        %get3A_110 = arith.index_cast %scan3A_32 : i32 to index
        %get3A_111 = arith.constant 80 : index
        %get3A_112 = tpu.vector_load %arg10[%get3A_110, %get3A_111] {strides = array<i32>} : memref<80x128xf32, #tpu.memory_space<vmem>>, vector<1x16xf32>,
        %get3A_113 = vector.shape_cast %get3A_112 : vector<1x16xf32> to vector<16xf32>
        %add3A_114 = arith.addf %get3A_109, %get3A_113 : vector<16xf32>
        %abs3A_115 = math.absf %add3A_105 : vector<16xf32>
        %neg3A_116 = arith.constant 0.000000e+00 : f32
        %neg3A_117 = vector.broadcast %neg3A_116 : f32 to vector<16xf32>
        %neg3A_118 = arith.subf %neg3A_117, %abs3A_115 : vector<16xf32>
        %exp3A_119 = math.exp %neg3A_118 : vector<16xf32>
        %add3A_120 = arith.constant 1.000000e+00 : f32
        %add3A_121 = vector.broadcast %add3A_120 : f32 to vector<16xf32>
        %add3A_122 = arith.addf %add3A_121, %exp3A_119 : vector<16xf32>
        %div3A_123 = arith.constant 1.000000e+00 : f32
        %div3A_124 = vector.broadcast %div3A_123 : f32 to vector<16xf32>
        %div3A_125 = arith.divf %div3A_124, %add3A_122 : vector<16xf32>
        %ge3A_126 = arith.constant 0.000000e+00 : f32
        %ge3A_127 = vector.broadcast %ge3A_126 : f32 to vector<16xf32>
        %ge3A_128 = arith.cmpf oge, %add3A_105, %ge3A_127 : vector<16xf32>
        %sub3A_129 = arith.constant 1.000000e+00 : f32
        %sub3A_130 = vector.broadcast %sub3A_129 : f32 to vector<16xf32>
        %sub3A_131 = arith.subf %sub3A_130, %div3A_125 : vector<16xf32>
        %select_n3A_132 = arith.select %ge3A_128, %div3A_125, %sub3A_131 : vector<16xi1>, vector<16xf32>
        %abs3A_133 = math.absf %add3A_114 : vector<16xf32>
        %neg3A_134 = arith.constant 0.000000e+00 : f32
        %neg3A_135 = vector.broadcast %neg3A_134 : f32 to vector<16xf32>
        %neg3A_136 = arith.subf %neg3A_135, %abs3A_133 : vector<16xf32>
        %exp3A_137 = math.exp %neg3A_136 : vector<16xf32>
        %broadcast_in_dim3A_138 = arith.constant -0.018337924 : f32
        %broadcast_in_dim3A_139 = vector.broadcast %broadcast_in_dim3A_138 : f32 to vector<16xf32>
        %mul3A_140 = arith.mulf %broadcast_in_dim3A_139, %exp3A_137 : vector<16xf32>
        %add3A_141 = arith.constant 0.0855674818 : f32
        %add3A_142 = vector.broadcast %add3A_141 : f32 to vector<16xf32>
        %add3A_143 = arith.addf %mul3A_140, %add3A_142 : vector<16xf32>
        %mul3A_144 = arith.mulf %add3A_143, %exp3A_137 : vector<16xf32>
        %add3A_145 = arith.constant -0.193758741 : f32
        %add3A_146 = vector.broadcast %add3A_145 : f32 to vector<16xf32>
        %add3A_147 = arith.addf %mul3A_144, %add3A_146 : vector<16xf32>
        %mul3A_148 = arith.mulf %add3A_147, %exp3A_137 : vector<16xf32>
        %add3A_149 = arith.constant 0.317648292 : f32
        %add3A_150 = vector.broadcast %add3A_149 : f32 to vector<16xf32>
        %add3A_151 = arith.addf %mul3A_148, %add3A_150 : vector<16xf32>
        %mul3A_152 = arith.mulf %add3A_151, %exp3A_137 : vector<16xf32>
        %add3A_153 = arith.constant -4.978750e-01 : f32
        %add3A_154 = vector.broadcast %add3A_153 : f32 to vector<16xf32>
        %add3A_155 = arith.addf %mul3A_152, %add3A_154 : vector<16xf32>
        %mul3A_156 = arith.mulf %add3A_155, %exp3A_137 : vector<16xf32>
        %add3A_157 = arith.constant 0.999901652 : f32
        %add3A_158 = vector.broadcast %add3A_157 : f32 to vector<16xf32>
        %add3A_159 = arith.addf %mul3A_156, %add3A_158 : vector<16xf32>
        %max3A_160 = arith.constant 0.000000e+00 : f32
        %max3A_161 = vector.broadcast %max3A_160 : f32 to vector<16xf32>
        %max3A_162 = arith.maximumf %add3A_114, %max3A_161 : vector<16xf32>
        %mul3A_163 = arith.mulf %exp3A_137, %add3A_159 : vector<16xf32>
        %add3A_164 = arith.addf %max3A_162, %mul3A_163 : vector<16xf32>
        %mul3A_165 = arith.mulf %select_n3A_132, %add3A_164 : vector<16xf32>
        %swap3A_166 = arith.index_cast %scan3A_32 : i32 to index
        %swap3A_167 = arith.constant 16 : index
        %swap3A_168 = tpu.vector_load %arg11[%swap3A_166, %swap3A_167] {strides = array<i32>} : memref<80x64xf32, #tpu.memory_space<vmem>>, vector<1x16xf32>,
        %swap3A_169 = vector.shape_cast %swap3A_168 : vector<1x16xf32> to vector<16xf32>
        %swap3A_170 = vector.shape_cast %mul3A_165 : vector<16xf32> to vector<1x16xf32>
        tpu.vector_store %arg11[%swap3A_166, %swap3A_167], %swap3A_170 {strides = array<i32>} : memref<80x64xf32, #tpu.memory_space<vmem>>, vector<1x16xf32>,
        %get3A_171 = arith.index_cast %scan3A_32 : i32 to index
        %get3A_172 = arith.constant 32 : index
        %get3A_173 = tpu.vector_load %arg9[%get3A_171, %get3A_172] {strides = array<i32>} : memref<80x128xf32, #tpu.memory_space<vmem>>, vector<1x16xf32>,
        %get3A_174 = vector.shape_cast %get3A_173 : vector<1x16xf32> to vector<16xf32>
        %get3A_175 = arith.index_cast %scan3A_32 : i32 to index
        %get3A_176 = arith.constant 32 : index
        %get3A_177 = tpu.vector_load %arg10[%get3A_175, %get3A_176] {strides = array<i32>} : memref<80x128xf32, #tpu.memory_space<vmem>>, vector<1x16xf32>,
        %get3A_178 = vector.shape_cast %get3A_177 : vector<1x16xf32> to vector<16xf32>
        %add3A_179 = arith.addf %get3A_174, %get3A_178 : vector<16xf32>
        %get3A_180 = arith.index_cast %scan3A_32 : i32 to index
        %get3A_181 = arith.constant 96 : index
        %get3A_182 = tpu.vector_load %arg9[%get3A_180, %get3A_181] {strides = array<i32>} : memref<80x128xf32, #tpu.memory_space<vmem>>, vector<1x16xf32>,
        %get3A_183 = vector.shape_cast %get3A_182 : vector<1x16xf32> to vector<16xf32>
        %get3A_184 = arith.index_cast %scan3A_32 : i32 to index
        %get3A_185 = arith.constant 96 : index
        %get3A_186 = tpu.vector_load %arg10[%get3A_184, %get3A_185] {strides = array<i32>} : memref<80x128xf32, #tpu.memory_space<vmem>>, vector<1x16xf32>,
        %get3A_187 = vector.shape_cast %get3A_186 : vector<1x16xf32> to vector<16xf32>
        %add3A_188 = arith.addf %get3A_183, %get3A_187 : vector<16xf32>
        %abs3A_189 = math.absf %add3A_179 : vector<16xf32>
        %neg3A_190 = arith.constant 0.000000e+00 : f32
        %neg3A_191 = vector.broadcast %neg3A_190 : f32 to vector<16xf32>
        %neg3A_192 = arith.subf %neg3A_191, %abs3A_189 : vector<16xf32>
        %exp3A_193 = math.exp %neg3A_192 : vector<16xf32>
        %add3A_194 = arith.constant 1.000000e+00 : f32
        %add3A_195 = vector.broadcast %add3A_194 : f32 to vector<16xf32>
        %add3A_196 = arith.addf %add3A_195, %exp3A_193 : vector<16xf32>
        %div3A_197 = arith.constant 1.000000e+00 : f32
        %div3A_198 = vector.broadcast %div3A_197 : f32 to vector<16xf32>
        %div3A_199 = arith.divf %div3A_198, %add3A_196 : vector<16xf32>
        %ge3A_200 = arith.constant 0.000000e+00 : f32
        %ge3A_201 = vector.broadcast %ge3A_200 : f32 to vector<16xf32>
        %ge3A_202 = arith.cmpf oge, %add3A_179, %ge3A_201 : vector<16xf32>
        %sub3A_203 = arith.constant 1.000000e+00 : f32
        %sub3A_204 = vector.broadcast %sub3A_203 : f32 to vector<16xf32>
        %sub3A_205 = arith.subf %sub3A_204, %div3A_199 : vector<16xf32>
        %select_n3A_206 = arith.select %ge3A_202, %div3A_199, %sub3A_205 : vector<16xi1>, vector<16xf32>
        %abs3A_207 = math.absf %add3A_188 : vector<16xf32>
        %neg3A_208 = arith.constant 0.000000e+00 : f32
        %neg3A_209 = vector.broadcast %neg3A_208 : f32 to vector<16xf32>
        %neg3A_210 = arith.subf %neg3A_209, %abs3A_207 : vector<16xf32>
        %exp3A_211 = math.exp %neg3A_210 : vector<16xf32>
        %broadcast_in_dim3A_212 = arith.constant -0.018337924 : f32
        %broadcast_in_dim3A_213 = vector.broadcast %broadcast_in_dim3A_212 : f32 to vector<16xf32>
        %mul3A_214 = arith.mulf %broadcast_in_dim3A_213, %exp3A_211 : vector<16xf32>
        %add3A_215 = arith.constant 0.0855674818 : f32
        %add3A_216 = vector.broadcast %add3A_215 : f32 to vector<16xf32>
        %add3A_217 = arith.addf %mul3A_214, %add3A_216 : vector<16xf32>
        %mul3A_218 = arith.mulf %add3A_217, %exp3A_211 : vector<16xf32>
        %add3A_219 = arith.constant -0.193758741 : f32
        %add3A_220 = vector.broadcast %add3A_219 : f32 to vector<16xf32>
        %add3A_221 = arith.addf %mul3A_218, %add3A_220 : vector<16xf32>
        %mul3A_222 = arith.mulf %add3A_221, %exp3A_211 : vector<16xf32>
        %add3A_223 = arith.constant 0.317648292 : f32
        %add3A_224 = vector.broadcast %add3A_223 : f32 to vector<16xf32>
        %add3A_225 = arith.addf %mul3A_222, %add3A_224 : vector<16xf32>
        %mul3A_226 = arith.mulf %add3A_225, %exp3A_211 : vector<16xf32>
        %add3A_227 = arith.constant -4.978750e-01 : f32
        %add3A_228 = vector.broadcast %add3A_227 : f32 to vector<16xf32>
        %add3A_229 = arith.addf %mul3A_226, %add3A_228 : vector<16xf32>
        %mul3A_230 = arith.mulf %add3A_229, %exp3A_211 : vector<16xf32>
        %add3A_231 = arith.constant 0.999901652 : f32
        %add3A_232 = vector.broadcast %add3A_231 : f32 to vector<16xf32>
        %add3A_233 = arith.addf %mul3A_230, %add3A_232 : vector<16xf32>
        %max3A_234 = arith.constant 0.000000e+00 : f32
        %max3A_235 = vector.broadcast %max3A_234 : f32 to vector<16xf32>
        %max3A_236 = arith.maximumf %add3A_188, %max3A_235 : vector<16xf32>
        %mul3A_237 = arith.mulf %exp3A_211, %add3A_233 : vector<16xf32>
        %add3A_238 = arith.addf %max3A_236, %mul3A_237 : vector<16xf32>
        %mul3A_239 = arith.mulf %select_n3A_206, %add3A_238 : vector<16xf32>
        %swap3A_240 = arith.index_cast %scan3A_32 : i32 to index
        %swap3A_241 = arith.constant 32 : index
        %swap3A_242 = tpu.vector_load %arg11[%swap3A_240, %swap3A_241] {strides = array<i32>} : memref<80x64xf32, #tpu.memory_space<vmem>>, vector<1x16xf32>,
        %swap3A_243 = vector.shape_cast %swap3A_242 : vector<1x16xf32> to vector<16xf32>
        %swap3A_244 = vector.shape_cast %mul3A_239 : vector<16xf32> to vector<1x16xf32>
        tpu.vector_store %arg11[%swap3A_240, %swap3A_241], %swap3A_244 {strides = array<i32>} : memref<80x64xf32, #tpu.memory_space<vmem>>, vector<1x16xf32>,
        %get3A_245 = arith.index_cast %scan3A_32 : i32 to index
        %get3A_246 = arith.constant 48 : index
        %get3A_247 = tpu.vector_load %arg9[%get3A_245, %get3A_246] {strides = array<i32>} : memref<80x128xf32, #tpu.memory_space<vmem>>, vector<1x16xf32>,
        %get3A_248 = vector.shape_cast %get3A_247 : vector<1x16xf32> to vector<16xf32>
        %get3A_249 = arith.index_cast %scan3A_32 : i32 to index
        %get3A_250 = arith.constant 48 : index
        %get3A_251 = tpu.vector_load %arg10[%get3A_249, %get3A_250] {strides = array<i32>} : memref<80x128xf32, #tpu.memory_space<vmem>>, vector<1x16xf32>,
        %get3A_252 = vector.shape_cast %get3A_251 : vector<1x16xf32> to vector<16xf32>
        %add3A_253 = arith.addf %get3A_248, %get3A_252 : vector<16xf32>
        %get3A_254 = arith.index_cast %scan3A_32 : i32 to index
        %get3A_255 = arith.constant 112 : index
        %get3A_256 = tpu.vector_load %arg9[%get3A_254, %get3A_255] {strides = array<i32>} : memref<80x128xf32, #tpu.memory_space<vmem>>, vector<1x16xf32>,
        %get3A_257 = vector.shape_cast %get3A_256 : vector<1x16xf32> to vector<16xf32>
        %get3A_258 = arith.index_cast %scan3A_32 : i32 to index
        %get3A_259 = arith.constant 112 : index
        %get3A_260 = tpu.vector_load %arg10[%get3A_258, %get3A_259] {strides = array<i32>} : memref<80x128xf32, #tpu.memory_space<vmem>>, vector<1x16xf32>,
        %get3A_261 = vector.shape_cast %get3A_260 : vector<1x16xf32> to vector<16xf32>
        %add3A_262 = arith.addf %get3A_257, %get3A_261 : vector<16xf32>
        %abs3A_263 = math.absf %add3A_253 : vector<16xf32>
        %neg3A_264 = arith.constant 0.000000e+00 : f32
        %neg3A_265 = vector.broadcast %neg3A_264 : f32 to vector<16xf32>
        %neg3A_266 = arith.subf %neg3A_265, %abs3A_263 : vector<16xf32>
        %exp3A_267 = math.exp %neg3A_266 : vector<16xf32>
        %add3A_268 = arith.constant 1.000000e+00 : f32
        %add3A_269 = vector.broadcast %add3A_268 : f32 to vector<16xf32>
        %add3A_270 = arith.addf %add3A_269, %exp3A_267 : vector<16xf32>
        %div3A_271 = arith.constant 1.000000e+00 : f32
        %div3A_272 = vector.broadcast %div3A_271 : f32 to vector<16xf32>
        %div3A_273 = arith.divf %div3A_272, %add3A_270 : vector<16xf32>
        %ge3A_274 = arith.constant 0.000000e+00 : f32
        %ge3A_275 = vector.broadcast %ge3A_274 : f32 to vector<16xf32>
        %ge3A_276 = arith.cmpf oge, %add3A_253, %ge3A_275 : vector<16xf32>
        %sub3A_277 = arith.constant 1.000000e+00 : f32
        %sub3A_278 = vector.broadcast %sub3A_277 : f32 to vector<16xf32>
        %sub3A_279 = arith.subf %sub3A_278, %div3A_273 : vector<16xf32>
        %select_n3A_280 = arith.select %ge3A_276, %div3A_273, %sub3A_279 : vector<16xi1>, vector<16xf32>
        %abs3A_281 = math.absf %add3A_262 : vector<16xf32>
        %neg3A_282 = arith.constant 0.000000e+00 : f32
        %neg3A_283 = vector.broadcast %neg3A_282 : f32 to vector<16xf32>
        %neg3A_284 = arith.subf %neg3A_283, %abs3A_281 : vector<16xf32>
        %exp3A_285 = math.exp %neg3A_284 : vector<16xf32>
        %broadcast_in_dim3A_286 = arith.constant -0.018337924 : f32
        %broadcast_in_dim3A_287 = vector.broadcast %broadcast_in_dim3A_286 : f32 to vector<16xf32>
        %mul3A_288 = arith.mulf %broadcast_in_dim3A_287, %exp3A_285 : vector<16xf32>
        %add3A_289 = arith.constant 0.0855674818 : f32
        %add3A_290 = vector.broadcast %add3A_289 : f32 to vector<16xf32>
        %add3A_291 = arith.addf %mul3A_288, %add3A_290 : vector<16xf32>
        %mul3A_292 = arith.mulf %add3A_291, %exp3A_285 : vector<16xf32>
        %add3A_293 = arith.constant -0.193758741 : f32
        %add3A_294 = vector.broadcast %add3A_293 : f32 to vector<16xf32>
        %add3A_295 = arith.addf %mul3A_292, %add3A_294 : vector<16xf32>
        %mul3A_296 = arith.mulf %add3A_295, %exp3A_285 : vector<16xf32>
        %add3A_297 = arith.constant 0.317648292 : f32
        %add3A_298 = vector.broadcast %add3A_297 : f32 to vector<16xf32>
        %add3A_299 = arith.addf %mul3A_296, %add3A_298 : vector<16xf32>
        %mul3A_300 = arith.mulf %add3A_299, %exp3A_285 : vector<16xf32>
        %add3A_301 = arith.constant -4.978750e-01 : f32
        %add3A_302 = vector.broadcast %add3A_301 : f32 to vector<16xf32>
        %add3A_303 = arith.addf %mul3A_300, %add3A_302 : vector<16xf32>
        %mul3A_304 = arith.mulf %add3A_303, %exp3A_285 : vector<16xf32>
        %add3A_305 = arith.constant 0.999901652 : f32
        %add3A_306 = vector.broadcast %add3A_305 : f32 to vector<16xf32>
        %add3A_307 = arith.addf %mul3A_304, %add3A_306 : vector<16xf32>
        %max3A_308 = arith.constant 0.000000e+00 : f32
        %max3A_309 = vector.broadcast %max3A_308 : f32 to vector<16xf32>
        %max3A_310 = arith.maximumf %add3A_262, %max3A_309 : vector<16xf32>
        %mul3A_311 = arith.mulf %exp3A_285, %add3A_307 : vector<16xf32>
        %add3A_312 = arith.addf %max3A_310, %mul3A_311 : vector<16xf32>
        %mul3A_313 = arith.mulf %select_n3A_280, %add3A_312 : vector<16xf32>
        %swap3A_314 = arith.index_cast %scan3A_32 : i32 to index
        %swap3A_315 = arith.constant 48 : index
        %swap3A_316 = tpu.vector_load %arg11[%swap3A_314, %swap3A_315] {strides = array<i32>} : memref<80x64xf32, #tpu.memory_space<vmem>>, vector<1x16xf32>,
        %swap3A_317 = vector.shape_cast %swap3A_316 : vector<1x16xf32> to vector<16xf32>
        %swap3A_318 = vector.shape_cast %mul3A_313 : vector<16xf32> to vector<1x16xf32>
        tpu.vector_store %arg11[%swap3A_314, %swap3A_315], %swap3A_318 {strides = array<i32>} : memref<80x64xf32, #tpu.memory_space<vmem>>, vector<1x16xf32>,
        %scan3A_319 = arith.constant 0 : i32
        scf.yield %scan3A_319 : i32
      }
      %scan3A_30 = arith.constant 80 : i32
      "tpu.region"() ({
        %run_scoped3A = tpu.sem_alloc : memref<!tpu.dma_semaphore, #tpu.memory_space<semaphore_mem>>
        %dma_start3A_32 = arith.constant 0 : i32
        %dma_start3A_33 = tpu.memref_slice %arg6[%add3A_13, %dma_start3A_32] : memref<320000x64xf32, #tpu.memory_space<hbm>> -> memref<80x64xf32, #tpu.memory_space<hbm>>
        %dma_start3A_34 = arith.constant 0 : i32
        %dma_start3A_35 = tpu.memref_slice %arg6[%add3A_13, %dma_start3A_34] : memref<320000x64xf32, #tpu.memory_space<hbm>> -> memref<80x64xf32, #tpu.memory_space<hbm>>
        tpu.enqueue_dma source(%arg11 : memref<80x64xf32, #tpu.memory_space<vmem>>) target(%dma_start3A_35 : memref<80x64xf32, #tpu.memory_space<hbm>>) target_semaphore(%run_scoped3A : memref<!tpu.dma_semaphore, #tpu.memory_space<semaphore_mem>>)
        %dma_wait3A_36 = arith.constant 0 : i32
        %dma_wait3A_37 = tpu.memref_slice %arg6[%add3A_13, %dma_wait3A_36] : memref<320000x64xf32, #tpu.memory_space<hbm>> -> memref<80x64xf32, #tpu.memory_space<hbm>>
        %dma_wait3A_38 = arith.constant 0 : i32
        %dma_wait3A_39 = tpu.memref_slice %arg6[%add3A_13, %dma_wait3A_38] : memref<320000x64xf32, #tpu.memory_space<hbm>> -> memref<80x64xf32, #tpu.memory_space<hbm>>
        tpu.wait_dma2 semaphore(%run_scoped3A : memref<!tpu.dma_semaphore, #tpu.memory_space<semaphore_mem>>) src(%arg11 : memref<80x64xf32, #tpu.memory_space<vmem>>) dst(%dma_wait3A_39 : memref<80x64xf32, #tpu.memory_space<hbm>>)
        tpu.yield
      }) : () -> ()
      %scan3A_31 = arith.constant 0 : i32
      scf.yield %scan3A_31 : i32
    }
    %scan3A_6 = arith.constant 125 : i32
    return
  }
}

module attributes {stable_mosaic.version = 14 : i64} {
  func.func @_emb_body(%arg0: i32, %arg1: memref<2000x128xf32, #tpu.memory_space<vmem>>, %arg2: memref<128x64xf32, #tpu.memory_space<vmem>>, %arg3: memref<1x64xf32, #tpu.memory_space<vmem>>, %arg4: memref<64x128xf32, #tpu.memory_space<vmem>>, %arg5: memref<64x128xf32, #tpu.memory_space<vmem>>, %arg6: memref<1x128xf32, #tpu.memory_space<vmem>>, %arg7: memref<2000x64xf32, #tpu.memory_space<vmem>>, %arg8: memref<2000x128xf32, #tpu.memory_space<vmem>>, %arg9: memref<2000x128xf32, #tpu.memory_space<vmem>>) attributes {dimension_semantics = [#tpu.dimension_semantics<arbitrary>], iteration_bounds = array<i64: 5>, scalar_prefetch = 0 : i64, scratch_operands = 0 : i64, tpu.core_type = #tpu.core_type<tc>, window_params = [{transform_indices = @transform_0, window_bounds = array<i64: 2000, 128>}, {pipeline_mode = #tpu.pipeline_mode<synchronous>, transform_indices = @transform_1, window_bounds = array<i64: 128, 64>}, {pipeline_mode = #tpu.pipeline_mode<synchronous>, transform_indices = @transform_2, window_bounds = array<i64: 1, 64>}, {pipeline_mode = #tpu.pipeline_mode<synchronous>, transform_indices = @transform_3, window_bounds = array<i64: 64, 128>}, {pipeline_mode = #tpu.pipeline_mode<synchronous>, transform_indices = @transform_4, window_bounds = array<i64: 64, 128>}, {pipeline_mode = #tpu.pipeline_mode<synchronous>, transform_indices = @transform_5, window_bounds = array<i64: 1, 128>}, {transform_indices = @transform_6, window_bounds = array<i64: 2000, 64>}, {transform_indices = @transform_7, window_bounds = array<i64: 2000, 128>}, {transform_indices = @transform_8, window_bounds = array<i64: 2000, 128>}]} {
    %get3A = arith.constant 0 : index
    %get3A_0 = arith.constant 0 : index
    %get3A_1 = vector.load %arg1[%get3A, %get3A_0] : memref<2000x128xf32, #tpu.memory_space<vmem>>, vector<2000x128xf32>
    %get3A_2 = arith.constant 0 : index
    %get3A_3 = arith.constant 0 : index
    %get3A_4 = vector.load %arg2[%get3A_2, %get3A_3] : memref<128x64xf32, #tpu.memory_space<vmem>>, vector<128x64xf32>
    %dot_general3A = arith.constant dense<0.000000e+00> : vector<2000x64xf32>
    %dot_general3A_5 = tpu.matmul %get3A_1, %get3A_4, %dot_general3A {dimension_numbers = #tpu.dot_dimension_numbers<[1], [0], [0], [1], [0, 0, 1, 1], [], []>, transpose_lhs_hint = false} : vector<2000x128xf32>, vector<128x64xf32>, vector<2000x64xf32> -> vector<2000x64xf32>
    %get3A_6 = arith.constant 0 : index
    %get3A_7 = arith.constant 0 : index
    %get3A_8 = vector.load %arg3[%get3A_6, %get3A_7] : memref<1x64xf32, #tpu.memory_space<vmem>>, vector<1x64xf32>
    %add3A = vector.broadcast %get3A_8 : vector<1x64xf32> to vector<2000x64xf32>
    %add3A_9 = arith.addf %dot_general3A_5, %add3A : vector<2000x64xf32>
    %swap3A = arith.constant 0 : index
    %swap3A_10 = arith.constant 0 : index
    %swap3A_11 = vector.load %arg7[%swap3A, %swap3A_10] : memref<2000x64xf32, #tpu.memory_space<vmem>>, vector<2000x64xf32>
    tpu.vector_store %arg7[%swap3A, %swap3A_10], %add3A_9 {strides = array<i32>} : memref<2000x64xf32, #tpu.memory_space<vmem>>, vector<2000x64xf32>,
    %get3A_12 = arith.constant 0 : index
    %get3A_13 = arith.constant 0 : index
    %get3A_14 = vector.load %arg4[%get3A_12, %get3A_13] : memref<64x128xf32, #tpu.memory_space<vmem>>, vector<64x128xf32>
    %dot_general3A_15 = arith.constant dense<0.000000e+00> : vector<2000x128xf32>
    %dot_general3A_16 = tpu.matmul %add3A_9, %get3A_14, %dot_general3A_15 {dimension_numbers = #tpu.dot_dimension_numbers<[1], [0], [0], [1], [0, 0, 1, 1], [], []>, transpose_lhs_hint = false} : vector<2000x64xf32>, vector<64x128xf32>, vector<2000x128xf32> -> vector<2000x128xf32>
    %get3A_17 = arith.constant 0 : index
    %get3A_18 = arith.constant 0 : index
    %get3A_19 = vector.load %arg6[%get3A_17, %get3A_18] : memref<1x128xf32, #tpu.memory_space<vmem>>, vector<1x128xf32>
    %add3A_20 = vector.broadcast %get3A_19 : vector<1x128xf32> to vector<2000x128xf32>
    %add3A_21 = arith.addf %dot_general3A_16, %add3A_20 : vector<2000x128xf32>
    %swap3A_22 = arith.constant 0 : index
    %swap3A_23 = arith.constant 0 : index
    %swap3A_24 = vector.load %arg8[%swap3A_22, %swap3A_23] : memref<2000x128xf32, #tpu.memory_space<vmem>>, vector<2000x128xf32>
    tpu.vector_store %arg8[%swap3A_22, %swap3A_23], %add3A_21 {strides = array<i32>} : memref<2000x128xf32, #tpu.memory_space<vmem>>, vector<2000x128xf32>,
    %get3A_25 = arith.constant 0 : index
    %get3A_26 = arith.constant 0 : index
    %get3A_27 = vector.load %arg5[%get3A_25, %get3A_26] : memref<64x128xf32, #tpu.memory_space<vmem>>, vector<64x128xf32>
    %dot_general3A_28 = arith.constant dense<0.000000e+00> : vector<2000x128xf32>
    %dot_general3A_29 = tpu.matmul %add3A_9, %get3A_27, %dot_general3A_28 {dimension_numbers = #tpu.dot_dimension_numbers<[1], [0], [0], [1], [0, 0, 1, 1], [], []>, transpose_lhs_hint = false} : vector<2000x64xf32>, vector<64x128xf32>, vector<2000x128xf32> -> vector<2000x128xf32>
    %swap3A_30 = arith.constant 0 : index
    %swap3A_31 = arith.constant 0 : index
    %swap3A_32 = vector.load %arg9[%swap3A_30, %swap3A_31] : memref<2000x128xf32, #tpu.memory_space<vmem>>, vector<2000x128xf32>
    tpu.vector_store %arg9[%swap3A_30, %swap3A_31], %dot_general3A_29 {strides = array<i32>} : memref<2000x128xf32, #tpu.memory_space<vmem>>, vector<2000x128xf32>,
    return
  }
  func.func @transform_0(%arg0: i32) -> (i32, i32) {
    %c0_i32 = arith.constant 0 : i32
    %c0_i32_0 = arith.constant 0 : i32
    return %arg0, %c0_i32 : i32, i32
  }
  func.func @transform_1(%arg0: i32) -> (i32, i32) {
    %c0_i32 = arith.constant 0 : i32
    %c0_i32_0 = arith.constant 0 : i32
    %c0_i32_1 = arith.constant 0 : i32
    return %c0_i32, %c0_i32_0 : i32, i32
  }
  func.func @transform_2(%arg0: i32) -> (i32, i32) {
    %c0_i32 = arith.constant 0 : i32
    %c0_i32_0 = arith.constant 0 : i32
    %c0_i32_1 = arith.constant 0 : i32
    return %c0_i32, %c0_i32_0 : i32, i32
  }
  func.func @transform_3(%arg0: i32) -> (i32, i32) {
    %c0_i32 = arith.constant 0 : i32
    %c0_i32_0 = arith.constant 0 : i32
    %c0_i32_1 = arith.constant 0 : i32
    return %c0_i32, %c0_i32_0 : i32, i32
  }
  func.func @transform_4(%arg0: i32) -> (i32, i32) {
    %c0_i32 = arith.constant 0 : i32
    %c0_i32_0 = arith.constant 0 : i32
    %c0_i32_1 = arith.constant 0 : i32
    return %c0_i32, %c0_i32_0 : i32, i32
  }
  func.func @transform_5(%arg0: i32) -> (i32, i32) {
    %c0_i32 = arith.constant 0 : i32
    %c0_i32_0 = arith.constant 0 : i32
    %c0_i32_1 = arith.constant 0 : i32
    return %c0_i32, %c0_i32_0 : i32, i32
  }
  func.func @transform_6(%arg0: i32) -> (i32, i32) {
    %c0_i32 = arith.constant 0 : i32
    %c0_i32_0 = arith.constant 0 : i32
    return %arg0, %c0_i32 : i32, i32
  }
  func.func @transform_7(%arg0: i32) -> (i32, i32) {
    %c0_i32 = arith.constant 0 : i32
    %c0_i32_0 = arith.constant 0 : i32
    return %arg0, %c0_i32 : i32, i32
  }
  func.func @transform_8(%arg0: i32) -> (i32, i32) {
    %c0_i32 = arith.constant 0 : i32
    %c0_i32_0 = arith.constant 0 : i32
    return %arg0, %c0_i32 : i32, i32
  }
}

module attributes {stable_mosaic.version = 14 : i64} {
  func.func @_scatter_body(%arg0: i32, %arg1: memref<1x1x2000xi32, #tpu.memory_space<smem>>, %arg2: memref<2000x64xf32, #tpu.memory_space<vmem>>, %arg3: memref<10000x64xf32, #tpu.memory_space<vmem>>) attributes {dimension_semantics = [#tpu.dimension_semantics<arbitrary>], iteration_bounds = array<i64: 160>, scalar_prefetch = 0 : i64, scratch_operands = 0 : i64, tpu.core_type = #tpu.core_type<tc>, window_params = [{transform_indices = @transform_0, window_bounds = array<i64: 1, 1, 2000>}, {transform_indices = @transform_1, window_bounds = array<i64: 2000, 64>}, {pipeline_mode = #tpu.pipeline_mode<synchronous>, transform_indices = @transform_2, window_bounds = array<i64: 10000, 64>}]} {
    %eq3A = arith.constant 0 : i32
    %eq3A_0 = arith.cmpi eq, %arg0, %eq3A : i32
    %convert_element_type3A = arith.extui %eq3A_0 : i1 to i32
    %cond3A = arith.constant 0 : i32
    %cond3A_1 = arith.cmpi ne, %convert_element_type3A, %cond3A : i32
    scf.if %cond3A_1 {
      %broadcast_in_dim3A = arith.constant 0.000000e+00 : f32
      %broadcast_in_dim3A_6 = vector.broadcast %broadcast_in_dim3A : f32 to vector<10000x64xf32>
      %swap3A = arith.constant 0 : index
      %swap3A_7 = arith.constant 0 : index
      %swap3A_8 = vector.load %arg3[%swap3A, %swap3A_7] : memref<10000x64xf32, #tpu.memory_space<vmem>>, vector<10000x64xf32>
      tpu.vector_store %arg3[%swap3A, %swap3A_7], %broadcast_in_dim3A_6 {strides = array<i32>} : memref<10000x64xf32, #tpu.memory_space<vmem>>, vector<10000x64xf32>,
    } else {
    }
    %scan3A = arith.constant 0 : i32
    %scan3A_2 = arith.constant 2000 : i32
    %scan3A_3 = arith.addi %scan3A, %scan3A_2 : i32
    %scan3A_4 = arith.constant 1 : i32
    scf.for %scan3A_6 = %scan3A to %scan3A_3 step %scan3A_4  : i32 {
      %get3A = arith.constant 0 : index
      %get3A_7 = arith.constant 0 : index
      %get3A_8 = arith.index_cast %scan3A_6 : i32 to index
      %get3A_9 = memref.load %arg1[%get3A, %get3A_7, %get3A_8] : memref<1x1x2000xi32, #tpu.memory_space<smem>>
      %get3A_10 = arith.index_cast %get3A_9 : i32 to index
      %get3A_11 = arith.constant 0 : index
      %get3A_12 = vector.load %arg3[%get3A_10, %get3A_11] : memref<10000x64xf32, #tpu.memory_space<vmem>>, vector<1x64xf32>
      %get3A_13 = arith.index_cast %scan3A_6 : i32 to index
      %get3A_14 = arith.constant 0 : index
      %get3A_15 = vector.load %arg2[%get3A_13, %get3A_14] : memref<2000x64xf32, #tpu.memory_space<vmem>>, vector<1x64xf32>
      %add3A = arith.addf %get3A_12, %get3A_15 : vector<1x64xf32>
      %swap3A = arith.index_cast %get3A_9 : i32 to index
      %swap3A_16 = arith.constant 0 : index
      %swap3A_17 = vector.load %arg3[%swap3A, %swap3A_16] : memref<10000x64xf32, #tpu.memory_space<vmem>>, vector<1x64xf32>
      tpu.vector_store %arg3[%swap3A, %swap3A_16], %add3A {strides = array<i32>} : memref<10000x64xf32, #tpu.memory_space<vmem>>, vector<1x64xf32>,
    }
    %scan3A_5 = arith.constant 2000 : i32
    return
  }
  func.func @transform_0(%arg0: i32) -> (i32, i32, i32) {
    %c0_i32 = arith.constant 0 : i32
    %c0_i32_0 = arith.constant 0 : i32
    %c0_i32_1 = arith.constant 0 : i32
    return %arg0, %c0_i32, %c0_i32_0 : i32, i32, i32
  }
  func.func @transform_1(%arg0: i32) -> (i32, i32) {
    %c0_i32 = arith.constant 0 : i32
    %c0_i32_0 = arith.constant 0 : i32
    return %arg0, %c0_i32 : i32, i32
  }
  func.func @transform_2(%arg0: i32) -> (i32, i32) {
    %c0_i32 = arith.constant 0 : i32
    %c0_i32_0 = arith.constant 0 : i32
    %c0_i32_1 = arith.constant 0 : i32
    return %c0_i32, %c0_i32_0 : i32, i32
  }
}

module attributes {stable_mosaic.version = 14 : i64} {
  func.func @_layer_body(%arg0: i32, %arg1: memref<2000x64xf32, #tpu.memory_space<vmem>>, %arg2: memref<2000x64xf32, #tpu.memory_space<vmem>>, %arg3: memref<2000x64xf32, #tpu.memory_space<vmem>>, %arg4: memref<64x128xf32, #tpu.memory_space<vmem>>, %arg5: memref<64x128xf32, #tpu.memory_space<vmem>>, %arg6: memref<1x128xf32, #tpu.memory_space<vmem>>, %arg7: memref<2000x64xf32, #tpu.memory_space<vmem>>, %arg8: memref<2000x128xf32, #tpu.memory_space<vmem>>, %arg9: memref<2000x128xf32, #tpu.memory_space<vmem>>) attributes {dimension_semantics = [#tpu.dimension_semantics<arbitrary>], iteration_bounds = array<i64: 5>, scalar_prefetch = 0 : i64, scratch_operands = 0 : i64, tpu.core_type = #tpu.core_type<tc>, window_params = [{transform_indices = @transform_0, window_bounds = array<i64: 2000, 64>}, {transform_indices = @transform_1, window_bounds = array<i64: 2000, 64>}, {transform_indices = @transform_2, window_bounds = array<i64: 2000, 64>}, {pipeline_mode = #tpu.pipeline_mode<synchronous>, transform_indices = @transform_3, window_bounds = array<i64: 64, 128>}, {pipeline_mode = #tpu.pipeline_mode<synchronous>, transform_indices = @transform_4, window_bounds = array<i64: 64, 128>}, {pipeline_mode = #tpu.pipeline_mode<synchronous>, transform_indices = @transform_5, window_bounds = array<i64: 1, 128>}, {transform_indices = @transform_6, window_bounds = array<i64: 2000, 64>}, {transform_indices = @transform_7, window_bounds = array<i64: 2000, 128>}, {transform_indices = @transform_8, window_bounds = array<i64: 2000, 128>}]} {
    %get3A = arith.constant 0 : index
    %get3A_0 = arith.constant 0 : index
    %get3A_1 = vector.load %arg1[%get3A, %get3A_0] : memref<2000x64xf32, #tpu.memory_space<vmem>>, vector<2000x64xf32>
    %get3A_2 = arith.constant 0 : index
    %get3A_3 = arith.constant 0 : index
    %get3A_4 = vector.load %arg2[%get3A_2, %get3A_3] : memref<2000x64xf32, #tpu.memory_space<vmem>>, vector<2000x64xf32>
    %add3A = arith.addf %get3A_1, %get3A_4 : vector<2000x64xf32>
    %get3A_5 = arith.constant 0 : index
    %get3A_6 = arith.constant 0 : index
    %get3A_7 = vector.load %arg3[%get3A_5, %get3A_6] : memref<2000x64xf32, #tpu.memory_space<vmem>>, vector<2000x64xf32>
    %add3A_8 = arith.addf %add3A, %get3A_7 : vector<2000x64xf32>
    %swap3A = arith.constant 0 : index
    %swap3A_9 = arith.constant 0 : index
    %swap3A_10 = vector.load %arg7[%swap3A, %swap3A_9] : memref<2000x64xf32, #tpu.memory_space<vmem>>, vector<2000x64xf32>
    tpu.vector_store %arg7[%swap3A, %swap3A_9], %add3A_8 {strides = array<i32>} : memref<2000x64xf32, #tpu.memory_space<vmem>>, vector<2000x64xf32>,
    %get3A_11 = arith.constant 0 : index
    %get3A_12 = arith.constant 0 : index
    %get3A_13 = vector.load %arg4[%get3A_11, %get3A_12] : memref<64x128xf32, #tpu.memory_space<vmem>>, vector<64x128xf32>
    %dot_general3A = arith.constant dense<0.000000e+00> : vector<2000x128xf32>
    %dot_general3A_14 = tpu.matmul %add3A_8, %get3A_13, %dot_general3A {dimension_numbers = #tpu.dot_dimension_numbers<[1], [0], [0], [1], [0, 0, 1, 1], [], []>, transpose_lhs_hint = false} : vector<2000x64xf32>, vector<64x128xf32>, vector<2000x128xf32> -> vector<2000x128xf32>
    %get3A_15 = arith.constant 0 : index
    %get3A_16 = arith.constant 0 : index
    %get3A_17 = vector.load %arg6[%get3A_15, %get3A_16] : memref<1x128xf32, #tpu.memory_space<vmem>>, vector<1x128xf32>
    %add3A_18 = vector.broadcast %get3A_17 : vector<1x128xf32> to vector<2000x128xf32>
    %add3A_19 = arith.addf %dot_general3A_14, %add3A_18 : vector<2000x128xf32>
    %swap3A_20 = arith.constant 0 : index
    %swap3A_21 = arith.constant 0 : index
    %swap3A_22 = vector.load %arg8[%swap3A_20, %swap3A_21] : memref<2000x128xf32, #tpu.memory_space<vmem>>, vector<2000x128xf32>
    tpu.vector_store %arg8[%swap3A_20, %swap3A_21], %add3A_19 {strides = array<i32>} : memref<2000x128xf32, #tpu.memory_space<vmem>>, vector<2000x128xf32>,
    %get3A_23 = arith.constant 0 : index
    %get3A_24 = arith.constant 0 : index
    %get3A_25 = vector.load %arg5[%get3A_23, %get3A_24] : memref<64x128xf32, #tpu.memory_space<vmem>>, vector<64x128xf32>
    %dot_general3A_26 = arith.constant dense<0.000000e+00> : vector<2000x128xf32>
    %dot_general3A_27 = tpu.matmul %add3A_8, %get3A_25, %dot_general3A_26 {dimension_numbers = #tpu.dot_dimension_numbers<[1], [0], [0], [1], [0, 0, 1, 1], [], []>, transpose_lhs_hint = false} : vector<2000x64xf32>, vector<64x128xf32>, vector<2000x128xf32> -> vector<2000x128xf32>
    %swap3A_28 = arith.constant 0 : index
    %swap3A_29 = arith.constant 0 : index
    %swap3A_30 = vector.load %arg9[%swap3A_28, %swap3A_29] : memref<2000x128xf32, #tpu.memory_space<vmem>>, vector<2000x128xf32>
    tpu.vector_store %arg9[%swap3A_28, %swap3A_29], %dot_general3A_27 {strides = array<i32>} : memref<2000x128xf32, #tpu.memory_space<vmem>>, vector<2000x128xf32>,
    return
  }
  func.func @transform_0(%arg0: i32) -> (i32, i32) {
    %c0_i32 = arith.constant 0 : i32
    %c0_i32_0 = arith.constant 0 : i32
    return %arg0, %c0_i32 : i32, i32
  }
  func.func @transform_1(%arg0: i32) -> (i32, i32) {
    %c0_i32 = arith.constant 0 : i32
    %c0_i32_0 = arith.constant 0 : i32
    return %arg0, %c0_i32 : i32, i32
  }
  func.func @transform_2(%arg0: i32) -> (i32, i32) {
    %c0_i32 = arith.constant 0 : i32
    %c0_i32_0 = arith.constant 0 : i32
    return %arg0, %c0_i32 : i32, i32
  }
  func.func @transform_3(%arg0: i32) -> (i32, i32) {
    %c0_i32 = arith.constant 0 : i32
    %c0_i32_0 = arith.constant 0 : i32
    %c0_i32_1 = arith.constant 0 : i32
    return %c0_i32, %c0_i32_0 : i32, i32
  }
  func.func @transform_4(%arg0: i32) -> (i32, i32) {
    %c0_i32 = arith.constant 0 : i32
    %c0_i32_0 = arith.constant 0 : i32
    %c0_i32_1 = arith.constant 0 : i32
    return %c0_i32, %c0_i32_0 : i32, i32
  }
  func.func @transform_5(%arg0: i32) -> (i32, i32) {
    %c0_i32 = arith.constant 0 : i32
    %c0_i32_0 = arith.constant 0 : i32
    %c0_i32_1 = arith.constant 0 : i32
    return %c0_i32, %c0_i32_0 : i32, i32
  }
  func.func @transform_6(%arg0: i32) -> (i32, i32) {
    %c0_i32 = arith.constant 0 : i32
    %c0_i32_0 = arith.constant 0 : i32
    return %arg0, %c0_i32 : i32, i32
  }
  func.func @transform_7(%arg0: i32) -> (i32, i32) {
    %c0_i32 = arith.constant 0 : i32
    %c0_i32_0 = arith.constant 0 : i32
    return %arg0, %c0_i32 : i32, i32
  }
  func.func @transform_8(%arg0: i32) -> (i32, i32) {
    %c0_i32 = arith.constant 0 : i32
    %c0_i32_0 = arith.constant 0 : i32
    return %arg0, %c0_i32 : i32, i32
  }
}

module attributes {stable_mosaic.version = 14 : i64} {
  func.func @_readout_body(%arg0: i32, %arg1: memref<2000x64xf32, #tpu.memory_space<vmem>>, %arg2: memref<2000x64xf32, #tpu.memory_space<vmem>>, %arg3: memref<2000x64xf32, #tpu.memory_space<vmem>>, %arg4: memref<1x1x2000xi32, #tpu.memory_space<vmem>>, %arg5: memref<64x128xf32, #tpu.memory_space<vmem>>, %arg6: memref<1x128xf32, #tpu.memory_space<vmem>>, %arg7: memref<128x128xf32, #tpu.memory_space<vmem>>, %arg8: memref<1x128xf32, #tpu.memory_space<vmem>>, %arg9: memref<64x64xf32, #tpu.memory_space<vmem>>, %arg10: memref<64x64xf32, #tpu.memory_space<vmem>>, %arg11: memref<64x128xf32, #tpu.memory_space<vmem>>) attributes {dimension_semantics = [#tpu.dimension_semantics<arbitrary>], iteration_bounds = array<i64: 5>, scalar_prefetch = 0 : i64, scratch_operands = 0 : i64, tpu.core_type = #tpu.core_type<tc>, window_params = [{transform_indices = @transform_0, window_bounds = array<i64: 2000, 64>}, {transform_indices = @transform_1, window_bounds = array<i64: 2000, 64>}, {transform_indices = @transform_2, window_bounds = array<i64: 2000, 64>}, {transform_indices = @transform_3, window_bounds = array<i64: 1, 1, 2000>}, {pipeline_mode = #tpu.pipeline_mode<synchronous>, transform_indices = @transform_4, window_bounds = array<i64: 64, 128>}, {pipeline_mode = #tpu.pipeline_mode<synchronous>, transform_indices = @transform_5, window_bounds = array<i64: 1, 128>}, {pipeline_mode = #tpu.pipeline_mode<synchronous>, transform_indices = @transform_6, window_bounds = array<i64: 128, 128>}, {pipeline_mode = #tpu.pipeline_mode<synchronous>, transform_indices = @transform_7, window_bounds = array<i64: 1, 128>}, {pipeline_mode = #tpu.pipeline_mode<synchronous>, transform_indices = @transform_8, window_bounds = array<i64: 64, 64>}, {pipeline_mode = #tpu.pipeline_mode<synchronous>, transform_indices = @transform_9, window_bounds = array<i64: 64, 64>}, {pipeline_mode = #tpu.pipeline_mode<synchronous>, transform_indices = @transform_10, window_bounds = array<i64: 64, 128>}]} {
    %eq3A = arith.constant 0 : i32
    %eq3A_0 = arith.cmpi eq, %arg0, %eq3A : i32
    %convert_element_type3A = arith.extui %eq3A_0 : i1 to i32
    %cond3A = arith.constant 0 : i32
    %cond3A_1 = arith.cmpi ne, %convert_element_type3A, %cond3A : i32
    scf.if %cond3A_1 {
      %broadcast_in_dim3A_43 = arith.constant 0.000000e+00 : f32
      %broadcast_in_dim3A_44 = vector.broadcast %broadcast_in_dim3A_43 : f32 to vector<64x64xf32>
      %swap3A_45 = arith.constant 0 : index
      %swap3A_46 = arith.constant 0 : index
      %swap3A_47 = vector.load %arg9[%swap3A_45, %swap3A_46] : memref<64x64xf32, #tpu.memory_space<vmem>>, vector<64x64xf32>
      tpu.vector_store %arg9[%swap3A_45, %swap3A_46], %broadcast_in_dim3A_44 {strides = array<i32>} : memref<64x64xf32, #tpu.memory_space<vmem>>, vector<64x64xf32>,
      %broadcast_in_dim3A_48 = arith.constant 0.000000e+00 : f32
      %broadcast_in_dim3A_49 = vector.broadcast %broadcast_in_dim3A_48 : f32 to vector<64x64xf32>
      %swap3A_50 = arith.constant 0 : index
      %swap3A_51 = arith.constant 0 : index
      %swap3A_52 = vector.load %arg10[%swap3A_50, %swap3A_51] : memref<64x64xf32, #tpu.memory_space<vmem>>, vector<64x64xf32>
      tpu.vector_store %arg10[%swap3A_50, %swap3A_51], %broadcast_in_dim3A_49 {strides = array<i32>} : memref<64x64xf32, #tpu.memory_space<vmem>>, vector<64x64xf32>,
    } else {
    }
    %get3A = arith.constant 0 : index
    %get3A_2 = arith.constant 0 : index
    %get3A_3 = vector.load %arg1[%get3A, %get3A_2] : memref<2000x64xf32, #tpu.memory_space<vmem>>, vector<2000x64xf32>
    %get3A_4 = arith.constant 0 : index
    %get3A_5 = arith.constant 0 : index
    %get3A_6 = vector.load %arg2[%get3A_4, %get3A_5] : memref<2000x64xf32, #tpu.memory_space<vmem>>, vector<2000x64xf32>
    %add3A = arith.addf %get3A_3, %get3A_6 : vector<2000x64xf32>
    %get3A_7 = arith.constant 0 : index
    %get3A_8 = arith.constant 0 : index
    %get3A_9 = vector.load %arg3[%get3A_7, %get3A_8] : memref<2000x64xf32, #tpu.memory_space<vmem>>, vector<2000x64xf32>
    %add3A_10 = arith.addf %add3A, %get3A_9 : vector<2000x64xf32>
    %get3A_11 = arith.constant 0 : index
    %get3A_12 = arith.constant 0 : index
    %get3A_13 = arith.constant 0 : index
    %get3A_14 = vector.load %arg4[%get3A_11, %get3A_12, %get3A_13] : memref<1x1x2000xi32, #tpu.memory_space<vmem>>, vector<1x1x2000xi32>
    %get3A_15 = vector.shape_cast %get3A_14 : vector<1x1x2000xi32> to vector<1x2000xi32>
    %iota3A = tpu.iota {dimensions = array<i32: 0>} : vector<64x2000xi32>
    %broadcast_in_dim3A = vector.shape_cast %get3A_15 : vector<1x2000xi32> to vector<1x2000xi32>
    %broadcast_in_dim3A_16 = vector.broadcast %broadcast_in_dim3A : vector<1x2000xi32> to vector<64x2000xi32>
    %eq3A_17 = arith.cmpi eq, %broadcast_in_dim3A_16, %iota3A : vector<64x2000xi32>
    %convert_element_type3A_18 = arith.extui %eq3A_17 : vector<64x2000xi1> to vector<64x2000xi32>
    %convert_element_type3A_19 = arith.sitofp %convert_element_type3A_18 : vector<64x2000xi32> to vector<64x2000xf32>
    %get3A_20 = arith.constant 0 : index
    %get3A_21 = arith.constant 0 : index
    %get3A_22 = vector.load %arg9[%get3A_20, %get3A_21] : memref<64x64xf32, #tpu.memory_space<vmem>>, vector<64x64xf32>
    %dot_general3A = arith.constant dense<0.000000e+00> : vector<64x64xf32>
    %dot_general3A_23 = tpu.matmul %convert_element_type3A_19, %add3A_10, %dot_general3A {dimension_numbers = #tpu.dot_dimension_numbers<[1], [0], [0], [1], [0, 0, 1, 1], [], []>, transpose_lhs_hint = false} : vector<64x2000xf32>, vector<2000x64xf32>, vector<64x64xf32> -> vector<64x64xf32>
    %add3A_24 = arith.addf %get3A_22, %dot_general3A_23 : vector<64x64xf32>
    %swap3A = arith.constant 0 : index
    %swap3A_25 = arith.constant 0 : index
    %swap3A_26 = vector.load %arg9[%swap3A, %swap3A_25] : memref<64x64xf32, #tpu.memory_space<vmem>>, vector<64x64xf32>
    tpu.vector_store %arg9[%swap3A, %swap3A_25], %add3A_24 {strides = array<i32>} : memref<64x64xf32, #tpu.memory_space<vmem>>, vector<64x64xf32>,
    %get3A_27 = arith.constant 0 : index
    %get3A_28 = arith.constant 0 : index
    %get3A_29 = vector.load %arg10[%get3A_27, %get3A_28] : memref<64x64xf32, #tpu.memory_space<vmem>>, vector<64x64xf32>
    %reduce_sum3A = arith.constant dense<0.000000e+00> : vector<64xf32>
    %reduce_sum3A_30 = vector.multi_reduction <add>, %convert_element_type3A_19, %reduce_sum3A [1] : vector<64x2000xf32> to vector<64xf32>
    %broadcast_in_dim3A_31 = vector.shape_cast %reduce_sum3A_30 : vector<64xf32> to vector<64x1xf32>
    %broadcast_in_dim3A_32 = vector.shape_cast %broadcast_in_dim3A_31 : vector<64x1xf32> to vector<64x1xf32>
    %broadcast_in_dim3A_33 = vector.broadcast %broadcast_in_dim3A_32 : vector<64x1xf32> to vector<64x64xf32>
    %add3A_34 = arith.addf %get3A_29, %broadcast_in_dim3A_33 : vector<64x64xf32>
    %swap3A_35 = arith.constant 0 : index
    %swap3A_36 = arith.constant 0 : index
    %swap3A_37 = vector.load %arg10[%swap3A_35, %swap3A_36] : memref<64x64xf32, #tpu.memory_space<vmem>>, vector<64x64xf32>
    tpu.vector_store %arg10[%swap3A_35, %swap3A_36], %add3A_34 {strides = array<i32>} : memref<64x64xf32, #tpu.memory_space<vmem>>, vector<64x64xf32>,
    %eq3A_38 = arith.constant 4 : i32
    %eq3A_39 = arith.cmpi eq, %arg0, %eq3A_38 : i32
    %convert_element_type3A_40 = arith.extui %eq3A_39 : i1 to i32
    %cond3A_41 = arith.constant 0 : i32
    %cond3A_42 = arith.cmpi ne, %convert_element_type3A_40, %cond3A_41 : i32
    scf.if %cond3A_42 {
      %get3A_43 = arith.constant 0 : index
      %get3A_44 = arith.constant 0 : index
      %get3A_45 = vector.load %arg9[%get3A_43, %get3A_44] : memref<64x64xf32, #tpu.memory_space<vmem>>, vector<64x64xf32>
      %get3A_46 = arith.constant 0 : index
      %get3A_47 = arith.constant 0 : index
      %get3A_48 = vector.load %arg10[%get3A_46, %get3A_47] : memref<64x64xf32, #tpu.memory_space<vmem>>, vector<64x64xf32>
      %max3A = arith.constant 1.000000e+00 : f32
      %max3A_49 = vector.broadcast %max3A : f32 to vector<64x64xf32>
      %max3A_50 = arith.maximumf %get3A_48, %max3A_49 : vector<64x64xf32>
      %div3A = arith.divf %get3A_45, %max3A_50 : vector<64x64xf32>
      %get3A_51 = arith.constant 0 : index
      %get3A_52 = arith.constant 0 : index
      %get3A_53 = vector.load %arg5[%get3A_51, %get3A_52] : memref<64x128xf32, #tpu.memory_space<vmem>>, vector<64x128xf32>
      %dot_general3A_54 = arith.constant dense<0.000000e+00> : vector<64x128xf32>
      %dot_general3A_55 = tpu.matmul %div3A, %get3A_53, %dot_general3A_54 {dimension_numbers = #tpu.dot_dimension_numbers<[1], [0], [0], [1], [0, 0, 1, 1], [], []>, transpose_lhs_hint = false} : vector<64x64xf32>, vector<64x128xf32>, vector<64x128xf32> -> vector<64x128xf32>
      %get3A_56 = arith.constant 0 : index
      %get3A_57 = arith.constant 0 : index
      %get3A_58 = vector.load %arg6[%get3A_56, %get3A_57] : memref<1x128xf32, #tpu.memory_space<vmem>>, vector<1x128xf32>
      %add3A_59 = vector.broadcast %get3A_58 : vector<1x128xf32> to vector<64x128xf32>
      %add3A_60 = arith.addf %dot_general3A_55, %add3A_59 : vector<64x128xf32>
      %custom_jvp_call3A = arith.constant 0.000000e+00 : f32
      %max3A_61 = vector.broadcast %custom_jvp_call3A : f32 to vector<64x128xf32>
      %max3A_62 = arith.maximumf %add3A_60, %max3A_61 : vector<64x128xf32>
      %sub3A = vector.broadcast %custom_jvp_call3A : f32 to vector<64x128xf32>
      %sub3A_63 = arith.subf %add3A_60, %sub3A : vector<64x128xf32>
      %ne3A = arith.cmpf one, %sub3A_63, %sub3A_63 : vector<64x128xf32>
      %add3A_64 = vector.broadcast %custom_jvp_call3A : f32 to vector<64x128xf32>
      %add3A_65 = arith.addf %add3A_60, %add3A_64 : vector<64x128xf32>
      %abs3A = math.absf %sub3A_63 : vector<64x128xf32>
      %neg3A = arith.constant 0.000000e+00 : f32
      %neg3A_66 = vector.broadcast %neg3A : f32 to vector<64x128xf32>
      %neg3A_67 = arith.subf %neg3A_66, %abs3A : vector<64x128xf32>
      %exp3A = math.exp %neg3A_67 : vector<64x128xf32>
      %log1p3A = math.log1p %exp3A : vector<64x128xf32>
      %add3A_68 = arith.addf %max3A_62, %log1p3A : vector<64x128xf32>
      %select_n3A = arith.select %ne3A, %add3A_65, %add3A_68 : vector<64x128xi1>, vector<64x128xf32>
      %get3A_69 = arith.constant 0 : index
      %get3A_70 = arith.constant 0 : index
      %get3A_71 = vector.load %arg7[%get3A_69, %get3A_70] : memref<128x128xf32, #tpu.memory_space<vmem>>, vector<128x128xf32>
      %dot_general3A_72 = arith.constant dense<0.000000e+00> : vector<64x128xf32>
      %dot_general3A_73 = tpu.matmul %select_n3A, %get3A_71, %dot_general3A_72 {dimension_numbers = #tpu.dot_dimension_numbers<[1], [0], [0], [1], [0, 0, 1, 1], [], []>, transpose_lhs_hint = false} : vector<64x128xf32>, vector<128x128xf32>, vector<64x128xf32> -> vector<64x128xf32>
      %get3A_74 = arith.constant 0 : index
      %get3A_75 = arith.constant 0 : index
      %get3A_76 = vector.load %arg8[%get3A_74, %get3A_75] : memref<1x128xf32, #tpu.memory_space<vmem>>, vector<1x128xf32>
      %add3A_77 = vector.broadcast %get3A_76 : vector<1x128xf32> to vector<64x128xf32>
      %add3A_78 = arith.addf %dot_general3A_73, %add3A_77 : vector<64x128xf32>
      %swap3A_79 = arith.constant 0 : index
      %swap3A_80 = arith.constant 0 : index
      %swap3A_81 = vector.load %arg11[%swap3A_79, %swap3A_80] : memref<64x128xf32, #tpu.memory_space<vmem>>, vector<64x128xf32>
      tpu.vector_store %arg11[%swap3A_79, %swap3A_80], %add3A_78 {strides = array<i32>} : memref<64x128xf32, #tpu.memory_space<vmem>>, vector<64x128xf32>,
    } else {
    }
    return
  }
  func.func @transform_0(%arg0: i32) -> (i32, i32) {
    %c0_i32 = arith.constant 0 : i32
    %c0_i32_0 = arith.constant 0 : i32
    return %arg0, %c0_i32 : i32, i32
  }
  func.func @transform_1(%arg0: i32) -> (i32, i32) {
    %c0_i32 = arith.constant 0 : i32
    %c0_i32_0 = arith.constant 0 : i32
    return %arg0, %c0_i32 : i32, i32
  }
  func.func @transform_2(%arg0: i32) -> (i32, i32) {
    %c0_i32 = arith.constant 0 : i32
    %c0_i32_0 = arith.constant 0 : i32
    return %arg0, %c0_i32 : i32, i32
  }
  func.func @transform_3(%arg0: i32) -> (i32, i32, i32) {
    %c0_i32 = arith.constant 0 : i32
    %c0_i32_0 = arith.constant 0 : i32
    %c0_i32_1 = arith.constant 0 : i32
    return %arg0, %c0_i32, %c0_i32_0 : i32, i32, i32
  }
  func.func @transform_4(%arg0: i32) -> (i32, i32) {
    %c0_i32 = arith.constant 0 : i32
    %c0_i32_0 = arith.constant 0 : i32
    %c0_i32_1 = arith.constant 0 : i32
    return %c0_i32, %c0_i32_0 : i32, i32
  }
  func.func @transform_5(%arg0: i32) -> (i32, i32) {
    %c0_i32 = arith.constant 0 : i32
    %c0_i32_0 = arith.constant 0 : i32
    %c0_i32_1 = arith.constant 0 : i32
    return %c0_i32, %c0_i32_0 : i32, i32
  }
  func.func @transform_6(%arg0: i32) -> (i32, i32) {
    %c0_i32 = arith.constant 0 : i32
    %c0_i32_0 = arith.constant 0 : i32
    %c0_i32_1 = arith.constant 0 : i32
    return %c0_i32, %c0_i32_0 : i32, i32
  }
  func.func @transform_7(%arg0: i32) -> (i32, i32) {
    %c0_i32 = arith.constant 0 : i32
    %c0_i32_0 = arith.constant 0 : i32
    %c0_i32_1 = arith.constant 0 : i32
    return %c0_i32, %c0_i32_0 : i32, i32
  }
  func.func @transform_8(%arg0: i32) -> (i32, i32) {
    %c0_i32 = arith.constant 0 : i32
    %c0_i32_0 = arith.constant 0 : i32
    %c0_i32_1 = arith.constant 0 : i32
    return %c0_i32, %c0_i32_0 : i32, i32
  }
  func.func @transform_9(%arg0: i32) -> (i32, i32) {
    %c0_i32 = arith.constant 0 : i32
    %c0_i32_0 = arith.constant 0 : i32
    %c0_i32_1 = arith.constant 0 : i32
    return %c0_i32, %c0_i32_0 : i32, i32
  }
  func.func @transform_10(%arg0: i32) -> (i32, i32) {
    %c0_i32 = arith.constant 0 : i32
    %c0_i32_0 = arith.constant 0 : i32
    %c0_i32_1 = arith.constant 0 : i32
    return %c0_i32, %c0_i32_0 : i32, i32
  }
}

</mosaic_0001>

<sc_bundles>
// kernel: kernel.12.cloned.1.call-start
scs
__scs_entry_jumppad:
0x0: {  	(pc) =	sbr.rel $0x88, $3  }
0x1: {  	(tag) =	ssettag $0x0;
	lr =	simm.s32 $0x1  }
0x2: {  	[smem:$0x3F94] =	sst lr;
	_ =	strace $0xD0000000  }
0x3: {  	_ = 	snop  }
0x4: {  	_ = 	snop  }
0x5: {  	_ = 	snop  }
0x6: {  	_ = 	snop  }
0x7: {  	_ = 	snop  }
__scs_overlays_trampoline_lowered:
0x8: {  	[smem:$0x3FA3] =	sst s0  }
0x9: {  	[smem:$0x3FA4] =	sst s1  }
0xa: {  	[smem:$0x3FA5] =	sst s2  }
0xb: {  	[smem:$0x3FA6] =	sst s3  }
0xc: {  	[smem:$0x3FA7] =	sst s4  }
0xd: {  	[smem:$0x3FA8] =	sst s5  }
0xe: {  	[smem:$0x3FA9] =	sst s6  }
0xf: {  	[smem:$0x3FAA] =	sst s7  }
0x10: {  	[smem:$0x3FAB] =	sst s8  }
0x11: {  	[smem:$0x3FAC] =	sst s9;
	s0 =	simm.s32 @!p0 $0x0  }
0x12: {  	s1 =	sld [smem:$0x3F92];
	s0 =	simm.s32 @p0 $0x1  }
0x13: {  	[smem:$0x3FAD] =	sst s0;
	s0 =	simm.s32 @!p1 $0x0  }
0x14: {  	s2 =	sld [smem:$0x3F91];
	s0 =	simm.s32 @p1 $0x1  }
0x15: {  	[smem:$0x3FAE] =	sst s0;
	s0 =	simm.s32 @!p2 $0x0  }
0x16: {  	s3 =	sld [smem:$0x3FDB];
	s0 =	simm.s32 @p2 $0x1  }
0x17: {  	s4 =	simm.s32 $0x1BF5;
	[smem:$0x3FB0] =	sst s0  }
0x18: {  	s0 =	sld [smem:$0x3F93];
	_ =	swait.ge [sflag:s4], $0x0  }
0x19: {  	s7 =	sld [smem:$0x3F94]  }
0x1a: {  	s8 =	sadd.s32 $0xFFFFE003, lr  }
0x1b: {  	s9 =	sadd.s32 $0xFFFFFEF7, lr;
	s5 =	simm.s32 $0xFFFFFFFF;
	p2 =	slt.u32 s8, $0xFFFFF086  }
0x1c: {  	p1 =	slt.u32 s9, $0xF7A;
	s5 =	simm.s32 @!p2 $0x0  }
0x1d: {  	s5 =	simm.s32 @p1 $0x1;
	p0 =	seq.s32 s7, s2  }
0x1e: {  	s7 =	smul.u32 @!p0 $0xF7A, s2;
	p2 =	seq.s32 @!p0 s5, $0x0  }
0x1f: {  	s9 =	smul.u32 $0xF7A, s1;
	s8 =	simm.s32 @!p0 $0x1BF5;
	p2 =	por !p2, p0  }
0x20: {  	[sflag:s8] =	ssyncset.s32 @!p0 $0xFFFFF086;
	s6 =	sadd.s32 @!p0 s3, s7;
	s7 =	simm.s32 @!p0 $0x108  }
0x21: {  	s3 =	sadd.s32 s3, s9;
	s6 =	sadd.s32 @!p0 $0x88, s6;
	s7 =	simm.s32 @p2 $0x1082  }
0x22: {  	[simem:s7], [sflag:s8] =	dma.local @!p0 [hbm:s6], $0xF7A  }
0x23: {  	s9 =	sor.u32 $0xD0000000, s2;
	s6 =	simm.s32 $0x108;
	_ =	swait.ge @!p0 [sflag:s8], $0x0  }
0x24: {  	s3 =	sadd.s32 $0x88, s3;
	s6 =	simm.s32 @!p1 $0x1082;
	[sflag:s4] =	ssyncset.s32 $0xFFFFF086  }
0x25: {  	[simem:s6], [sflag:s4] =	dma.local [hbm:s3], $0xF7A  }
0x26: {  	[smem:$0x3F94] =	sst s1;
	(tag) =	ssettag s2;
	_ =	strace s9  }
0x27: {  	s1 =	sld [smem:$0x3FA4]  }
0x28: {  	s2 =	sld [smem:$0x3FA5]  }
0x29: {  	s4 =	sld [smem:$0x3FA7]  }
0x2a: {  	p0 =	seq.s32 s5, $0x0;
	s5 =	sld [smem:$0x3FA8]  }
0x2b: {  	s6 =	sld [smem:$0x3FA9]  }
0x2c: {  	s7 =	sld [smem:$0x3FAA]  }
0x2d: {  	s3 =	simm.s32 $0x108;
	s8 =	sld [smem:$0x3FAB]  }
0x2e: {  	s3 =	simm.s32 @!p0 $0x1082;
	s9 =	sld [smem:$0x3FAC]  }
0x2f: {  	lr =	sadd.s32 s0, s3;
	s0 =	sld [smem:$0x3FA3]  }
0x30: {  	s3 =	sld [smem:$0x3FA6]  }
0x31: {  	[smem:$0x3FAF] =	sst s10  }
0x32: {  	s10 =	sld [smem:$0x3FAD];
	_ =	sdelay $0x3  }
0x33: {  	p0 =	seq.s32 s10, $0x1;
	s10 =	sld [smem:$0x3FAF];
	_ =	sdelay $0x3  }
0x34: {  	[smem:$0x3FAF] =	sst s10  }
0x35: {  	s10 =	sld [smem:$0x3FAE];
	_ =	sdelay $0x3  }
0x36: {  	p1 =	seq.s32 s10, $0x1;
	s10 =	sld [smem:$0x3FAF];
	_ =	sdelay $0x3  }
0x37: {  	[smem:$0x3FAF] =	sst s10  }
0x38: {  	s10 =	sld [smem:$0x3FB0]  }
0x39: {  	_ = 	snop;
	(pc) =	sbr.ind lr, $3  }
0x3a: {  	_ = 	snop  }
0x3b: {  	_ = 	snop  }
0x3c: {  	p2 =	seq.s32 s10, $0x1;
	s10 =	sld [smem:$0x3FAF]  }
0x3d: {  	_ =	shalt  }
0x3e: {  	_ =	shalt  }
0x3f: {  	_ =	shalt  }
0x40: {  	_ =	shalt  }
0x41: {  	_ =	shalt  }
0x42: {  	_ =	shalt  }
0x43: {  	_ =	shalt  }
0x44: {  	_ =	shalt  }
0x45: {  	_ =	shalt  }
0x46: {  	_ =	shalt  }
0x47: {  	_ =	shalt  }
0x48: {  	_ =	shalt  }
0x49: {  	_ =	shalt  }
0x4a: {  	_ =	shalt  }
0x4b: {  	_ =	shalt  }
0x4c: {  	_ =	shalt  }
0x4d: {  	_ =	shalt  }
0x4e: {  	_ =	shalt  }
0x4f: {  	_ =	shalt  }
0x50: {  	_ =	shalt  }
0x51: {  	_ =	shalt  }
0x52: {  	_ =	shalt  }
0x53: {  	_ =	shalt  }
0x54: {  	_ =	shalt  }
0x55: {  	_ =	shalt  }
0x56: {  	_ =	shalt  }
0x57: {  	_ =	shalt  }
0x58: {  	_ =	shalt  }
0x59: {  	_ =	shalt  }
0x5a: {  	_ =	shalt  }
0x5b: {  	_ =	shalt  }
0x5c: {  	_ =	shalt  }
0x5d: {  	_ =	shalt  }
0x5e: {  	_ =	shalt  }
0x5f: {  	_ =	shalt  }
0x60: {  	_ =	shalt  }
0x61: {  	_ =	shalt  }
0x62: {  	_ =	shalt  }
0x63: {  	_ =	shalt  }
0x64: {  	_ =	shalt  }
0x65: {  	_ =	shalt  }
0x66: {  	_ =	shalt  }
0x67: {  	_ =	shalt  }
0x68: {  	_ =	shalt  }
0x69: {  	_ =	shalt  }
0x6a: {  	_ =	shalt  }
0x6b: {  	_ =	shalt  }
0x6c: {  	_ =	shalt  }
0x6d: {  	_ =	shalt  }
0x6e: {  	_ =	shalt  }
0x6f: {  	_ =	shalt  }
0x70: {  	_ =	shalt  }
0x71: {  	_ =	shalt  }
0x72: {  	_ =	shalt  }
0x73: {  	_ =	shalt  }
0x74: {  	_ =	shalt  }
0x75: {  	_ =	shalt  }
0x76: {  	_ =	shalt  }
0x77: {  	_ =	shalt  }
0x78: {  	_ =	shalt  }
0x79: {  	_ =	shalt  }
0x7a: {  	_ =	shalt  }
0x7b: {  	_ =	shalt  }
0x7c: {  	_ =	shalt  }
0x7d: {  	_ =	shalt  }
0x7e: {  	_ =	shalt  }
0x7f: {  	_ =	shalt  }
0x80: {  	_ =	shalt  }
0x81: {  	_ =	shalt  }
0x82: {  	_ =	shalt  }
0x83: {  	_ =	shalt  }
0x84: {  	_ =	shalt  }
0x85: {  	_ =	shalt  }
0x86: {  	_ =	shalt  }
0x87: {  	_ =	shalt  }
.Lfunc_end0:
.L_simem_size_0:
called_computation_lowered:
.L_overlay_start_0:
0x88: {  	s2 =	sld [smem:$0x3FD9]  }
0x89: {  	s3 =	sld [smem:$0x3FFE];
	_ =	sdelay $0x1  }
0x8a: {  	s1 =	srdreg.scid  }
0x8b: {  	s0 =	sand.u32 $0x1, s1  }
0x8c: {  	s16 =	sshll.u32 s0, $0xA;
	s2 =	sadd.s32 s3, s2  }
0x8d: {  	s2 =	sadd.s32 s2, s16  }
0x8e: {  	[smem:$0x3FBB] =	sst s2  }
0x8f: {  	_ = 	snop  }
0x90: {  	(tm) =	ssettm $0x1  }
0x91: {  	s17 =	sld [smem:$0x3FFB];
	_ =	sdelay $0x3  }
0x92: {  	_ =	strace s17  }
0x93: {  	s2 =	sld [smem:$0x3FFC];
	_ =	sdelay $0x3  }
0x94: {  	_ =	strace s2  }
0x95: {  	s2 =	sld [smem:$0x3FFD];
	_ =	sdelay $0x3  }
0x96: {  	_ =	strace s2  }
0x97: {  	_ =	strace $0x8FFFFFFF  }
0x98: {  	s18 =	sld [smem:$0x3FDB];
	_ =	sdelay $0x1  }
0x99: {  	s19 =	simm.s32 $_scs_section_size  }
0x9a: {  	s4 =	simm.s32 $_size__tile_overlayer_lowered;
	s5 =	simm.s32 $_tile_overlayer_lowered  }
0x9b: {  	s22 =	simm.s32 $0x1BFF;
	s21 =	sshll.u32 s5, $0x1;
	s2 =	sadd.s32 s19, s18  }
0x9c: {  	s6 =	simm.s32 $0x0;
	s20 =	sshll.u32 s4, $0x1;
	s4 =	sadd.s32 s21, s2  }
0x9d: {  	[timem:s6], [sflag:s22] =	dma.local [hbm:s4], s20  }
0x9e: {  	_ =	swait.ge [sflag:s22], s20  }
0x9f: {  	s3 =	ssub.s32 $0x0, s20;
	[sflag:s22] =	ssyncset.done $0x0  }
0xa0: {  	[sflag:s22] =	ssyncadd.s32 s3;
	_ =	sdelay $0x1  }
0xa1: {  	s23 =	simm.s32 $0x1B8B  }
0xa2: {  	_ =	swait.ge [sflag:s23], $0x1  }
0xa3: {  	[sflag:s23] =	ssyncset.done $0x0  }
0xa4: {  	s25 =	simm.s32 $0x1B8E;
	s24 =	sld [smem:$0x3FFE];
	[sflag:s23] =	ssyncadd.s32 $0xFFFFFFFF  }
0xa5: {  	s26 =	simm.s32 $execute0_lowered;
	[smem:$0x3FD2] =	sst s25  }
0xa6: {  	s4 =	sshll.u32 s26, $0x1;
	_ =	strace $0x80000046;
	[dreg:$0x1] =	wrdreg $0xFFFFFFFF  }
0xa7: {  	s28 =	simm.s32 $_size_execute0_lowered;
	s2 =	sadd.s32 s2, s4;
	[dreg:$0x0] =	wrdreg $0x0  }
0xa8: {  	s4 =	sshll.u32 s28, $0x1;
	[dreg:$0x2] =	wrdreg s2  }
0xa9: {  	[dreg:$0x3] =	wrdreg s4  }
0xaa: {  	[dreg:$0x4] =	wrdreg $0xC0  }
0xab: {  	_ =	task [dreg:s6], $0x5FFFF  }
0xac: {  	[dreg:$0x1] =	wrdreg $0xFFFFFFFF  }
0xad: {  	[dreg:$0x0] =	wrdreg $0x60  }
0xae: {  	[dreg:$0x2] =	wrdreg s24  }
0xaf: {  	[dreg:$0x3] =	wrdreg $0x9  }
0xb0: {  	_ =	task.clear_ibuf [dreg:s6], $0x4FFFF;
	_ =	strace $0x90000046  }
0xb1: {  	s29 =	simm.s32 $0x9;
	_ =	strace $0x80000048  }
0xb2: {  	_ =	swait.ge [sflag:s29], $0x1  }
0xb3: {  	[sflag:s29] =	ssyncadd.s32 $0xFFFFFFFF  }
0xb4: {  	_ =	strace $0x90000048  }
0xb5: {  	_ =	sfence  }
0xb6: {  	s30 =	sld [smem:$0x0];
	_ =	sdelay $0x2  }
0xb7: {  	s31 =	sshll.u32 s1, $0xD;
	s1 =	sshrl.u32 s1, $0x2  }
0xb8: {  	s3 =	sand.u32 $0x4000, s31;
	s1 =	sadd.s32 s1, s30  }
0xb9: {  	s0 =	sor.u32 s3, s0;
	s1 =	sshll.u32 s1, $0x11  }
0xba: {  	s0 =	sor.u32 s1, s0  }
0xbb: {  	s0 =	sadd.s32 $0x8F2B, s0  }
0xbc: {  	[sflag:s0] =	ssyncadd.remote.s32 $0x1  }
0xbd: {  	_ =	sfence.sel $0xFFFF  }
0xbe: {  	[dreg:$0x0] =	wrdreg $0xFFFFFFFF;
	(pc) =	sbr.abs _section_cstart, $3  }
0xbf: {  	[dreg:$0x1] =	wrdreg $0xFFFFFFFF  }
0xc0: {  	_ =	task.clear_ibuf [dreg:s6], $0x2FFFF;
	_ =	strace $0x9FFFFFFF  }
0xc1: {  	(tm) =	ssettm $0x7FFFFFFF  }
tec
execute0_lowered:
.L_overlay_start_1:
0x0: {  	(tag) =	ssettag $0x1  }
0x1: {  	s7 =	rddreg [dreg:$0x0]  }
0x2: {  	s0 =	rddreg [dreg:$0x1]  }
0x3: {  	s1 =	simm.s32 $0x0;
	s3 =	srdreg.scid;
	s11 =	simm.s32 $0x80  }
0x4: {  	s12 =	simm.s32 $0x50;
	s13 =	simm.s32 $0x100;
	s14 =	simm.s32 $0x2900  }
0x5: {  	s15 =	simm.s32 $0x1;
	s16 =	simm.s32 $0x2;
	s17 =	simm.s32 $0x5100  }
0x6: {  	s18 =	simm.s32 $0x0;
	[smem:$0x7FF] =	sst s1;
	s2 =	sadd.s32 $0x1B800, s7  }
0x7: {  	s6 =	sand.u32 $0x1, s3;
	s4 =	sadd.s32 $0x42A00, s7;
	s5 =	sadd.s32 $0x10A00, s7  }
0x8: {  	s3 =	stileid.u32;
	_ =	strace $0x80000047;
	s8 =	ssub.s32 $0x2, s6  }
0x9: {  	s10 =	sshll.u32 s6, $0x4;
	s6 =	sadd.s32 $0x6C00, s7;
	s9 =	sshrl.u32 s8, $0x1  }
0xa: {  	s7 =	sadd.s32 $0x90E00, s7;
	s31 =	sor.u32 s3, s10;
	s9 =	ssub.s32 s8, s9  }
0xb: {  	s10 =	simm.s32 $0x3;
	s8 =	smul.u32 $0x2710, s31;
	s9 =	smax.u32 s9, $0x1  }
.LBB2_1:
0xc: {  	s19 =	simm.s32 $0x0  }
.LBB2_2:
0xd: {  	s20 =	smul.u32 $0x50, s19;
	_ =	sdelay $0x1  }
0xe: {  	s20 =	sadd.s32 s8, s20  }
0xf: {  	s21 =	sshrl.u32 s20, $0x3  }
0x10: {  	s23 =	simm.s32 $0x0;
	s22 =	sadd.s32 s5, s21  }
0x11: {  	[tilespmem:s23], [sflag:$0x3] =	stream.linear.gather [hbm4b:s22+s23], $0x50, $0x38;
	[tilespmem:$0x7900] =	vst v63  }
0x12: {  	_ =	swait.ge [sflag:s10], $0x50  }
0x13: {  	[sflag:s10] =	ssyncset.done $0x0  }
0x14: {  	s21 =	sadd.s32 s6, s21;
	[sflag:s10] =	ssyncadd.s32 $0xFFFFFFB0  }
0x15: {  	[tilespmem:s11], [sflag:$0x3] =	stream.linear.gather [hbm4b:s21+s23], $0x50, $0x38;
	[tilespmem:$0x7900] =	vst v63  }
0x16: {  	_ =	swait.ge [sflag:s10], $0x50  }
0x17: {  	[sflag:s10] =	ssyncset.done $0x0  }
0x18: {  	[sflag:s10] =	ssyncadd.s32 $0xFFFFFFB0  }
0x19: {  	[tilespmem:s13], [sflag:$0x1] =	stream.indirect.gather [hbm4b:s2+s12], $0x80, s23, s12, $0xb8;
	[tilespmem:$0x7900] =	vst v63  }
0x1a: {  	_ = 	snop  }
0x1b: {  	[tilespmem:s14], [sflag:$0x2] =	stream.indirect.gather [hbm4b:s4+s12], $0x80, s11, s12, $0xb8;
	[tilespmem:$0x7900] =	vst v63  }
0x1c: {  	_ =	swait.ge [sflag:s15], $0x2800  }
0x1d: {  	[sflag:s15] =	ssyncset.done $0x0  }
0x1e: {  	[sflag:s15] =	ssyncadd.s32 $0xFFFFD800  }
0x1f: {  	_ =	swait.ge [sflag:s16], $0x2800  }
0x20: {  	[sflag:s16] =	ssyncset.done $0x0  }
0x21: {  	s22 =	simm.s32 $0x0;
	[sflag:s16] =	ssyncadd.s32 $0xFFFFD800  }
0x22: {  	v0 =	vld [tilespmem:s22+$0x170]  }
0x23: {  	v1 =	vld [tilespmem:s22+$0x2970]  }
0x24: {  	v2 =	vld [tilespmem:s22+$0x140]  }
0x25: {  	v3 =	vld [tilespmem:s22+$0x2940]  }
0x26: {  	v4 =	vld [tilespmem:s22+$0x150]  }
0x27: {  	v5 =	vld [tilespmem:s22+$0x2950]  }
0x28: {  	v6 =	vld [tilespmem:s22+$0x160];
	v0 =	vadd.f32 v1, v0  }
0x29: {  	v7 =	vld [tilespmem:s22+$0x100]  }
0x2a: {  	v1 =	vld [tilespmem:s22+$0x2960];
	v8 =	vand.u32 $0x7FFFFFFF, v0  }
0x2b: {  	v2 =	vadd.f32 v3, v2;
	v3 =	vld [tilespmem:s22+$0x130];
	v8 =	vsub.f32 $0.0e+00, v8  }
0x2c: {  	v4 =	vadd.f32 v5, v4;
	v5 =	vld [tilespmem:s22+$0x2930]  }
0x2d: {  	v10 =	vld [tilespmem:s22+$0x2900];
	v9 =	vand.u32 $0x7FFFFFFF, v2;
	v8 =	vmul.f32 $1.442695020e+00, v8  }
0x2e: {  	v11 =	vld [tilespmem:s22+$0x110];
	v9 =	vsub.f32 $0.0e+00, v9  }
0x2f: {  	v14 =	vld [tilespmem:s22+$0x2920];
	v1 =	vadd.f32 v1, v6;
	(erf) = vpow2.f32 v8  }
0x30: {  	v12 =	vand.u32 $0x7FFFFFFF, v4;
	v6 =	vld [tilespmem:s22+$0x2910];
	v8 =	vmul.f32 $1.442695020e+00, v9  }
0x31: {  	v12 =	vsub.f32 $0.0e+00, v12;
	v15 =	vadd.f32 v5, v3;
	v9 =	vld [tilespmem:s22+$0x120];
	v13 =	vand.u32 $0x7FFFFFFF, v1  }
0x32: {  	v3 =	vadd.f32 v10, v7;
	v13 =	vsub.f32 $0.0e+00, v13;
	(erf) = vpow2.f32 v8  }
0x33: {  	v12 =	vmul.f32 $1.442695020e+00, v12;
	v7 =	vand.u32 $0x7FFFFFFF, v15  }
0x34: {  	v7 =	vsub.f32 $0.0e+00, v7;
	v8 =	vand.u32 $0x7FFFFFFF, v3;
	v5 =	vmul.f32 $1.442695020e+00, v13  }
0x35: {  	(erf) = vpow2.f32 v12;
	v10 =	vadd.f32 v6, v11;
	v6 =	vsub.f32 $0.0e+00, v8  }
0x36: {  	(erf) = vpow2.f32 v5;
	v8 =	vadd.f32 v14, v9;
	v5 =	vmul.f32 $1.442695020e+00, v7;
	_ =	sdelay $0x1  }
0x37: {  	v9 =	vand.u32 $0x7FFFFFFF, v8;
	(erf) = vpow2.f32 v5;
	v11 =	vpop (erf)  }
0x38: {  	v6 =	vmul.f32 $1.442695020e+00, v6;
	v5 =	vsub.f32 $0.0e+00, v9;
	v9 =	vmul.f32 $1.833792400e-02, v11  }
0x39: {  	v7 =	vand.u32 $0x7FFFFFFF, v10  }
0x3a: {  	v7 =	vsub.f32 $0.0e+00, v7;
	(erf) = vpow2.f32 v6;
	v13 =	vpop (erf);
	v9 =	vsub.f32 $8.556748180e-02, v9  }
0x3b: {  	v6 =	vmax.f32 v2, $0.0e+00;
	v2 =	vmul.f32 $1.833792400e-02, v13  }
0x3c: {  	vm0 =	vge.f32 v3, $0.0e+00;
	v7 =	vmul.f32 $1.442695020e+00, v7;
	v9 =	vmul.f32 v9, v11  }
0x3d: {  	vm1 =	vge.f32 v10, $0.0e+00;
	v12 =	vmul.f32 $1.442695020e+00, v5;
	v5 =	vmax.f32 v4, $0.0e+00;
	v14 =	vpop (erf)  }
0x3e: {  	(erf) = vpow2.f32 v7;
	v4 =	vmul.f32 $1.833792400e-02, v14;
	v9 =	vadd.f32 $-1.937587410e-01, v9  }
0x3f: {  	v7 =	vmax.f32 v1, $0.0e+00;
	(erf) = vpow2.f32 v12;
	v1 =	vsub.f32 $8.556748180e-02, v2;
	v2 =	vpop (erf)  }
0x40: {  	v4 =	vsub.f32 $8.556748180e-02, v4;
	v12 =	vmul.f32 $1.833792400e-02, v2;
	v10 =	vpop (erf);
	v9 =	vmul.f32 v9, v11  }
0x41: {  	vm2 =	vge.f32 v8, $0.0e+00;
	v1 =	vmul.f32 v1, v13;
	v8 =	vadd.f32 $1.000000000e+00, v10  }
0x42: {  	v3 =	vmul.f32 v4, v14;
	v4 =	vsub.f32 $8.556748180e-02, v12;
	v9 =	vadd.f32 $3.176482920e-01, v9  }
0x43: {  	v1 =	vadd.f32 $-1.937587410e-01, v1;
	v10 =	vpop (erf);
	(erf) = vrcp.f32 v8  }
0x44: {  	v10 =	vadd.f32 $1.000000000e+00, v10;
	v4 =	vmul.f32 v4, v2;
	v9 =	vmul.f32 v9, v11  }
0x45: {  	v3 =	vadd.f32 $-1.937587410e-01, v3;
	v1 =	vmul.f32 v1, v13  }
0x46: {  	v4 =	vadd.f32 $-1.937587410e-01, v4;
	v9 =	vadd.f32 $-4.978750050e-01, v9  }
0x47: {  	s21 =	simm.s32 $0x80;
	v3 =	vmul.f32 v3, v14;
	v8 =	vpop (erf);
	v1 =	vadd.f32 $3.176482920e-01, v1;
	(erf) = vrcp.f32 v10  }
0x48: {  	v16 =	vld [tilespmem:s21+$0x2940];
	v8 =	vadd.f32 $1.000000000e+00, v8;
	v10 =	vpop (erf);
	v4 =	vmul.f32 v4, v2;
	v9 =	vmul.f32 v9, v11  }
0x49: {  	v12 =	vld [tilespmem:s21+$0x2970];
	v3 =	vadd.f32 $3.176482920e-01, v3;
	v1 =	vmul.f32 v1, v13;
	v10 =	vadd.f32 $1.000000000e+00, v10  }
0x4a: {  	(erf) = vrcp.f32 v8;
	v8 =	vld [tilespmem:s21+$0x170];
	v4 =	vadd.f32 $3.176482920e-01, v4;
	v9 =	vadd.f32 $9.999016520e-01, v9  }
0x4b: {  	v17 =	vld [tilespmem:s21+$0x150];
	v0 =	vmax.f32 v0, $0.0e+00;
	v3 =	vmul.f32 v3, v14;
	(erf) = vrcp.f32 v10  }
0x4c: {  	v1 =	vadd.f32 $-4.978750050e-01, v1;
	v10 =	vld [tilespmem:s21+$0x140];
	v4 =	vmul.f32 v4, v2;
	v9 =	vmul.f32 v9, v11;
	v11 =	vpop (erf)  }
0x4d: {  	v19 =	vld [tilespmem:s21+$0x2950];
	vm3 =	vge.f32 v15, $0.0e+00;
	v3 =	vadd.f32 $-4.978750050e-01, v3;
	v20 =	vsub.f32 $1.000000000e+00, v11  }
0x4e: {  	v21 =	vld [tilespmem:s21+$0x160];
	v1 =	vmul.f32 v1, v13;
	v4 =	vadd.f32 $-4.978750050e-01, v4;
	v0 =	vadd.f32 v9, v0  }
0x4f: {  	v18 =	vmul.f32 v3, v14;
	v3 =	vadd.f32 v12, v8;
	v8 =	vld [tilespmem:s21+$0x2960];
	v11 =	vsel vm3, v11, v20  }
0x50: {  	v1 =	vadd.f32 $9.999016520e-01, v1;
	v12 =	vld [tilespmem:s21+$0x100];
	v4 =	vmul.f32 v4, v2;
	v0 =	vmul.f32 v0, v11  }
0x51: {  	v10 =	vadd.f32 v16, v10;
	v15 =	vand.u32 $0x7FFFFFFF, v3;
	v11 =	vld [tilespmem:s21+$0x130]  }
0x52: {  	v13 =	vmul.f32 v1, v13;
	v15 =	vsub.f32 $0.0e+00, v15;
	v1 =	vadd.f32 $9.999016520e-01, v4;
	v4 =	vld [tilespmem:s21+$0x2930];
	[tilespmem:s22+$0x5130] =	vst v0  }
0x53: {  	v17 =	vadd.f32 v19, v17;
	v9 =	vadd.f32 $9.999016520e-01, v18;
	v0 =	vld [tilespmem:s21+$0x2900]  }
0x54: {  	v16 =	vand.u32 $0x7FFFFFFF, v10;
	v15 =	vmul.f32 $1.442695020e+00, v15;
	v18 =	vmul.f32 v1, v2;
	v1 =	vld [tilespmem:s21+$0x110]  }
0x55: {  	v16 =	vsub.f32 $0.0e+00, v16;
	v8 =	vadd.f32 v8, v21;
	v22 =	vld [tilespmem:s21+$0x2910]  }
0x56: {  	v9 =	vmul.f32 v9, v14;
	v14 =	vpop (erf);
	v2 =	vand.u32 $0x7FFFFFFF, v17;
	(erf) = vpow2.f32 v15;
	v15 =	vld [tilespmem:s21+$0x120]  }
0x57: {  	v16 =	vmul.f32 $1.442695020e+00, v16;
	v23 =	vand.u32 $0x7FFFFFFF, v8;
	v26 =	vld [tilespmem:s21+$0x2920];
	v2 =	vsub.f32 $0.0e+00, v2  }
0x58: {  	vm0 =	vmmov vm0;
	v13 =	vadd.f32 v13, v6;
	v23 =	vsub.f32 $0.0e+00, v23  }
0x59: {  	(erf) = vpow2.f32 v16;
	v2 =	vmul.f32 $1.442695020e+00, v2;
	v4 =	vadd.f32 v4, v11  }
0x5a: {  	v19 =	vpop (erf);
	v11 =	vadd.f32 v0, v12;
	v0 =	vmax.f32 v10, $0.0e+00;
	v10 =	vmul.f32 $1.442695020e+00, v23  }
0x5b: {  	v61 =	vpop (erf);
	v12 =	vand.u32 $0x7FFFFFFF, v4;
	(erf) = vpow2.f32 v2;
	v16 =	vadd.f32 v22, v1  }
0x5c: {  	v15 =	vadd.f32 v26, v15;
	v12 =	vsub.f32 $0.0e+00, v12;
	v2 =	vand.u32 $0x7FFFFFFF, v11  }
0x5d: {  	(erf) = vpow2.f32 v10;
	v10 =	vand.u32 $0x7FFFFFFF, v16;
	v2 =	vsub.f32 $0.0e+00, v2  }
0x5e: {  	v1 =	vmax.f32 v17, $0.0e+00;
	v12 =	vmul.f32 $1.442695020e+00, v12;
	v10 =	vsub.f32 $0.0e+00, v10  }
0x5f: {  	v62 =	vand.u32 $0x7FFFFFFF, v15;
	v17 =	vmul.f32 $1.442695020e+00, v2;
	v2 =	vmax.f32 v8, $0.0e+00  }
0x60: {  	(erf) = vpow2.f32 v12;
	v8 =	vpop (erf);
	v6 =	vmul.f32 $1.442695020e+00, v10;
	v12 =	vsub.f32 $0.0e+00, v62  }
0x61: {  	vm1 =	vmmov vm1;
	v20 =	vsub.f32 $1.000000000e+00, v14;
	v63 =	vmul.f32 $1.833792400e-02, v8  }
0x62: {  	v10 =	vadd.f32 v9, v5;
	v9 =	vadd.f32 v18, v7;
	v7 =	vmul.f32 $1.442695020e+00, v12  }
0x63: {  	v24 =	vsub.f32 $1.000000000e+00, v19;
	v5 =	vpop (erf);
	(erf) = vpow2.f32 v17;
	v12 =	vsub.f32 $8.556748180e-02, v63  }
0x64: {  	vm4 =	vge.f32 v11, $0.0e+00;
	v11 =	vmul.f32 $1.833792400e-02, v5;
	(erf) = vpow2.f32 v6;
	v6 =	vpop (erf)  }
0x65: {  	vm3 =	vge.f32 v16, $0.0e+00;
	v16 =	vmul.f32 $1.833792400e-02, v6;
	v12 =	vmul.f32 v12, v8  }
0x66: {  	vm5 =	vge.f32 v15, $0.0e+00;
	v11 =	vsub.f32 $8.556748180e-02, v11;
	(erf) = vpow2.f32 v7;
	v7 =	vpop (erf)  }
0x67: {  	v15 =	vsub.f32 $8.556748180e-02, v16;
	v16 =	vmul.f32 $1.833792400e-02, v7;
	v17 =	vadd.f32 $-1.937587410e-01, v12  }
0x68: {  	v14 =	vsel vm0, v14, v20;
	v18 =	vmul.f32 v11, v5;
	v12 =	vsel vm1, v19, v24  }
0x69: {  	v15 =	vmul.f32 v15, v6;
	v16 =	vsub.f32 $8.556748180e-02, v16;
	v17 =	vmul.f32 v17, v8;
	v19 =	vpop (erf)  }
0x6a: {  	v13 =	vmul.f32 v13, v14;
	v18 =	vadd.f32 $-1.937587410e-01, v18;
	v19 =	vadd.f32 $1.000000000e+00, v19  }
0x6b: {  	v14 =	vadd.f32 $-1.937587410e-01, v15;
	v15 =	vmul.f32 v16, v7;
	v16 =	vadd.f32 $3.176482920e-01, v17  }
0x6c: {  	v18 =	vmul.f32 v18, v5  }
0x6d: {  	vm2 =	vmmov vm2;
	v16 =	vmul.f32 v16, v8  }
0x6e: {  	v25 =	vsub.f32 $1.000000000e+00, v61;
	v18 =	vadd.f32 $3.176482920e-01, v18;
	v17 =	vpop (erf);
	v14 =	vmul.f32 v14, v6  }
0x6f: {  	(erf) = vrcp.f32 v19;
	v15 =	vadd.f32 $-1.937587410e-01, v15;
	v17 =	vadd.f32 $1.000000000e+00, v17;
	v19 =	vpop (erf)  }
0x70: {  	v11 =	vsel vm2, v61, v25;
	v19 =	vadd.f32 $1.000000000e+00, v19;
	v14 =	vadd.f32 $3.176482920e-01, v14  }
0x71: {  	v15 =	vmul.f32 v15, v7;
	v20 =	vadd.f32 $-4.978750050e-01, v16;
	(erf) = vrcp.f32 v17;
	v16 =	vpop (erf)  }
0x72: {  	s23 =	simm.s32 $0x100;
	[tilespmem:s22+$0x5100] =	vst v13;
	v18 =	vmul.f32 v18, v5;
	(erf) = vrcp.f32 v19;
	v16 =	vadd.f32 $1.000000000e+00, v16  }
0x73: {  	s24 =	simm.s32 $0x600;
	v13 =	vld [tilespmem:s23+$0x170];
	v17 =	vmul.f32 v14, v6;
	v14 =	vadd.f32 $3.176482920e-01, v15;
	v15 =	vmul.f32 v20, v8  }
.LBB2_3:
0x74: {  	v18 =	vadd.f32 $-4.978750050e-01, v18;
	(erf) = vrcp.f32 v16;
	v10 =	vmul.f32 v10, v12  }
0x75: {  	p0 =	sne.s32 s24, $0x9E00;
	v19 =	vld [tilespmem:s23+$0x2970];
	vm2 =	vmmov vm4;
	vm0 =	vmmov vm3;
	vm1 =	vmmov vm5  }
0x76: {  	v12 =	vld [tilespmem:s23+$0x140];
	v16 =	vadd.f32 $-4.978750050e-01, v17;
	v14 =	vmul.f32 v14, v7;
	v20 =	vadd.f32 $9.999016520e-01, v15  }
0x77: {  	v9 =	vmul.f32 v9, v11;
	v17 =	vld [tilespmem:s23+$0x2940];
	v18 =	vmul.f32 v18, v5;
	[tilespmem:s22+$0x5110] =	vst v10  }
0x78: {  	v10 =	vld [tilespmem:s23+$0x150];
	v11 =	vmul.f32 v16, v6;
	v14 =	vadd.f32 $-4.978750050e-01, v14;
	v8 =	vmul.f32 v20, v8;
	v15 =	vpop (erf)  }
0x79: {  	v21 =	vmax.f32 v3, $0.0e+00;
	v16 =	vld [tilespmem:s23+$0x2950];
	v18 =	vadd.f32 $9.999016520e-01, v18;
	v20 =	vsub.f32 $1.000000000e+00, v15;
	[tilespmem:s22+$0x5120] =	vst v9;
	s22 =	smov.u32 s21;
	s21 =	smov.u32 s23  }
0x7a: {  	vm3 =	vge.f32 v4, $0.0e+00;
	v9 =	vld [tilespmem:s21+$0x160];
	v3 =	vadd.f32 v19, v13;
	v4 =	vadd.f32 v8, v21;
	v13 =	vpop (erf)  }
0x7b: {  	v21 =	vadd.f32 $9.999016520e-01, v11;
	v14 =	vmul.f32 v14, v7;
	v8 =	vld [tilespmem:s21+$0x2960];
	v20 =	vsel vm3, v15, v20  }
0x7c: {  	v19 =	vld [tilespmem:s21+$0x100];
	v12 =	vadd.f32 v17, v12;
	v17 =	vand.u32 $0x7FFFFFFF, v3;
	v4 =	vmul.f32 v4, v20;
	v15 =	vpop (erf)  }
0x7d: {  	v5 =	vmul.f32 v18, v5;
	v14 =	vadd.f32 $9.999016520e-01, v14;
	v20 =	vld [tilespmem:s21+$0x130];
	v17 =	vsub.f32 $0.0e+00, v17  }
0x7e: {  	v6 =	vmul.f32 v21, v6;
	v18 =	vand.u32 $0x7FFFFFFF, v12;
	v10 =	vadd.f32 v16, v10;
	v16 =	vld [tilespmem:s21+$0x2930];
	[tilespmem:s22+$0x5130] =	vst v4;
	v11 =	vpop (erf)  }
0x7f: {  	v7 =	vmul.f32 v14, v7;
	v21 =	vld [tilespmem:s21+$0x2900];
	v4 =	vsub.f32 $0.0e+00, v18;
	v17 =	vmul.f32 $1.442695020e+00, v17  }
0x80: {  	v22 =	vsub.f32 $1.000000000e+00, v13;
	v14 =	vld [tilespmem:s21+$0x110];
	v18 =	vand.u32 $0x7FFFFFFF, v10;
	v8 =	vadd.f32 v8, v9  }
0x81: {  	v9 =	vmul.f32 $1.442695020e+00, v4;
	v23 =	vld [tilespmem:s21+$0x2910];
	v4 =	vsub.f32 $0.0e+00, v18;
	(erf) = vpow2.f32 v17  }
0x82: {  	v24 =	vsub.f32 $1.000000000e+00, v15;
	v25 =	vsub.f32 $1.000000000e+00, v11;
	v17 =	vld [tilespmem:s21+$0x120];
	v18 =	vand.u32 $0x7FFFFFFF, v8  }
0x83: {  	v26 =	vmul.f32 $1.442695020e+00, v4;
	v27 =	vld [tilespmem:s21+$0x2920];
	v18 =	vsub.f32 $0.0e+00, v18;
	v4 =	vadd.f32 v16, v20  }
0x84: {  	v12 =	vmax.f32 v12, $0.0e+00;
	v16 =	vadd.f32 v21, v19;
	(erf) = vpow2.f32 v9  }
0x85: {  	v9 =	vmul.f32 $1.442695020e+00, v18;
	v18 =	vand.u32 $0x7FFFFFFF, v4;
	(erf) = vpow2.f32 v26  }
0x86: {  	v19 =	vand.u32 $0x7FFFFFFF, v16;
	v14 =	vadd.f32 v23, v14;
	v18 =	vsub.f32 $0.0e+00, v18  }
0x87: {  	v20 =	vmax.f32 v10, $0.0e+00;
	v19 =	vsub.f32 $0.0e+00, v19;
	(erf) = vpow2.f32 v9  }
0x88: {  	v9 =	vand.u32 $0x7FFFFFFF, v14;
	v17 =	vadd.f32 v27, v17;
	v10 =	vmul.f32 $1.442695020e+00, v18  }
0x89: {  	v18 =	vmul.f32 $1.442695020e+00, v19;
	v9 =	vsub.f32 $0.0e+00, v9;
	v19 =	vmax.f32 v8, $0.0e+00  }
0x8a: {  	v23 =	vadd.f32 v5, v0;
	v21 =	vand.u32 $0x7FFFFFFF, v17;
	(erf) = vpow2.f32 v10;
	v8 =	vpop (erf)  }
0x8b: {  	v0 =	vmovc v12;
	v26 =	vmul.f32 $1.442695020e+00, v9;
	v27 =	vsub.f32 $0.0e+00, v21;
	v21 =	vmul.f32 $1.833792400e-02, v8  }
0x8c: {  	v10 =	vadd.f32 v6, v1;
	v1 =	vmovc v20;
	v9 =	vadd.f32 v7, v2;
	v2 =	vmovc v19;
	(erf) = vpow2.f32 v18  }
0x8d: {  	v18 =	vmul.f32 $1.442695020e+00, v27;
	v12 =	vsub.f32 $8.556748180e-02, v21;
	v5 =	vpop (erf);
	(erf) = vpow2.f32 v26  }
0x8e: {  	vm4 =	vge.f32 v16, $0.0e+00;
	vm3 =	vge.f32 v14, $0.0e+00;
	v16 =	vmul.f32 $1.833792400e-02, v5;
	v6 =	vpop (erf)  }
0x8f: {  	vm5 =	vge.f32 v17, $0.0e+00;
	v14 =	vmul.f32 $1.833792400e-02, v6;
	v12 =	vmul.f32 v12, v8  }
0x90: {  	v13 =	vsel vm2, v13, v22;
	v16 =	vsub.f32 $8.556748180e-02, v16;
	(erf) = vpow2.f32 v18;
	v7 =	vpop (erf)  }
0x91: {  	v14 =	vsub.f32 $8.556748180e-02, v14;
	v17 =	vmul.f32 $1.833792400e-02, v7;
	v19 =	vadd.f32 $-1.937587410e-01, v12  }
0x92: {  	v11 =	vsel vm1, v11, v25;
	v12 =	vsel vm0, v15, v24;
	v16 =	vmul.f32 v16, v5  }
0x93: {  	v14 =	vmul.f32 v14, v6;
	v15 =	vsub.f32 $8.556748180e-02, v17;
	v17 =	vmul.f32 v19, v8;
	v18 =	vpop (erf)  }
0x94: {  	v13 =	vmul.f32 v23, v13;
	v16 =	vadd.f32 $-1.937587410e-01, v16;
	v18 =	vadd.f32 $1.000000000e+00, v18  }
0x95: {  	v14 =	vadd.f32 $-1.937587410e-01, v14;
	v15 =	vmul.f32 v15, v7;
	v17 =	vadd.f32 $3.176482920e-01, v17;
	v19 =	vpop (erf)  }
0x96: {  	v19 =	vadd.f32 $1.000000000e+00, v19;
	v16 =	vmul.f32 v16, v5;
	v20 =	vpop (erf);
	(erf) = vrcp.f32 v18;
	[tilespmem:s22+$0x5100] =	vst v13  }
.Ltmp0:
0x97: {  	v18 =	vmul.f32 v14, v6;
	v14 =	vadd.f32 $-1.937587410e-01, v15;
	v15 =	vmul.f32 v17, v8;
	(pc) =	sbr.rel @p0 .LBB2_3-.Ltmp0, $4  }
0x98: {  	v17 =	vadd.f32 $1.000000000e+00, v20;
	v16 =	vadd.f32 $3.176482920e-01, v16;
	(erf) = vrcp.f32 v19  }
0x99: {  	v19 =	vadd.f32 $3.176482920e-01, v18;
	v14 =	vmul.f32 v14, v7;
	v15 =	vadd.f32 $-4.978750050e-01, v15;
	v13 =	vpop (erf)  }
0x9a: {  	s23 =	sshra.s32 s24, $0x2;
	v18 =	vmul.f32 v16, v5;
	v16 =	vadd.f32 $1.000000000e+00, v13;
	(erf) = vrcp.f32 v17  }
0x9b: {  	s24 =	sadd.s32 $0x200, s24;
	v13 =	vld [tilespmem:s23+$0x170];
	v17 =	vmul.f32 v19, v6;
	v14 =	vadd.f32 $3.176482920e-01, v14;
	v15 =	vmul.f32 v15, v8  }
0x9c: {  	v10 =	vmul.f32 v10, v12;
	v18 =	vadd.f32 $-4.978750050e-01, v18  }
0x9d: {  	v19 =	vld [tilespmem:s23+$0x2970];
	(erf) = vrcp.f32 v16;
	vm0 =	vmmov vm4;
	v9 =	vmul.f32 v9, v11  }
0x9e: {  	v32 =	vld [tilespmem:s23+$0x140];
	vm1 =	vmmov vm3;
	v34 =	vmul.f32 v14, v7;
	v35 =	vadd.f32 $9.999016520e-01, v15  }
0x9f: {  	v20 =	vld [tilespmem:s23+$0x2940];
	vm2 =	vmmov vm5;
	v33 =	vadd.f32 $-4.978750050e-01, v17;
	[tilespmem:s22+$0x5110] =	vst v10;
	v37 =	vmul.f32 v18, v5  }
0xa0: {  	v42 =	vmax.f32 v3, $0.0e+00;
	v36 =	vld [tilespmem:s23+$0x150];
	v10 =	vadd.f32 $-4.978750050e-01, v34;
	v8 =	vmul.f32 v35, v8;
	v39 =	vpop (erf)  }
0xa1: {  	v38 =	vld [tilespmem:s23+$0x2950];
	v16 =	vmul.f32 v33, v6;
	[tilespmem:s22+$0x5120] =	vst v9;
	v40 =	vadd.f32 $9.999016520e-01, v37;
	v41 =	vsub.f32 $1.000000000e+00, v39  }
0xa2: {  	vm8 =	vge.f32 v4, $0.0e+00;
	v21 =	vld [tilespmem:s23+$0x160];
	v3 =	vadd.f32 v19, v13;
	v43 =	vadd.f32 v8, v42  }
0xa3: {  	v44 =	vld [tilespmem:s23+$0x2960];
	v45 =	vadd.f32 $9.999016520e-01, v16;
	v10 =	vmul.f32 v10, v7;
	v14 =	vsel vm8, v39, v41  }
0xa4: {  	v46 =	vld [tilespmem:s23+$0x100];
	v12 =	vadd.f32 v20, v32;
	v54 =	vpop (erf);
	v49 =	vmul.f32 v40, v5;
	v4 =	vmul.f32 v43, v14  }
0xa5: {  	v48 =	vld [tilespmem:s23+$0x130];
	v61 =	vsub.f32 $1.000000000e+00, v54;
	v47 =	vand.u32 $0x7FFFFFFF, v3;
	v50 =	vadd.f32 $9.999016520e-01, v10  }
0xa6: {  	v51 =	vld [tilespmem:s23+$0x2930];
	v52 =	vand.u32 $0x7FFFFFFF, v12;
	v53 =	vmul.f32 v45, v6;
	v16 =	vsub.f32 $0.0e+00, v47;
	[tilespmem:s21+$0x5130] =	vst v4  }
0xa7: {  	v12 =	vmax.f32 v12, $0.0e+00;
	v3 =	vmax.f32 v3, $0.0e+00;
	v11 =	vadd.f32 v38, v36;
	v55 =	vld [tilespmem:s23+$0x2900]  }
0xa8: {  	v58 =	vpop (erf);
	v56 =	vsub.f32 $0.0e+00, v52;
	v8 =	vadd.f32 v44, v21;
	v16 =	vmul.f32 $1.442695020e+00, v16;
	v59 =	vld [tilespmem:s23+$0x110]  }
0xa9: {  	v24 =	vsub.f32 $1.000000000e+00, v58;
	v0 =	vadd.f32 v49, v0;
	v60 =	vand.u32 $0x7FFFFFFF, v11;
	v22 =	vld [tilespmem:s23+$0x2910]  }
0xaa: {  	v63 =	vld [tilespmem:s23+$0x120];
	v19 =	vsub.f32 $0.0e+00, v60;
	v23 =	vand.u32 $0x7FFFFFFF, v8;
	(erf) = vpow2.f32 v16  }
0xab: {  	v10 =	vadd.f32 v51, v48;
	v17 =	vmul.f32 $1.442695020e+00, v56;
	v26 =	vld [tilespmem:s23+$0x2920];
	v23 =	vsub.f32 $0.0e+00, v23  }
0xac: {  	v57 =	vmul.f32 v50, v7;
	v1 =	vadd.f32 v53, v1;
	v19 =	vmul.f32 $1.442695020e+00, v19  }
0xad: {  	v28 =	vand.u32 $0x7FFFFFFF, v10;
	(erf) = vpow2.f32 v17;
	v27 =	vmul.f32 $1.442695020e+00, v23  }
0xae: {  	v15 =	vsub.f32 $0.0e+00, v28;
	v13 =	vadd.f32 v55, v46;
	(erf) = vpow2.f32 v19  }
0xaf: {  	v62 =	vpop (erf);
	v4 =	vsel vm0, v54, v61;
	v18 =	vadd.f32 v22, v59;
	(erf) = vpow2.f32 v27  }
0xb0: {  	v15 =	vmul.f32 $1.442695020e+00, v15;
	v16 =	vadd.f32 v26, v63;
	v29 =	vand.u32 $0x7FFFFFFF, v13  }
0xb1: {  	v25 =	vsub.f32 $1.000000000e+00, v62;
	v30 =	vand.u32 $0x7FFFFFFF, v18;
	v17 =	vsub.f32 $0.0e+00, v29  }
0xb2: {  	v31 =	vand.u32 $0x7FFFFFFF, v16;
	(erf) = vpow2.f32 v15;
	v14 =	vsub.f32 $0.0e+00, v30  }
0xb3: {  	v0 =	vmul.f32 v0, v4;
	v34 =	vsub.f32 $0.0e+00, v31;
	v17 =	vmul.f32 $1.442695020e+00, v17;
	v32 =	vpop (erf)  }
0xb4: {  	v11 =	vmax.f32 v11, $0.0e+00;
	v33 =	vmul.f32 $1.442695020e+00, v14;
	v35 =	vmul.f32 $1.833792400e-02, v32  }
0xb5: {  	v9 =	vsel vm1, v58, v24;
	v36 =	vmul.f32 $1.442695020e+00, v34;
	(erf) = vpow2.f32 v17  }
0xb6: {  	v1 =	vmul.f32 v1, v9;
	v38 =	vpop (erf);
	(erf) = vpow2.f32 v33;
	v37 =	vsub.f32 $8.556748180e-02, v35  }
0xb7: {  	v8 =	vmax.f32 v8, $0.0e+00;
	v39 =	vmul.f32 $1.833792400e-02, v38;
	v40 =	vpop (erf);
	(erf) = vpow2.f32 v36  }
0xb8: {  	v2 =	vadd.f32 v57, v2;
	v41 =	vmul.f32 $1.833792400e-02, v40;
	v42 =	vpop (erf);
	v7 =	vmul.f32 v37, v32  }
0xb9: {  	vm15 =	vge.f32 v10, $0.0e+00;
	v5 =	vsub.f32 $8.556748180e-02, v39;
	v44 =	vmul.f32 $1.833792400e-02, v42  }
0xba: {  	v45 =	vsel vm2, v62, v25;
	v43 =	vsub.f32 $8.556748180e-02, v41;
	v7 =	vadd.f32 $-1.937587410e-01, v7  }
0xbb: {  	vm11 =	vge.f32 v16, $0.0e+00;
	v46 =	vpop (erf);
	v5 =	vmul.f32 v5, v38;
	v17 =	vsub.f32 $8.556748180e-02, v44  }
0xbc: {  	v19 =	vadd.f32 $1.000000000e+00, v46;
	v16 =	vmul.f32 v43, v40;
	v7 =	vmul.f32 v7, v32  }
0xbd: {  	v2 =	vmul.f32 v2, v45;
	v5 =	vadd.f32 $-1.937587410e-01, v5;
	v48 =	vmul.f32 v17, v42  }
0xbe: {  	v47 =	vadd.f32 $-1.937587410e-01, v16;
	v49 =	vpop (erf);
	(erf) = vrcp.f32 v19;
	v7 =	vadd.f32 $3.176482920e-01, v7  }
0xbf: {  	v5 =	vmul.f32 v5, v38;
	v17 =	vadd.f32 $1.000000000e+00, v49;
	v50 =	vpop (erf);
	v16 =	vadd.f32 $-1.937587410e-01, v48  }
0xc0: {  	v4 =	vmul.f32 v47, v40;
	v19 =	vadd.f32 $1.000000000e+00, v50;
	v7 =	vmul.f32 v7, v32  }
0xc1: {  	v5 =	vadd.f32 $3.176482920e-01, v5;
	v51 =	vpop (erf);
	(erf) = vrcp.f32 v17;
	v16 =	vmul.f32 v16, v42  }
0xc2: {  	v17 =	vadd.f32 $1.000000000e+00, v51;
	v4 =	vadd.f32 $3.176482920e-01, v4;
	(erf) = vrcp.f32 v19  }
0xc3: {  	v5 =	vmul.f32 v5, v38;
	v7 =	vadd.f32 $-4.978750050e-01, v7;
	v16 =	vadd.f32 $3.176482920e-01, v16  }
0xc4: {  	vm9 =	vge.f32 v13, $0.0e+00;
	(erf) = vrcp.f32 v17;
	v4 =	vmul.f32 v4, v40  }
0xc5: {  	v5 =	vadd.f32 $-4.978750050e-01, v5;
	v7 =	vmul.f32 v7, v32;
	v52 =	vmul.f32 v16, v42  }
0xc6: {  	vm10 =	vge.f32 v18, $0.0e+00;
	vm12 =	vmmov vm9;
	v4 =	vadd.f32 $-4.978750050e-01, v4  }
0xc7: {  	v5 =	vmul.f32 v5, v38;
	v7 =	vadd.f32 $9.999016520e-01, v7;
	v9 =	vadd.f32 $-4.978750050e-01, v52;
	v53 =	vpop (erf)  }
0xc8: {  	vm13 =	vmmov vm10;
	v4 =	vmul.f32 v4, v40;
	v54 =	vsub.f32 $1.000000000e+00, v53  }
0xc9: {  	v5 =	vadd.f32 $9.999016520e-01, v5;
	v7 =	vmul.f32 v7, v32;
	v9 =	vmul.f32 v9, v42  }
0xca: {  	vm14 =	vmmov vm11;
	v4 =	vadd.f32 $9.999016520e-01, v4;
	v55 =	vpop (erf);
	v10 =	vsel vm15, v53, v54  }
0xcb: {  	v5 =	vmul.f32 v5, v38;
	v3 =	vadd.f32 v7, v3;
	v9 =	vadd.f32 $9.999016520e-01, v9;
	v56 =	vpop (erf)  }
0xcc: {  	v57 =	vsub.f32 $1.000000000e+00, v55;
	v4 =	vmul.f32 v4, v40;
	v59 =	vsub.f32 $1.000000000e+00, v56  }
0xcd: {  	[tilespmem:s21+$0x5100] =	vst v0;
	v58 =	vpop (erf);
	v5 =	vadd.f32 v5, v12;
	v3 =	vmul.f32 v3, v10;
	v6 =	vmul.f32 v9, v42  }
0xce: {  	[tilespmem:s21+$0x5110] =	vst v1;
	v60 =	vsub.f32 $1.000000000e+00, v58;
	v7 =	vsel vm12, v55, v57;
	v4 =	vadd.f32 v4, v11  }
0xcf: {  	[tilespmem:s21+$0x5120] =	vst v2;
	v62 =	vsel vm13, v56, v59;
	v5 =	vmul.f32 v5, v7;
	v61 =	vadd.f32 v6, v8  }
0xd0: {  	[tilespmem:s23+$0x5130] =	vst v3;
	v0 =	vsel vm14, v58, v60;
	v63 =	vmul.f32 v4, v62  }
0xd1: {  	s19 =	sadd.s32 $0x1, s19;
	[tilespmem:s23+$0x5100] =	vst v5;
	v0 =	vmul.f32 v61, v0  }
0xd2: {  	s20 =	sshll.u32 s20, $0x4;
	p0 =	sne.s32 s19, $0x7D;
	[tilespmem:s23+$0x5110] =	vst v63  }
.Ltmp1:
0xd3: {  	s20 =	sadd.s32 s7, s20;
	[tilespmem:s23+$0x5120] =	vst v0;
	(pc) =	sbr.rel @p0 .LBB2_2-.Ltmp1, $4  }
0xd4: {  	[hbm4b:s20+s1] =	stream.linear.scatter [tilespmem:s17], [sflag:$0x3], $0x2800, $0x38;
	[tilespmem:$0x7900] =	vst v63  }
0xd5: {  	_ =	swait.ge [sflag:s10], $0x2800  }
0xd6: {  	[sflag:s10] =	ssyncset.done $0x0  }
0xd7: {  	[sflag:s10] =	ssyncadd.s32 $0xFFFFD800  }
0xd8: {  	s18 =	sadd.s32 $0x1, s18  }
0xd9: {  	p0 =	sne.s32 s18, s9  }
.Ltmp2:
0xda: {  	_ = 	snop;
	(pc) =	sbr.rel @p0 .LBB2_1-.Ltmp2, $1  }
0xdb: {  	_ =	sdelay $0x3  }
0xdc: {  	_ =	sfence.sel $0x180000  }
0xdd: {  	[bflag:$0x0] =	sbarrier.arrive $0xFFFF  }
0xde: {  	p0 =	sne.s32 s3, $0x0;
	_ =	strace $0x90000047  }
0xdf: {  	s0 =	sadd.s32 @!p0 $0x100000, s0;
	[bflag:$0x2] =	sbarrier.arrive $0xFFFF  }
0xe0: {  	[sflag:s0] =	ssyncadd.tile.s32 @!p0 $0x1;
	_ =	shalt  }
.Lfunc_end2:
_tile_overlayer_lowered:
.L_overlay_start_2:
0xe1: {  	(tag) =	ssettag $0x2  }
0xe2: {  	s0 =	rddreg [dreg:$0x0];
	s2 =	stileid.u32  }
0xe3: {  	s1 =	rddreg [dreg:$0x1];
	p0 =	sne.s32 s2, $0x0  }
0xe4: {  	s3 =	rddreg [dreg:$0x2];
	[bflag:$0x3] =	sbarrier.arrive $0xFFFF;
	s2 =	simm.s32 @!p0 $0x1C03  }
0xe5: {  	[timem:s3], [sflag:s2] =	dma.local @!p0 [hbm:s0], s1  }
0xe6: {  	s0 =	simm.s32 @!p0 $0x3  }
0xe7: {  	_ =	swait.ge @!p0 [sflag:s0], s1  }
0xe8: {  	s1 =	ssub.s32 @!p0 $0x0, s1;
	[sflag:s0] =	ssyncset.done @!p0 $0x0  }
0xe9: {  	[sflag:s0] =	ssyncadd.s32 @!p0 s1  }
0xea: {  	[bflag:$0x3] =	sbarrier.arrive $0xFFFF  }
0xeb: {  	_ =	shalt  }

// kernel: kernel.15.cloned.1.call-start
scs
__scs_entry_jumppad:
0x0: {  	(pc) =	sbr.rel $0x88, $3  }
0x1: {  	(tag) =	ssettag $0x0;
	lr =	simm.s32 $0x1  }
0x2: {  	[smem:$0x3F94] =	sst lr;
	_ =	strace $0xD0000000  }
0x3: {  	_ = 	snop  }
0x4: {  	_ = 	snop  }
0x5: {  	_ = 	snop  }
0x6: {  	_ = 	snop  }
0x7: {  	_ = 	snop  }
__scs_overlays_trampoline_lowered:
0x8: {  	[smem:$0x3FA3] =	sst s0  }
0x9: {  	[smem:$0x3FA4] =	sst s1  }
0xa: {  	[smem:$0x3FA5] =	sst s2  }
0xb: {  	[smem:$0x3FA6] =	sst s3  }
0xc: {  	[smem:$0x3FA7] =	sst s4  }
0xd: {  	[smem:$0x3FA8] =	sst s5  }
0xe: {  	[smem:$0x3FA9] =	sst s6  }
0xf: {  	[smem:$0x3FAA] =	sst s7  }
0x10: {  	[smem:$0x3FAB] =	sst s8  }
0x11: {  	[smem:$0x3FAC] =	sst s9;
	s0 =	simm.s32 @!p0 $0x0  }
0x12: {  	s1 =	sld [smem:$0x3F92];
	s0 =	simm.s32 @p0 $0x1  }
0x13: {  	[smem:$0x3FAD] =	sst s0;
	s0 =	simm.s32 @!p1 $0x0  }
0x14: {  	s2 =	sld [smem:$0x3F91];
	s0 =	simm.s32 @p1 $0x1  }
0x15: {  	[smem:$0x3FAE] =	sst s0;
	s0 =	simm.s32 @!p2 $0x0  }
0x16: {  	s3 =	sld [smem:$0x3FDB];
	s0 =	simm.s32 @p2 $0x1  }
0x17: {  	s4 =	simm.s32 $0x1BF5;
	[smem:$0x3FB0] =	sst s0  }
0x18: {  	s0 =	sld [smem:$0x3F93];
	_ =	swait.ge [sflag:s4], $0x0  }
0x19: {  	s7 =	sld [smem:$0x3F94]  }
0x1a: {  	s8 =	sadd.s32 $0xFFFFE003, lr  }
0x1b: {  	s9 =	sadd.s32 $0xFFFFFEF7, lr;
	s5 =	simm.s32 $0xFFFFFFFF;
	p2 =	slt.u32 s8, $0xFFFFF086  }
0x1c: {  	p1 =	slt.u32 s9, $0xF7A;
	s5 =	simm.s32 @!p2 $0x0  }
0x1d: {  	s5 =	simm.s32 @p1 $0x1;
	p0 =	seq.s32 s7, s2  }
0x1e: {  	s7 =	smul.u32 @!p0 $0xF7A, s2;
	p2 =	seq.s32 @!p0 s5, $0x0  }
0x1f: {  	s9 =	smul.u32 $0xF7A, s1;
	s8 =	simm.s32 @!p0 $0x1BF5;
	p2 =	por !p2, p0  }
0x20: {  	[sflag:s8] =	ssyncset.s32 @!p0 $0xFFFFF086;
	s6 =	sadd.s32 @!p0 s3, s7;
	s7 =	simm.s32 @!p0 $0x108  }
0x21: {  	s3 =	sadd.s32 s3, s9;
	s6 =	sadd.s32 @!p0 $0x88, s6;
	s7 =	simm.s32 @p2 $0x1082  }
0x22: {  	[simem:s7], [sflag:s8] =	dma.local @!p0 [hbm:s6], $0xF7A  }
0x23: {  	s9 =	sor.u32 $0xD0000000, s2;
	s6 =	simm.s32 $0x108;
	_ =	swait.ge @!p0 [sflag:s8], $0x0  }
0x24: {  	s3 =	sadd.s32 $0x88, s3;
	s6 =	simm.s32 @!p1 $0x1082;
	[sflag:s4] =	ssyncset.s32 $0xFFFFF086  }
0x25: {  	[simem:s6], [sflag:s4] =	dma.local [hbm:s3], $0xF7A  }
0x26: {  	[smem:$0x3F94] =	sst s1;
	(tag) =	ssettag s2;
	_ =	strace s9  }
0x27: {  	s1 =	sld [smem:$0x3FA4]  }
0x28: {  	s2 =	sld [smem:$0x3FA5]  }
0x29: {  	s4 =	sld [smem:$0x3FA7]  }
0x2a: {  	p0 =	seq.s32 s5, $0x0;
	s5 =	sld [smem:$0x3FA8]  }
0x2b: {  	s6 =	sld [smem:$0x3FA9]  }
0x2c: {  	s7 =	sld [smem:$0x3FAA]  }
0x2d: {  	s3 =	simm.s32 $0x108;
	s8 =	sld [smem:$0x3FAB]  }
0x2e: {  	s3 =	simm.s32 @!p0 $0x1082;
	s9 =	sld [smem:$0x3FAC]  }
0x2f: {  	lr =	sadd.s32 s0, s3;
	s0 =	sld [smem:$0x3FA3]  }
0x30: {  	s3 =	sld [smem:$0x3FA6]  }
0x31: {  	[smem:$0x3FAF] =	sst s10  }
0x32: {  	s10 =	sld [smem:$0x3FAD];
	_ =	sdelay $0x3  }
0x33: {  	p0 =	seq.s32 s10, $0x1;
	s10 =	sld [smem:$0x3FAF];
	_ =	sdelay $0x3  }
0x34: {  	[smem:$0x3FAF] =	sst s10  }
0x35: {  	s10 =	sld [smem:$0x3FAE];
	_ =	sdelay $0x3  }
0x36: {  	p1 =	seq.s32 s10, $0x1;
	s10 =	sld [smem:$0x3FAF];
	_ =	sdelay $0x3  }
0x37: {  	[smem:$0x3FAF] =	sst s10  }
0x38: {  	s10 =	sld [smem:$0x3FB0]  }
0x39: {  	_ = 	snop;
	(pc) =	sbr.ind lr, $3  }
0x3a: {  	_ = 	snop  }
0x3b: {  	_ = 	snop  }
0x3c: {  	p2 =	seq.s32 s10, $0x1;
	s10 =	sld [smem:$0x3FAF]  }
0x3d: {  	_ =	shalt  }
0x3e: {  	_ =	shalt  }
0x3f: {  	_ =	shalt  }
0x40: {  	_ =	shalt  }
0x41: {  	_ =	shalt  }
0x42: {  	_ =	shalt  }
0x43: {  	_ =	shalt  }
0x44: {  	_ =	shalt  }
0x45: {  	_ =	shalt  }
0x46: {  	_ =	shalt  }
0x47: {  	_ =	shalt  }
0x48: {  	_ =	shalt  }
0x49: {  	_ =	shalt  }
0x4a: {  	_ =	shalt  }
0x4b: {  	_ =	shalt  }
0x4c: {  	_ =	shalt  }
0x4d: {  	_ =	shalt  }
0x4e: {  	_ =	shalt  }
0x4f: {  	_ =	shalt  }
0x50: {  	_ =	shalt  }
0x51: {  	_ =	shalt  }
0x52: {  	_ =	shalt  }
0x53: {  	_ =	shalt  }
0x54: {  	_ =	shalt  }
0x55: {  	_ =	shalt  }
0x56: {  	_ =	shalt  }
0x57: {  	_ =	shalt  }
0x58: {  	_ =	shalt  }
0x59: {  	_ =	shalt  }
0x5a: {  	_ =	shalt  }
0x5b: {  	_ =	shalt  }
0x5c: {  	_ =	shalt  }
0x5d: {  	_ =	shalt  }
0x5e: {  	_ =	shalt  }
0x5f: {  	_ =	shalt  }
0x60: {  	_ =	shalt  }
0x61: {  	_ =	shalt  }
0x62: {  	_ =	shalt  }
0x63: {  	_ =	shalt  }
0x64: {  	_ =	shalt  }
0x65: {  	_ =	shalt  }
0x66: {  	_ =	shalt  }
0x67: {  	_ =	shalt  }
0x68: {  	_ =	shalt  }
0x69: {  	_ =	shalt  }
0x6a: {  	_ =	shalt  }
0x6b: {  	_ =	shalt  }
0x6c: {  	_ =	shalt  }
0x6d: {  	_ =	shalt  }
0x6e: {  	_ =	shalt  }
0x6f: {  	_ =	shalt  }
0x70: {  	_ =	shalt  }
0x71: {  	_ =	shalt  }
0x72: {  	_ =	shalt  }
0x73: {  	_ =	shalt  }
0x74: {  	_ =	shalt  }
0x75: {  	_ =	shalt  }
0x76: {  	_ =	shalt  }
0x77: {  	_ =	shalt  }
0x78: {  	_ =	shalt  }
0x79: {  	_ =	shalt  }
0x7a: {  	_ =	shalt  }
0x7b: {  	_ =	shalt  }
0x7c: {  	_ =	shalt  }
0x7d: {  	_ =	shalt  }
0x7e: {  	_ =	shalt  }
0x7f: {  	_ =	shalt  }
0x80: {  	_ =	shalt  }
0x81: {  	_ =	shalt  }
0x82: {  	_ =	shalt  }
0x83: {  	_ =	shalt  }
0x84: {  	_ =	shalt  }
0x85: {  	_ =	shalt  }
0x86: {  	_ =	shalt  }
0x87: {  	_ =	shalt  }
.Lfunc_end0:
.L_simem_size_0:
called_computation.1_lowered:
.L_overlay_start_0:
0x88: {  	s2 =	sld [smem:$0x3FD9]  }
0x89: {  	s3 =	sld [smem:$0x3FFE];
	_ =	sdelay $0x1  }
0x8a: {  	s1 =	srdreg.scid  }
0x8b: {  	s0 =	sand.u32 $0x1, s1  }
0x8c: {  	s16 =	sshll.u32 s0, $0xA;
	s2 =	sadd.s32 s3, s2  }
0x8d: {  	s2 =	sadd.s32 s2, s16  }
0x8e: {  	[smem:$0x3FBB] =	sst s2  }
0x8f: {  	_ = 	snop  }
0x90: {  	(tm) =	ssettm $0x1  }
0x91: {  	s17 =	sld [smem:$0x3FFB];
	_ =	sdelay $0x3  }
0x92: {  	_ =	strace s17  }
0x93: {  	s2 =	sld [smem:$0x3FFC];
	_ =	sdelay $0x3  }
0x94: {  	_ =	strace s2  }
0x95: {  	s2 =	sld [smem:$0x3FFD];
	_ =	sdelay $0x3  }
0x96: {  	_ =	strace s2  }
0x97: {  	_ =	strace $0x8FFFFFFF  }
0x98: {  	s18 =	sld [smem:$0x3FDB];
	_ =	sdelay $0x1  }
0x99: {  	s19 =	simm.s32 $_scs_section_size  }
0x9a: {  	s4 =	simm.s32 $_size__tile_overlayer_lowered;
	s5 =	simm.s32 $_tile_overlayer_lowered  }
0x9b: {  	s22 =	simm.s32 $0x1BFF;
	s21 =	sshll.u32 s5, $0x1;
	s2 =	sadd.s32 s19, s18  }
0x9c: {  	s6 =	simm.s32 $0x0;
	s20 =	sshll.u32 s4, $0x1;
	s4 =	sadd.s32 s21, s2  }
0x9d: {  	[timem:s6], [sflag:s22] =	dma.local [hbm:s4], s20  }
0x9e: {  	_ =	swait.ge [sflag:s22], s20  }
0x9f: {  	s3 =	ssub.s32 $0x0, s20;
	[sflag:s22] =	ssyncset.done $0x0  }
0xa0: {  	[sflag:s22] =	ssyncadd.s32 s3;
	_ =	sdelay $0x1  }
0xa1: {  	s23 =	simm.s32 $0x1B8B  }
0xa2: {  	_ =	swait.ge [sflag:s23], $0x1  }
0xa3: {  	[sflag:s23] =	ssyncset.done $0x0  }
0xa4: {  	s25 =	simm.s32 $0x1B8E;
	s24 =	sld [smem:$0x3FFE];
	[sflag:s23] =	ssyncadd.s32 $0xFFFFFFFF  }
0xa5: {  	s26 =	simm.s32 $execute0_lowered;
	[smem:$0x3FD2] =	sst s25  }
0xa6: {  	s4 =	sshll.u32 s26, $0x1;
	_ =	strace $0x80000049;
	[dreg:$0x1] =	wrdreg $0xFFFFFFFF  }
0xa7: {  	s28 =	simm.s32 $_size_execute0_lowered;
	s2 =	sadd.s32 s2, s4;
	[dreg:$0x0] =	wrdreg $0x0  }
0xa8: {  	s4 =	sshll.u32 s28, $0x1;
	[dreg:$0x2] =	wrdreg s2  }
0xa9: {  	[dreg:$0x3] =	wrdreg s4  }
0xaa: {  	[dreg:$0x4] =	wrdreg $0xC0  }
0xab: {  	_ =	task [dreg:s6], $0x5FFFF  }
0xac: {  	[dreg:$0x1] =	wrdreg $0xFFFFFFFF  }
0xad: {  	[dreg:$0x0] =	wrdreg $0x60  }
0xae: {  	[dreg:$0x2] =	wrdreg s24  }
0xaf: {  	[dreg:$0x3] =	wrdreg $0x9  }
0xb0: {  	_ =	task.clear_ibuf [dreg:s6], $0x4FFFF;
	_ =	strace $0x90000049  }
0xb1: {  	s29 =	simm.s32 $0x9;
	_ =	strace $0x8000004B  }
0xb2: {  	_ =	swait.ge [sflag:s29], $0x1  }
0xb3: {  	[sflag:s29] =	ssyncadd.s32 $0xFFFFFFFF  }
0xb4: {  	_ =	strace $0x9000004B  }
0xb5: {  	_ =	sfence  }
0xb6: {  	s30 =	sld [smem:$0x0];
	_ =	sdelay $0x2  }
0xb7: {  	s31 =	sshll.u32 s1, $0xD;
	s1 =	sshrl.u32 s1, $0x2  }
0xb8: {  	s3 =	sand.u32 $0x4000, s31;
	s1 =	sadd.s32 s1, s30  }
0xb9: {  	s0 =	sor.u32 s3, s0;
	s1 =	sshll.u32 s1, $0x11  }
0xba: {  	s0 =	sor.u32 s1, s0  }
0xbb: {  	s0 =	sadd.s32 $0x8F2B, s0  }
0xbc: {  	[sflag:s0] =	ssyncadd.remote.s32 $0x1  }
0xbd: {  	_ =	sfence.sel $0xFFFF  }
0xbe: {  	[dreg:$0x0] =	wrdreg $0xFFFFFFFF;
	(pc) =	sbr.abs _section_cstart, $3  }
0xbf: {  	[dreg:$0x1] =	wrdreg $0xFFFFFFFF  }
0xc0: {  	_ =	task.clear_ibuf [dreg:s6], $0x2FFFF;
	_ =	strace $0x9FFFFFFF  }
0xc1: {  	(tm) =	ssettm $0x7FFFFFFF  }
tec
execute0_lowered:
.L_overlay_start_1:
0x0: {  	(tag) =	ssettag $0x1  }
0x1: {  	s7 =	rddreg [dreg:$0x0]  }
0x2: {  	s0 =	rddreg [dreg:$0x1]  }
0x3: {  	s1 =	simm.s32 $0x0;
	s3 =	srdreg.scid;
	s11 =	simm.s32 $0x80  }
0x4: {  	s12 =	simm.s32 $0x50;
	s13 =	simm.s32 $0x100;
	s14 =	simm.s32 $0x2900  }
0x5: {  	s15 =	simm.s32 $0x1;
	s16 =	simm.s32 $0x2;
	s17 =	simm.s32 $0x5100  }
0x6: {  	s18 =	simm.s32 $0x0;
	[smem:$0x7FF] =	sst s1;
	s2 =	sadd.s32 $0x1B800, s7  }
0x7: {  	s6 =	sand.u32 $0x1, s3;
	s4 =	sadd.s32 $0x69C00, s7;
	s5 =	sadd.s32 $0x10A00, s7  }
0x8: {  	s3 =	stileid.u32;
	_ =	strace $0x8000004A;
	s8 =	ssub.s32 $0x2, s6  }
0x9: {  	s10 =	sshll.u32 s6, $0x4;
	s6 =	sadd.s32 $0x6C00, s7;
	s9 =	sshrl.u32 s8, $0x1  }
0xa: {  	s7 =	sadd.s32 $0x57CE00, s7;
	s31 =	sor.u32 s3, s10;
	s9 =	ssub.s32 s8, s9  }
0xb: {  	s10 =	simm.s32 $0x3;
	s8 =	smul.u32 $0x2710, s31;
	s9 =	smax.u32 s9, $0x1  }
.LBB2_1:
0xc: {  	s19 =	simm.s32 $0x0  }
.LBB2_2:
0xd: {  	s20 =	smul.u32 $0x50, s19;
	_ =	sdelay $0x1  }
0xe: {  	s20 =	sadd.s32 s8, s20  }
0xf: {  	s21 =	sshrl.u32 s20, $0x3  }
0x10: {  	s23 =	simm.s32 $0x0;
	s22 =	sadd.s32 s5, s21  }
0x11: {  	[tilespmem:s23], [sflag:$0x3] =	stream.linear.gather [hbm4b:s22+s23], $0x50, $0x38;
	[tilespmem:$0x7900] =	vst v63  }
0x12: {  	_ =	swait.ge [sflag:s10], $0x50  }
0x13: {  	[sflag:s10] =	ssyncset.done $0x0  }
0x14: {  	s21 =	sadd.s32 s6, s21;
	[sflag:s10] =	ssyncadd.s32 $0xFFFFFFB0  }
0x15: {  	[tilespmem:s11], [sflag:$0x3] =	stream.linear.gather [hbm4b:s21+s23], $0x50, $0x38;
	[tilespmem:$0x7900] =	vst v63  }
0x16: {  	_ =	swait.ge [sflag:s10], $0x50  }
0x17: {  	[sflag:s10] =	ssyncset.done $0x0  }
0x18: {  	[sflag:s10] =	ssyncadd.s32 $0xFFFFFFB0  }
0x19: {  	[tilespmem:s13], [sflag:$0x1] =	stream.indirect.gather [hbm4b:s2+s12], $0x80, s23, s12, $0xb8;
	[tilespmem:$0x7900] =	vst v63  }
0x1a: {  	_ = 	snop  }
0x1b: {  	[tilespmem:s14], [sflag:$0x2] =	stream.indirect.gather [hbm4b:s4+s12], $0x80, s11, s12, $0xb8;
	[tilespmem:$0x7900] =	vst v63  }
0x1c: {  	_ =	swait.ge [sflag:s15], $0x2800  }
0x1d: {  	[sflag:s15] =	ssyncset.done $0x0  }
0x1e: {  	[sflag:s15] =	ssyncadd.s32 $0xFFFFD800  }
0x1f: {  	_ =	swait.ge [sflag:s16], $0x2800  }
0x20: {  	[sflag:s16] =	ssyncset.done $0x0  }
0x21: {  	s22 =	simm.s32 $0x0;
	[sflag:s16] =	ssyncadd.s32 $0xFFFFD800  }
0x22: {  	v0 =	vld [tilespmem:s22+$0x170]  }
0x23: {  	v1 =	vld [tilespmem:s22+$0x2970]  }
0x24: {  	v2 =	vld [tilespmem:s22+$0x140]  }
0x25: {  	v3 =	vld [tilespmem:s22+$0x2940]  }
0x26: {  	v4 =	vld [tilespmem:s22+$0x150]  }
0x27: {  	v5 =	vld [tilespmem:s22+$0x2950]  }
0x28: {  	v6 =	vld [tilespmem:s22+$0x160];
	v0 =	vadd.f32 v1, v0  }
0x29: {  	v7 =	vld [tilespmem:s22+$0x100]  }
0x2a: {  	v1 =	vld [tilespmem:s22+$0x2960];
	v8 =	vand.u32 $0x7FFFFFFF, v0  }
0x2b: {  	v2 =	vadd.f32 v3, v2;
	v3 =	vld [tilespmem:s22+$0x130];
	v8 =	vsub.f32 $0.0e+00, v8  }
0x2c: {  	v4 =	vadd.f32 v5, v4;
	v5 =	vld [tilespmem:s22+$0x2930]  }
0x2d: {  	v10 =	vld [tilespmem:s22+$0x2900];
	v9 =	vand.u32 $0x7FFFFFFF, v2;
	v8 =	vmul.f32 $1.442695020e+00, v8  }
0x2e: {  	v11 =	vld [tilespmem:s22+$0x110];
	v9 =	vsub.f32 $0.0e+00, v9  }
0x2f: {  	v14 =	vld [tilespmem:s22+$0x2920];
	v1 =	vadd.f32 v1, v6;
	(erf) = vpow2.f32 v8  }
0x30: {  	v12 =	vand.u32 $0x7FFFFFFF, v4;
	v6 =	vld [tilespmem:s22+$0x2910];
	v8 =	vmul.f32 $1.442695020e+00, v9  }
0x31: {  	v12 =	vsub.f32 $0.0e+00, v12;
	v15 =	vadd.f32 v5, v3;
	v9 =	vld [tilespmem:s22+$0x120];
	v13 =	vand.u32 $0x7FFFFFFF, v1  }
0x32: {  	v3 =	vadd.f32 v10, v7;
	v13 =	vsub.f32 $0.0e+00, v13;
	(erf) = vpow2.f32 v8  }
0x33: {  	v12 =	vmul.f32 $1.442695020e+00, v12;
	v7 =	vand.u32 $0x7FFFFFFF, v15  }
0x34: {  	v7 =	vsub.f32 $0.0e+00, v7;
	v8 =	vand.u32 $0x7FFFFFFF, v3;
	v5 =	vmul.f32 $1.442695020e+00, v13  }
0x35: {  	(erf) = vpow2.f32 v12;
	v10 =	vadd.f32 v6, v11;
	v6 =	vsub.f32 $0.0e+00, v8  }
0x36: {  	(erf) = vpow2.f32 v5;
	v8 =	vadd.f32 v14, v9;
	v5 =	vmul.f32 $1.442695020e+00, v7;
	_ =	sdelay $0x1  }
0x37: {  	v9 =	vand.u32 $0x7FFFFFFF, v8;
	(erf) = vpow2.f32 v5;
	v11 =	vpop (erf)  }
0x38: {  	v6 =	vmul.f32 $1.442695020e+00, v6;
	v5 =	vsub.f32 $0.0e+00, v9;
	v9 =	vmul.f32 $1.833792400e-02, v11  }
0x39: {  	v7 =	vand.u32 $0x7FFFFFFF, v10  }
0x3a: {  	v7 =	vsub.f32 $0.0e+00, v7;
	(erf) = vpow2.f32 v6;
	v13 =	vpop (erf);
	v9 =	vsub.f32 $8.556748180e-02, v9  }
0x3b: {  	v6 =	vmax.f32 v2, $0.0e+00;
	v2 =	vmul.f32 $1.833792400e-02, v13  }
0x3c: {  	vm0 =	vge.f32 v3, $0.0e+00;
	v7 =	vmul.f32 $1.442695020e+00, v7;
	v9 =	vmul.f32 v9, v11  }
0x3d: {  	vm1 =	vge.f32 v10, $0.0e+00;
	v12 =	vmul.f32 $1.442695020e+00, v5;
	v5 =	vmax.f32 v4, $0.0e+00;
	v14 =	vpop (erf)  }
0x3e: {  	(erf) = vpow2.f32 v7;
	v4 =	vmul.f32 $1.833792400e-02, v14;
	v9 =	vadd.f32 $-1.937587410e-01, v9  }
0x3f: {  	v7 =	vmax.f32 v1, $0.0e+00;
	(erf) = vpow2.f32 v12;
	v1 =	vsub.f32 $8.556748180e-02, v2;
	v2 =	vpop (erf)  }
0x40: {  	v4 =	vsub.f32 $8.556748180e-02, v4;
	v12 =	vmul.f32 $1.833792400e-02, v2;
	v10 =	vpop (erf);
	v9 =	vmul.f32 v9, v11  }
0x41: {  	vm2 =	vge.f32 v8, $0.0e+00;
	v1 =	vmul.f32 v1, v13;
	v8 =	vadd.f32 $1.000000000e+00, v10  }
0x42: {  	v3 =	vmul.f32 v4, v14;
	v4 =	vsub.f32 $8.556748180e-02, v12;
	v9 =	vadd.f32 $3.176482920e-01, v9  }
0x43: {  	v1 =	vadd.f32 $-1.937587410e-01, v1;
	v10 =	vpop (erf);
	(erf) = vrcp.f32 v8  }
0x44: {  	v10 =	vadd.f32 $1.000000000e+00, v10;
	v4 =	vmul.f32 v4, v2;
	v9 =	vmul.f32 v9, v11  }
0x45: {  	v3 =	vadd.f32 $-1.937587410e-01, v3;
	v1 =	vmul.f32 v1, v13  }
0x46: {  	v4 =	vadd.f32 $-1.937587410e-01, v4;
	v9 =	vadd.f32 $-4.978750050e-01, v9  }
0x47: {  	s21 =	simm.s32 $0x80;
	v3 =	vmul.f32 v3, v14;
	v8 =	vpop (erf);
	v1 =	vadd.f32 $3.176482920e-01, v1;
	(erf) = vrcp.f32 v10  }
0x48: {  	v16 =	vld [tilespmem:s21+$0x2940];
	v8 =	vadd.f32 $1.000000000e+00, v8;
	v10 =	vpop (erf);
	v4 =	vmul.f32 v4, v2;
	v9 =	vmul.f32 v9, v11  }
0x49: {  	v12 =	vld [tilespmem:s21+$0x2970];
	v3 =	vadd.f32 $3.176482920e-01, v3;
	v1 =	vmul.f32 v1, v13;
	v10 =	vadd.f32 $1.000000000e+00, v10  }
0x4a: {  	(erf) = vrcp.f32 v8;
	v8 =	vld [tilespmem:s21+$0x170];
	v4 =	vadd.f32 $3.176482920e-01, v4;
	v9 =	vadd.f32 $9.999016520e-01, v9  }
0x4b: {  	v17 =	vld [tilespmem:s21+$0x150];
	v0 =	vmax.f32 v0, $0.0e+00;
	v3 =	vmul.f32 v3, v14;
	(erf) = vrcp.f32 v10  }
0x4c: {  	v1 =	vadd.f32 $-4.978750050e-01, v1;
	v10 =	vld [tilespmem:s21+$0x140];
	v4 =	vmul.f32 v4, v2;
	v9 =	vmul.f32 v9, v11;
	v11 =	vpop (erf)  }
0x4d: {  	v19 =	vld [tilespmem:s21+$0x2950];
	vm3 =	vge.f32 v15, $0.0e+00;
	v3 =	vadd.f32 $-4.978750050e-01, v3;
	v20 =	vsub.f32 $1.000000000e+00, v11  }
0x4e: {  	v21 =	vld [tilespmem:s21+$0x160];
	v1 =	vmul.f32 v1, v13;
	v4 =	vadd.f32 $-4.978750050e-01, v4;
	v0 =	vadd.f32 v9, v0  }
0x4f: {  	v18 =	vmul.f32 v3, v14;
	v3 =	vadd.f32 v12, v8;
	v8 =	vld [tilespmem:s21+$0x2960];
	v11 =	vsel vm3, v11, v20  }
0x50: {  	v1 =	vadd.f32 $9.999016520e-01, v1;
	v12 =	vld [tilespmem:s21+$0x100];
	v4 =	vmul.f32 v4, v2;
	v0 =	vmul.f32 v0, v11  }
0x51: {  	v10 =	vadd.f32 v16, v10;
	v15 =	vand.u32 $0x7FFFFFFF, v3;
	v11 =	vld [tilespmem:s21+$0x130]  }
0x52: {  	v13 =	vmul.f32 v1, v13;
	v15 =	vsub.f32 $0.0e+00, v15;
	v1 =	vadd.f32 $9.999016520e-01, v4;
	v4 =	vld [tilespmem:s21+$0x2930];
	[tilespmem:s22+$0x5130] =	vst v0  }
0x53: {  	v17 =	vadd.f32 v19, v17;
	v9 =	vadd.f32 $9.999016520e-01, v18;
	v0 =	vld [tilespmem:s21+$0x2900]  }
0x54: {  	v16 =	vand.u32 $0x7FFFFFFF, v10;
	v15 =	vmul.f32 $1.442695020e+00, v15;
	v18 =	vmul.f32 v1, v2;
	v1 =	vld [tilespmem:s21+$0x110]  }
0x55: {  	v16 =	vsub.f32 $0.0e+00, v16;
	v8 =	vadd.f32 v8, v21;
	v22 =	vld [tilespmem:s21+$0x2910]  }
0x56: {  	v9 =	vmul.f32 v9, v14;
	v14 =	vpop (erf);
	v2 =	vand.u32 $0x7FFFFFFF, v17;
	(erf) = vpow2.f32 v15;
	v15 =	vld [tilespmem:s21+$0x120]  }
0x57: {  	v16 =	vmul.f32 $1.442695020e+00, v16;
	v23 =	vand.u32 $0x7FFFFFFF, v8;
	v26 =	vld [tilespmem:s21+$0x2920];
	v2 =	vsub.f32 $0.0e+00, v2  }
0x58: {  	vm0 =	vmmov vm0;
	v13 =	vadd.f32 v13, v6;
	v23 =	vsub.f32 $0.0e+00, v23  }
0x59: {  	(erf) = vpow2.f32 v16;
	v2 =	vmul.f32 $1.442695020e+00, v2;
	v4 =	vadd.f32 v4, v11  }
0x5a: {  	v19 =	vpop (erf);
	v11 =	vadd.f32 v0, v12;
	v0 =	vmax.f32 v10, $0.0e+00;
	v10 =	vmul.f32 $1.442695020e+00, v23  }
0x5b: {  	v61 =	vpop (erf);
	v12 =	vand.u32 $0x7FFFFFFF, v4;
	(erf) = vpow2.f32 v2;
	v16 =	vadd.f32 v22, v1  }
0x5c: {  	v15 =	vadd.f32 v26, v15;
	v12 =	vsub.f32 $0.0e+00, v12;
	v2 =	vand.u32 $0x7FFFFFFF, v11  }
0x5d: {  	(erf) = vpow2.f32 v10;
	v10 =	vand.u32 $0x7FFFFFFF, v16;
	v2 =	vsub.f32 $0.0e+00, v2  }
0x5e: {  	v1 =	vmax.f32 v17, $0.0e+00;
	v12 =	vmul.f32 $1.442695020e+00, v12;
	v10 =	vsub.f32 $0.0e+00, v10  }
0x5f: {  	v62 =	vand.u32 $0x7FFFFFFF, v15;
	v17 =	vmul.f32 $1.442695020e+00, v2;
	v2 =	vmax.f32 v8, $0.0e+00  }
0x60: {  	(erf) = vpow2.f32 v12;
	v8 =	vpop (erf);
	v6 =	vmul.f32 $1.442695020e+00, v10;
	v12 =	vsub.f32 $0.0e+00, v62  }
0x61: {  	vm1 =	vmmov vm1;
	v20 =	vsub.f32 $1.000000000e+00, v14;
	v63 =	vmul.f32 $1.833792400e-02, v8  }
0x62: {  	v10 =	vadd.f32 v9, v5;
	v9 =	vadd.f32 v18, v7;
	v7 =	vmul.f32 $1.442695020e+00, v12  }
0x63: {  	v24 =	vsub.f32 $1.000000000e+00, v19;
	v5 =	vpop (erf);
	(erf) = vpow2.f32 v17;
	v12 =	vsub.f32 $8.556748180e-02, v63  }
0x64: {  	vm4 =	vge.f32 v11, $0.0e+00;
	v11 =	vmul.f32 $1.833792400e-02, v5;
	(erf) = vpow2.f32 v6;
	v6 =	vpop (erf)  }
0x65: {  	vm3 =	vge.f32 v16, $0.0e+00;
	v16 =	vmul.f32 $1.833792400e-02, v6;
	v12 =	vmul.f32 v12, v8  }
0x66: {  	vm5 =	vge.f32 v15, $0.0e+00;
	v11 =	vsub.f32 $8.556748180e-02, v11;
	(erf) = vpow2.f32 v7;
	v7 =	vpop (erf)  }
0x67: {  	v15 =	vsub.f32 $8.556748180e-02, v16;
	v16 =	vmul.f32 $1.833792400e-02, v7;
	v17 =	vadd.f32 $-1.937587410e-01, v12  }
0x68: {  	v14 =	vsel vm0, v14, v20;
	v18 =	vmul.f32 v11, v5;
	v12 =	vsel vm1, v19, v24  }
0x69: {  	v15 =	vmul.f32 v15, v6;
	v16 =	vsub.f32 $8.556748180e-02, v16;
	v17 =	vmul.f32 v17, v8;
	v19 =	vpop (erf)  }
0x6a: {  	v13 =	vmul.f32 v13, v14;
	v18 =	vadd.f32 $-1.937587410e-01, v18;
	v19 =	vadd.f32 $1.000000000e+00, v19  }
0x6b: {  	v14 =	vadd.f32 $-1.937587410e-01, v15;
	v15 =	vmul.f32 v16, v7;
	v16 =	vadd.f32 $3.176482920e-01, v17  }
0x6c: {  	v18 =	vmul.f32 v18, v5  }
0x6d: {  	vm2 =	vmmov vm2;
	v16 =	vmul.f32 v16, v8  }
0x6e: {  	v25 =	vsub.f32 $1.000000000e+00, v61;
	v18 =	vadd.f32 $3.176482920e-01, v18;
	v17 =	vpop (erf);
	v14 =	vmul.f32 v14, v6  }
0x6f: {  	(erf) = vrcp.f32 v19;
	v15 =	vadd.f32 $-1.937587410e-01, v15;
	v17 =	vadd.f32 $1.000000000e+00, v17;
	v19 =	vpop (erf)  }
0x70: {  	v11 =	vsel vm2, v61, v25;
	v19 =	vadd.f32 $1.000000000e+00, v19;
	v14 =	vadd.f32 $3.176482920e-01, v14  }
0x71: {  	v15 =	vmul.f32 v15, v7;
	v20 =	vadd.f32 $-4.978750050e-01, v16;
	(erf) = vrcp.f32 v17;
	v16 =	vpop (erf)  }
0x72: {  	s23 =	simm.s32 $0x100;
	[tilespmem:s22+$0x5100] =	vst v13;
	v18 =	vmul.f32 v18, v5;
	(erf) = vrcp.f32 v19;
	v16 =	vadd.f32 $1.000000000e+00, v16  }
0x73: {  	s24 =	simm.s32 $0x600;
	v13 =	vld [tilespmem:s23+$0x170];
	v17 =	vmul.f32 v14, v6;
	v14 =	vadd.f32 $3.176482920e-01, v15;
	v15 =	vmul.f32 v20, v8  }
.LBB2_3:
0x74: {  	v18 =	vadd.f32 $-4.978750050e-01, v18;
	(erf) = vrcp.f32 v16;
	v10 =	vmul.f32 v10, v12  }
0x75: {  	p0 =	sne.s32 s24, $0x9E00;
	v19 =	vld [tilespmem:s23+$0x2970];
	vm2 =	vmmov vm4;
	vm0 =	vmmov vm3;
	vm1 =	vmmov vm5  }
0x76: {  	v12 =	vld [tilespmem:s23+$0x140];
	v16 =	vadd.f32 $-4.978750050e-01, v17;
	v14 =	vmul.f32 v14, v7;
	v20 =	vadd.f32 $9.999016520e-01, v15  }
0x77: {  	v9 =	vmul.f32 v9, v11;
	v17 =	vld [tilespmem:s23+$0x2940];
	v18 =	vmul.f32 v18, v5;
	[tilespmem:s22+$0x5110] =	vst v10  }
0x78: {  	v10 =	vld [tilespmem:s23+$0x150];
	v11 =	vmul.f32 v16, v6;
	v14 =	vadd.f32 $-4.978750050e-01, v14;
	v8 =	vmul.f32 v20, v8;
	v15 =	vpop (erf)  }
0x79: {  	v21 =	vmax.f32 v3, $0.0e+00;
	v16 =	vld [tilespmem:s23+$0x2950];
	v18 =	vadd.f32 $9.999016520e-01, v18;
	v20 =	vsub.f32 $1.000000000e+00, v15;
	[tilespmem:s22+$0x5120] =	vst v9;
	s22 =	smov.u32 s21;
	s21 =	smov.u32 s23  }
0x7a: {  	vm3 =	vge.f32 v4, $0.0e+00;
	v9 =	vld [tilespmem:s21+$0x160];
	v3 =	vadd.f32 v19, v13;
	v4 =	vadd.f32 v8, v21;
	v13 =	vpop (erf)  }
0x7b: {  	v21 =	vadd.f32 $9.999016520e-01, v11;
	v14 =	vmul.f32 v14, v7;
	v8 =	vld [tilespmem:s21+$0x2960];
	v20 =	vsel vm3, v15, v20  }
0x7c: {  	v19 =	vld [tilespmem:s21+$0x100];
	v12 =	vadd.f32 v17, v12;
	v17 =	vand.u32 $0x7FFFFFFF, v3;
	v4 =	vmul.f32 v4, v20;
	v15 =	vpop (erf)  }
0x7d: {  	v5 =	vmul.f32 v18, v5;
	v14 =	vadd.f32 $9.999016520e-01, v14;
	v20 =	vld [tilespmem:s21+$0x130];
	v17 =	vsub.f32 $0.0e+00, v17  }
0x7e: {  	v6 =	vmul.f32 v21, v6;
	v18 =	vand.u32 $0x7FFFFFFF, v12;
	v10 =	vadd.f32 v16, v10;
	v16 =	vld [tilespmem:s21+$0x2930];
	[tilespmem:s22+$0x5130] =	vst v4;
	v11 =	vpop (erf)  }
0x7f: {  	v7 =	vmul.f32 v14, v7;
	v21 =	vld [tilespmem:s21+$0x2900];
	v4 =	vsub.f32 $0.0e+00, v18;
	v17 =	vmul.f32 $1.442695020e+00, v17  }
0x80: {  	v22 =	vsub.f32 $1.000000000e+00, v13;
	v14 =	vld [tilespmem:s21+$0x110];
	v18 =	vand.u32 $0x7FFFFFFF, v10;
	v8 =	vadd.f32 v8, v9  }
0x81: {  	v9 =	vmul.f32 $1.442695020e+00, v4;
	v23 =	vld [tilespmem:s21+$0x2910];
	v4 =	vsub.f32 $0.0e+00, v18;
	(erf) = vpow2.f32 v17  }
0x82: {  	v24 =	vsub.f32 $1.000000000e+00, v15;
	v25 =	vsub.f32 $1.000000000e+00, v11;
	v17 =	vld [tilespmem:s21+$0x120];
	v18 =	vand.u32 $0x7FFFFFFF, v8  }
0x83: {  	v26 =	vmul.f32 $1.442695020e+00, v4;
	v27 =	vld [tilespmem:s21+$0x2920];
	v18 =	vsub.f32 $0.0e+00, v18;
	v4 =	vadd.f32 v16, v20  }
0x84: {  	v12 =	vmax.f32 v12, $0.0e+00;
	v16 =	vadd.f32 v21, v19;
	(erf) = vpow2.f32 v9  }
0x85: {  	v9 =	vmul.f32 $1.442695020e+00, v18;
	v18 =	vand.u32 $0x7FFFFFFF, v4;
	(erf) = vpow2.f32 v26  }
0x86: {  	v19 =	vand.u32 $0x7FFFFFFF, v16;
	v14 =	vadd.f32 v23, v14;
	v18 =	vsub.f32 $0.0e+00, v18  }
0x87: {  	v20 =	vmax.f32 v10, $0.0e+00;
	v19 =	vsub.f32 $0.0e+00, v19;
	(erf) = vpow2.f32 v9  }
0x88: {  	v9 =	vand.u32 $0x7FFFFFFF, v14;
	v17 =	vadd.f32 v27, v17;
	v10 =	vmul.f32 $1.442695020e+00, v18  }
0x89: {  	v18 =	vmul.f32 $1.442695020e+00, v19;
	v9 =	vsub.f32 $0.0e+00, v9;
	v19 =	vmax.f32 v8, $0.0e+00  }
0x8a: {  	v23 =	vadd.f32 v5, v0;
	v21 =	vand.u32 $0x7FFFFFFF, v17;
	(erf) = vpow2.f32 v10;
	v8 =	vpop (erf)  }
0x8b: {  	v0 =	vmovc v12;
	v26 =	vmul.f32 $1.442695020e+00, v9;
	v27 =	vsub.f32 $0.0e+00, v21;
	v21 =	vmul.f32 $1.833792400e-02, v8  }
0x8c: {  	v10 =	vadd.f32 v6, v1;
	v1 =	vmovc v20;
	v9 =	vadd.f32 v7, v2;
	v2 =	vmovc v19;
	(erf) = vpow2.f32 v18  }
0x8d: {  	v18 =	vmul.f32 $1.442695020e+00, v27;
	v12 =	vsub.f32 $8.556748180e-02, v21;
	v5 =	vpop (erf);
	(erf) = vpow2.f32 v26  }
0x8e: {  	vm4 =	vge.f32 v16, $0.0e+00;
	vm3 =	vge.f32 v14, $0.0e+00;
	v16 =	vmul.f32 $1.833792400e-02, v5;
	v6 =	vpop (erf)  }
0x8f: {  	vm5 =	vge.f32 v17, $0.0e+00;
	v14 =	vmul.f32 $1.833792400e-02, v6;
	v12 =	vmul.f32 v12, v8  }
0x90: {  	v13 =	vsel vm2, v13, v22;
	v16 =	vsub.f32 $8.556748180e-02, v16;
	(erf) = vpow2.f32 v18;
	v7 =	vpop (erf)  }
0x91: {  	v14 =	vsub.f32 $8.556748180e-02, v14;
	v17 =	vmul.f32 $1.833792400e-02, v7;
	v19 =	vadd.f32 $-1.937587410e-01, v12  }
0x92: {  	v11 =	vsel vm1, v11, v25;
	v12 =	vsel vm0, v15, v24;
	v16 =	vmul.f32 v16, v5  }
0x93: {  	v14 =	vmul.f32 v14, v6;
	v15 =	vsub.f32 $8.556748180e-02, v17;
	v17 =	vmul.f32 v19, v8;
	v18 =	vpop (erf)  }
0x94: {  	v13 =	vmul.f32 v23, v13;
	v16 =	vadd.f32 $-1.937587410e-01, v16;
	v18 =	vadd.f32 $1.000000000e+00, v18  }
0x95: {  	v14 =	vadd.f32 $-1.937587410e-01, v14;
	v15 =	vmul.f32 v15, v7;
	v17 =	vadd.f32 $3.176482920e-01, v17;
	v19 =	vpop (erf)  }
0x96: {  	v19 =	vadd.f32 $1.000000000e+00, v19;
	v16 =	vmul.f32 v16, v5;
	v20 =	vpop (erf);
	(erf) = vrcp.f32 v18;
	[tilespmem:s22+$0x5100] =	vst v13  }
.Ltmp0:
0x97: {  	v18 =	vmul.f32 v14, v6;
	v14 =	vadd.f32 $-1.937587410e-01, v15;
	v15 =	vmul.f32 v17, v8;
	(pc) =	sbr.rel @p0 .LBB2_3-.Ltmp0, $4  }
0x98: {  	v17 =	vadd.f32 $1.000000000e+00, v20;
	v16 =	vadd.f32 $3.176482920e-01, v16;
	(erf) = vrcp.f32 v19  }
0x99: {  	v19 =	vadd.f32 $3.176482920e-01, v18;
	v14 =	vmul.f32 v14, v7;
	v15 =	vadd.f32 $-4.978750050e-01, v15;
	v13 =	vpop (erf)  }
0x9a: {  	s23 =	sshra.s32 s24, $0x2;
	v18 =	vmul.f32 v16, v5;
	v16 =	vadd.f32 $1.000000000e+00, v13;
	(erf) = vrcp.f32 v17  }
0x9b: {  	s24 =	sadd.s32 $0x200, s24;
	v13 =	vld [tilespmem:s23+$0x170];
	v17 =	vmul.f32 v19, v6;
	v14 =	vadd.f32 $3.176482920e-01, v14;
	v15 =	vmul.f32 v15, v8  }
0x9c: {  	v10 =	vmul.f32 v10, v12;
	v18 =	vadd.f32 $-4.978750050e-01, v18  }
0x9d: {  	v19 =	vld [tilespmem:s23+$0x2970];
	(erf) = vrcp.f32 v16;
	vm0 =	vmmov vm4;
	v9 =	vmul.f32 v9, v11  }
0x9e: {  	v32 =	vld [tilespmem:s23+$0x140];
	vm1 =	vmmov vm3;
	v34 =	vmul.f32 v14, v7;
	v35 =	vadd.f32 $9.999016520e-01, v15  }
0x9f: {  	v20 =	vld [tilespmem:s23+$0x2940];
	vm2 =	vmmov vm5;
	v33 =	vadd.f32 $-4.978750050e-01, v17;
	[tilespmem:s22+$0x5110] =	vst v10;
	v37 =	vmul.f32 v18, v5  }
0xa0: {  	v42 =	vmax.f32 v3, $0.0e+00;
	v36 =	vld [tilespmem:s23+$0x150];
	v10 =	vadd.f32 $-4.978750050e-01, v34;
	v8 =	vmul.f32 v35, v8;
	v39 =	vpop (erf)  }
0xa1: {  	v38 =	vld [tilespmem:s23+$0x2950];
	v16 =	vmul.f32 v33, v6;
	[tilespmem:s22+$0x5120] =	vst v9;
	v40 =	vadd.f32 $9.999016520e-01, v37;
	v41 =	vsub.f32 $1.000000000e+00, v39  }
0xa2: {  	vm8 =	vge.f32 v4, $0.0e+00;
	v21 =	vld [tilespmem:s23+$0x160];
	v3 =	vadd.f32 v19, v13;
	v43 =	vadd.f32 v8, v42  }
0xa3: {  	v44 =	vld [tilespmem:s23+$0x2960];
	v45 =	vadd.f32 $9.999016520e-01, v16;
	v10 =	vmul.f32 v10, v7;
	v14 =	vsel vm8, v39, v41  }
0xa4: {  	v46 =	vld [tilespmem:s23+$0x100];
	v12 =	vadd.f32 v20, v32;
	v54 =	vpop (erf);
	v49 =	vmul.f32 v40, v5;
	v4 =	vmul.f32 v43, v14  }
0xa5: {  	v48 =	vld [tilespmem:s23+$0x130];
	v61 =	vsub.f32 $1.000000000e+00, v54;
	v47 =	vand.u32 $0x7FFFFFFF, v3;
	v50 =	vadd.f32 $9.999016520e-01, v10  }
0xa6: {  	v51 =	vld [tilespmem:s23+$0x2930];
	v52 =	vand.u32 $0x7FFFFFFF, v12;
	v53 =	vmul.f32 v45, v6;
	v16 =	vsub.f32 $0.0e+00, v47;
	[tilespmem:s21+$0x5130] =	vst v4  }
0xa7: {  	v12 =	vmax.f32 v12, $0.0e+00;
	v3 =	vmax.f32 v3, $0.0e+00;
	v11 =	vadd.f32 v38, v36;
	v55 =	vld [tilespmem:s23+$0x2900]  }
0xa8: {  	v58 =	vpop (erf);
	v56 =	vsub.f32 $0.0e+00, v52;
	v8 =	vadd.f32 v44, v21;
	v16 =	vmul.f32 $1.442695020e+00, v16;
	v59 =	vld [tilespmem:s23+$0x110]  }
0xa9: {  	v24 =	vsub.f32 $1.000000000e+00, v58;
	v0 =	vadd.f32 v49, v0;
	v60 =	vand.u32 $0x7FFFFFFF, v11;
	v22 =	vld [tilespmem:s23+$0x2910]  }
0xaa: {  	v63 =	vld [tilespmem:s23+$0x120];
	v19 =	vsub.f32 $0.0e+00, v60;
	v23 =	vand.u32 $0x7FFFFFFF, v8;
	(erf) = vpow2.f32 v16  }
0xab: {  	v10 =	vadd.f32 v51, v48;
	v17 =	vmul.f32 $1.442695020e+00, v56;
	v26 =	vld [tilespmem:s23+$0x2920];
	v23 =	vsub.f32 $0.0e+00, v23  }
0xac: {  	v57 =	vmul.f32 v50, v7;
	v1 =	vadd.f32 v53, v1;
	v19 =	vmul.f32 $1.442695020e+00, v19  }
0xad: {  	v28 =	vand.u32 $0x7FFFFFFF, v10;
	(erf) = vpow2.f32 v17;
	v27 =	vmul.f32 $1.442695020e+00, v23  }
0xae: {  	v15 =	vsub.f32 $0.0e+00, v28;
	v13 =	vadd.f32 v55, v46;
	(erf) = vpow2.f32 v19  }
0xaf: {  	v62 =	vpop (erf);
	v4 =	vsel vm0, v54, v61;
	v18 =	vadd.f32 v22, v59;
	(erf) = vpow2.f32 v27  }
0xb0: {  	v15 =	vmul.f32 $1.442695020e+00, v15;
	v16 =	vadd.f32 v26, v63;
	v29 =	vand.u32 $0x7FFFFFFF, v13  }
0xb1: {  	v25 =	vsub.f32 $1.000000000e+00, v62;
	v30 =	vand.u32 $0x7FFFFFFF, v18;
	v17 =	vsub.f32 $0.0e+00, v29  }
0xb2: {  	v31 =	vand.u32 $0x7FFFFFFF, v16;
	(erf) = vpow2.f32 v15;
	v14 =	vsub.f32 $0.0e+00, v30  }
0xb3: {  	v0 =	vmul.f32 v0, v4;
	v34 =	vsub.f32 $0.0e+00, v31;
	v17 =	vmul.f32 $1.442695020e+00, v17;
	v32 =	vpop (erf)  }
0xb4: {  	v11 =	vmax.f32 v11, $0.0e+00;
	v33 =	vmul.f32 $1.442695020e+00, v14;
	v35 =	vmul.f32 $1.833792400e-02, v32  }
0xb5: {  	v9 =	vsel vm1, v58, v24;
	v36 =	vmul.f32 $1.442695020e+00, v34;
	(erf) = vpow2.f32 v17  }
0xb6: {  	v1 =	vmul.f32 v1, v9;
	v38 =	vpop (erf);
	(erf) = vpow2.f32 v33;
	v37 =	vsub.f32 $8.556748180e-02, v35  }
0xb7: {  	v8 =	vmax.f32 v8, $0.0e+00;
	v39 =	vmul.f32 $1.833792400e-02, v38;
	v40 =	vpop (erf);
	(erf) = vpow2.f32 v36  }
0xb8: {  	v2 =	vadd.f32 v57, v2;
	v41 =	vmul.f32 $1.833792400e-02, v40;
	v42 =	vpop (erf);
	v7 =	vmul.f32 v37, v32  }
0xb9: {  	vm15 =	vge.f32 v10, $0.0e+00;
	v5 =	vsub.f32 $8.556748180e-02, v39;
	v44 =	vmul.f32 $1.833792400e-02, v42  }
0xba: {  	v45 =	vsel vm2, v62, v25;
	v43 =	vsub.f32 $8.556748180e-02, v41;
	v7 =	vadd.f32 $-1.937587410e-01, v7  }
0xbb: {  	vm11 =	vge.f32 v16, $0.0e+00;
	v46 =	vpop (erf);
	v5 =	vmul.f32 v5, v38;
	v17 =	vsub.f32 $8.556748180e-02, v44  }
0xbc: {  	v19 =	vadd.f32 $1.000000000e+00, v46;
	v16 =	vmul.f32 v43, v40;
	v7 =	vmul.f32 v7, v32  }
0xbd: {  	v2 =	vmul.f32 v2, v45;
	v5 =	vadd.f32 $-1.937587410e-01, v5;
	v48 =	vmul.f32 v17, v42  }
0xbe: {  	v47 =	vadd.f32 $-1.937587410e-01, v16;
	v49 =	vpop (erf);
	(erf) = vrcp.f32 v19;
	v7 =	vadd.f32 $3.176482920e-01, v7  }
0xbf: {  	v5 =	vmul.f32 v5, v38;
	v17 =	vadd.f32 $1.000000000e+00, v49;
	v50 =	vpop (erf);
	v16 =	vadd.f32 $-1.937587410e-01, v48  }
0xc0: {  	v4 =	vmul.f32 v47, v40;
	v19 =	vadd.f32 $1.000000000e+00, v50;
	v7 =	vmul.f32 v7, v32  }
0xc1: {  	v5 =	vadd.f32 $3.176482920e-01, v5;
	v51 =	vpop (erf);
	(erf) = vrcp.f32 v17;
	v16 =	vmul.f32 v16, v42  }
0xc2: {  	v17 =	vadd.f32 $1.000000000e+00, v51;
	v4 =	vadd.f32 $3.176482920e-01, v4;
	(erf) = vrcp.f32 v19  }
0xc3: {  	v5 =	vmul.f32 v5, v38;
	v7 =	vadd.f32 $-4.978750050e-01, v7;
	v16 =	vadd.f32 $3.176482920e-01, v16  }
0xc4: {  	vm9 =	vge.f32 v13, $0.0e+00;
	(erf) = vrcp.f32 v17;
	v4 =	vmul.f32 v4, v40  }
0xc5: {  	v5 =	vadd.f32 $-4.978750050e-01, v5;
	v7 =	vmul.f32 v7, v32;
	v52 =	vmul.f32 v16, v42  }
0xc6: {  	vm10 =	vge.f32 v18, $0.0e+00;
	vm12 =	vmmov vm9;
	v4 =	vadd.f32 $-4.978750050e-01, v4  }
0xc7: {  	v5 =	vmul.f32 v5, v38;
	v7 =	vadd.f32 $9.999016520e-01, v7;
	v9 =	vadd.f32 $-4.978750050e-01, v52;
	v53 =	vpop (erf)  }
0xc8: {  	vm13 =	vmmov vm10;
	v4 =	vmul.f32 v4, v40;
	v54 =	vsub.f32 $1.000000000e+00, v53  }
0xc9: {  	v5 =	vadd.f32 $9.999016520e-01, v5;
	v7 =	vmul.f32 v7, v32;
	v9 =	vmul.f32 v9, v42  }
0xca: {  	vm14 =	vmmov vm11;
	v4 =	vadd.f32 $9.999016520e-01, v4;
	v55 =	vpop (erf);
	v10 =	vsel vm15, v53, v54  }
0xcb: {  	v5 =	vmul.f32 v5, v38;
	v3 =	vadd.f32 v7, v3;
	v9 =	vadd.f32 $9.999016520e-01, v9;
	v56 =	vpop (erf)  }
0xcc: {  	v57 =	vsub.f32 $1.000000000e+00, v55;
	v4 =	vmul.f32 v4, v40;
	v59 =	vsub.f32 $1.000000000e+00, v56  }
0xcd: {  	[tilespmem:s21+$0x5100] =	vst v0;
	v58 =	vpop (erf);
	v5 =	vadd.f32 v5, v12;
	v3 =	vmul.f32 v3, v10;
	v6 =	vmul.f32 v9, v42  }
0xce: {  	[tilespmem:s21+$0x5110] =	vst v1;
	v60 =	vsub.f32 $1.000000000e+00, v58;
	v7 =	vsel vm12, v55, v57;
	v4 =	vadd.f32 v4, v11  }
0xcf: {  	[tilespmem:s21+$0x5120] =	vst v2;
	v62 =	vsel vm13, v56, v59;
	v5 =	vmul.f32 v5, v7;
	v61 =	vadd.f32 v6, v8  }
0xd0: {  	[tilespmem:s23+$0x5130] =	vst v3;
	v0 =	vsel vm14, v58, v60;
	v63 =	vmul.f32 v4, v62  }
0xd1: {  	s19 =	sadd.s32 $0x1, s19;
	[tilespmem:s23+$0x5100] =	vst v5;
	v0 =	vmul.f32 v61, v0  }
0xd2: {  	s20 =	sshll.u32 s20, $0x4;
	p0 =	sne.s32 s19, $0x7D;
	[tilespmem:s23+$0x5110] =	vst v63  }
.Ltmp1:
0xd3: {  	s20 =	sadd.s32 s7, s20;
	[tilespmem:s23+$0x5120] =	vst v0;
	(pc) =	sbr.rel @p0 .LBB2_2-.Ltmp1, $4  }
0xd4: {  	[hbm4b:s20+s1] =	stream.linear.scatter [tilespmem:s17], [sflag:$0x3], $0x2800, $0x38;
	[tilespmem:$0x7900] =	vst v63  }
0xd5: {  	_ =	swait.ge [sflag:s10], $0x2800  }
0xd6: {  	[sflag:s10] =	ssyncset.done $0x0  }
0xd7: {  	[sflag:s10] =	ssyncadd.s32 $0xFFFFD800  }
0xd8: {  	s18 =	sadd.s32 $0x1, s18  }
0xd9: {  	p0 =	sne.s32 s18, s9  }
.Ltmp2:
0xda: {  	_ = 	snop;
	(pc) =	sbr.rel @p0 .LBB2_1-.Ltmp2, $1  }
0xdb: {  	_ =	sdelay $0x3  }
0xdc: {  	_ =	sfence.sel $0x180000  }
0xdd: {  	[bflag:$0x0] =	sbarrier.arrive $0xFFFF  }
0xde: {  	p0 =	sne.s32 s3, $0x0;
	_ =	strace $0x9000004A  }
0xdf: {  	s0 =	sadd.s32 @!p0 $0x100000, s0;
	[bflag:$0x2] =	sbarrier.arrive $0xFFFF  }
0xe0: {  	[sflag:s0] =	ssyncadd.tile.s32 @!p0 $0x1;
	_ =	shalt  }
.Lfunc_end2:
_tile_overlayer_lowered:
.L_overlay_start_2:
0xe1: {  	(tag) =	ssettag $0x2  }
0xe2: {  	s0 =	rddreg [dreg:$0x0];
	s2 =	stileid.u32  }
0xe3: {  	s1 =	rddreg [dreg:$0x1];
	p0 =	sne.s32 s2, $0x0  }
0xe4: {  	s3 =	rddreg [dreg:$0x2];
	[bflag:$0x3] =	sbarrier.arrive $0xFFFF;
	s2 =	simm.s32 @!p0 $0x1C03  }
0xe5: {  	[timem:s3], [sflag:s2] =	dma.local @!p0 [hbm:s0], s1  }
0xe6: {  	s0 =	simm.s32 @!p0 $0x3  }
0xe7: {  	_ =	swait.ge @!p0 [sflag:s0], s1  }
0xe8: {  	s1 =	ssub.s32 @!p0 $0x0, s1;
	[sflag:s0] =	ssyncset.done @!p0 $0x0  }
0xe9: {  	[sflag:s0] =	ssyncadd.s32 @!p0 s1  }
0xea: {  	[bflag:$0x3] =	sbarrier.arrive $0xFFFF  }
0xeb: {  	_ =	shalt  }

// kernel: kernel.18.cloned.1.call-start
scs
__scs_entry_jumppad:
0x0: {  	(pc) =	sbr.rel $0x88, $3  }
0x1: {  	(tag) =	ssettag $0x0;
	lr =	simm.s32 $0x1  }
0x2: {  	[smem:$0x3F94] =	sst lr;
	_ =	strace $0xD0000000  }
0x3: {  	_ = 	snop  }
0x4: {  	_ = 	snop  }
0x5: {  	_ = 	snop  }
0x6: {  	_ = 	snop  }
0x7: {  	_ = 	snop  }
__scs_overlays_trampoline_lowered:
0x8: {  	[smem:$0x3FA3] =	sst s0  }
0x9: {  	[smem:$0x3FA4] =	sst s1  }
0xa: {  	[smem:$0x3FA5] =	sst s2  }
0xb: {  	[smem:$0x3FA6] =	sst s3  }
0xc: {  	[smem:$0x3FA7] =	sst s4  }
0xd: {  	[smem:$0x3FA8] =	sst s5  }
0xe: {  	[smem:$0x3FA9] =	sst s6  }
0xf: {  	[smem:$0x3FAA] =	sst s7  }
0x10: {  	[smem:$0x3FAB] =	sst s8  }
0x11: {  	[smem:$0x3FAC] =	sst s9;
	s0 =	simm.s32 @!p0 $0x0  }
0x12: {  	s1 =	sld [smem:$0x3F92];
	s0 =	simm.s32 @p0 $0x1  }
0x13: {  	[smem:$0x3FAD] =	sst s0;
	s0 =	simm.s32 @!p1 $0x0  }
0x14: {  	s2 =	sld [smem:$0x3F91];
	s0 =	simm.s32 @p1 $0x1  }
0x15: {  	[smem:$0x3FAE] =	sst s0;
	s0 =	simm.s32 @!p2 $0x0  }
0x16: {  	s3 =	sld [smem:$0x3FDB];
	s0 =	simm.s32 @p2 $0x1  }
0x17: {  	s4 =	simm.s32 $0x1BF5;
	[smem:$0x3FB0] =	sst s0  }
0x18: {  	s0 =	sld [smem:$0x3F93];
	_ =	swait.ge [sflag:s4], $0x0  }
0x19: {  	s7 =	sld [smem:$0x3F94]  }
0x1a: {  	s8 =	sadd.s32 $0xFFFFE003, lr  }
0x1b: {  	s9 =	sadd.s32 $0xFFFFFEF7, lr;
	s5 =	simm.s32 $0xFFFFFFFF;
	p2 =	slt.u32 s8, $0xFFFFF086  }
0x1c: {  	p1 =	slt.u32 s9, $0xF7A;
	s5 =	simm.s32 @!p2 $0x0  }
0x1d: {  	s5 =	simm.s32 @p1 $0x1;
	p0 =	seq.s32 s7, s2  }
0x1e: {  	s7 =	smul.u32 @!p0 $0xF7A, s2;
	p2 =	seq.s32 @!p0 s5, $0x0  }
0x1f: {  	s9 =	smul.u32 $0xF7A, s1;
	s8 =	simm.s32 @!p0 $0x1BF5;
	p2 =	por !p2, p0  }
0x20: {  	[sflag:s8] =	ssyncset.s32 @!p0 $0xFFFFF086;
	s6 =	sadd.s32 @!p0 s3, s7;
	s7 =	simm.s32 @!p0 $0x108  }
0x21: {  	s3 =	sadd.s32 s3, s9;
	s6 =	sadd.s32 @!p0 $0x88, s6;
	s7 =	simm.s32 @p2 $0x1082  }
0x22: {  	[simem:s7], [sflag:s8] =	dma.local @!p0 [hbm:s6], $0xF7A  }
0x23: {  	s9 =	sor.u32 $0xD0000000, s2;
	s6 =	simm.s32 $0x108;
	_ =	swait.ge @!p0 [sflag:s8], $0x0  }
0x24: {  	s3 =	sadd.s32 $0x88, s3;
	s6 =	simm.s32 @!p1 $0x1082;
	[sflag:s4] =	ssyncset.s32 $0xFFFFF086  }
0x25: {  	[simem:s6], [sflag:s4] =	dma.local [hbm:s3], $0xF7A  }
0x26: {  	[smem:$0x3F94] =	sst s1;
	(tag) =	ssettag s2;
	_ =	strace s9  }
0x27: {  	s1 =	sld [smem:$0x3FA4]  }
0x28: {  	s2 =	sld [smem:$0x3FA5]  }
0x29: {  	s4 =	sld [smem:$0x3FA7]  }
0x2a: {  	p0 =	seq.s32 s5, $0x0;
	s5 =	sld [smem:$0x3FA8]  }
0x2b: {  	s6 =	sld [smem:$0x3FA9]  }
0x2c: {  	s7 =	sld [smem:$0x3FAA]  }
0x2d: {  	s3 =	simm.s32 $0x108;
	s8 =	sld [smem:$0x3FAB]  }
0x2e: {  	s3 =	simm.s32 @!p0 $0x1082;
	s9 =	sld [smem:$0x3FAC]  }
0x2f: {  	lr =	sadd.s32 s0, s3;
	s0 =	sld [smem:$0x3FA3]  }
0x30: {  	s3 =	sld [smem:$0x3FA6]  }
0x31: {  	[smem:$0x3FAF] =	sst s10  }
0x32: {  	s10 =	sld [smem:$0x3FAD];
	_ =	sdelay $0x3  }
0x33: {  	p0 =	seq.s32 s10, $0x1;
	s10 =	sld [smem:$0x3FAF];
	_ =	sdelay $0x3  }
0x34: {  	[smem:$0x3FAF] =	sst s10  }
0x35: {  	s10 =	sld [smem:$0x3FAE];
	_ =	sdelay $0x3  }
0x36: {  	p1 =	seq.s32 s10, $0x1;
	s10 =	sld [smem:$0x3FAF];
	_ =	sdelay $0x3  }
0x37: {  	[smem:$0x3FAF] =	sst s10  }
0x38: {  	s10 =	sld [smem:$0x3FB0]  }
0x39: {  	_ = 	snop;
	(pc) =	sbr.ind lr, $3  }
0x3a: {  	_ = 	snop  }
0x3b: {  	_ = 	snop  }
0x3c: {  	p2 =	seq.s32 s10, $0x1;
	s10 =	sld [smem:$0x3FAF]  }
0x3d: {  	_ =	shalt  }
0x3e: {  	_ =	shalt  }
0x3f: {  	_ =	shalt  }
0x40: {  	_ =	shalt  }
0x41: {  	_ =	shalt  }
0x42: {  	_ =	shalt  }
0x43: {  	_ =	shalt  }
0x44: {  	_ =	shalt  }
0x45: {  	_ =	shalt  }
0x46: {  	_ =	shalt  }
0x47: {  	_ =	shalt  }
0x48: {  	_ =	shalt  }
0x49: {  	_ =	shalt  }
0x4a: {  	_ =	shalt  }
0x4b: {  	_ =	shalt  }
0x4c: {  	_ =	shalt  }
0x4d: {  	_ =	shalt  }
0x4e: {  	_ =	shalt  }
0x4f: {  	_ =	shalt  }
0x50: {  	_ =	shalt  }
0x51: {  	_ =	shalt  }
0x52: {  	_ =	shalt  }
0x53: {  	_ =	shalt  }
0x54: {  	_ =	shalt  }
0x55: {  	_ =	shalt  }
0x56: {  	_ =	shalt  }
0x57: {  	_ =	shalt  }
0x58: {  	_ =	shalt  }
0x59: {  	_ =	shalt  }
0x5a: {  	_ =	shalt  }
0x5b: {  	_ =	shalt  }
0x5c: {  	_ =	shalt  }
0x5d: {  	_ =	shalt  }
0x5e: {  	_ =	shalt  }
0x5f: {  	_ =	shalt  }
0x60: {  	_ =	shalt  }
0x61: {  	_ =	shalt  }
0x62: {  	_ =	shalt  }
0x63: {  	_ =	shalt  }
0x64: {  	_ =	shalt  }
0x65: {  	_ =	shalt  }
0x66: {  	_ =	shalt  }
0x67: {  	_ =	shalt  }
0x68: {  	_ =	shalt  }
0x69: {  	_ =	shalt  }
0x6a: {  	_ =	shalt  }
0x6b: {  	_ =	shalt  }
0x6c: {  	_ =	shalt  }
0x6d: {  	_ =	shalt  }
0x6e: {  	_ =	shalt  }
0x6f: {  	_ =	shalt  }
0x70: {  	_ =	shalt  }
0x71: {  	_ =	shalt  }
0x72: {  	_ =	shalt  }
0x73: {  	_ =	shalt  }
0x74: {  	_ =	shalt  }
0x75: {  	_ =	shalt  }
0x76: {  	_ =	shalt  }
0x77: {  	_ =	shalt  }
0x78: {  	_ =	shalt  }
0x79: {  	_ =	shalt  }
0x7a: {  	_ =	shalt  }
0x7b: {  	_ =	shalt  }
0x7c: {  	_ =	shalt  }
0x7d: {  	_ =	shalt  }
0x7e: {  	_ =	shalt  }
0x7f: {  	_ =	shalt  }
0x80: {  	_ =	shalt  }
0x81: {  	_ =	shalt  }
0x82: {  	_ =	shalt  }
0x83: {  	_ =	shalt  }
0x84: {  	_ =	shalt  }
0x85: {  	_ =	shalt  }
0x86: {  	_ =	shalt  }
0x87: {  	_ =	shalt  }
.Lfunc_end0:
.L_simem_size_0:
called_computation.2_lowered:
.L_overlay_start_0:
0x88: {  	s2 =	sld [smem:$0x3FD9]  }
0x89: {  	s3 =	sld [smem:$0x3FFE];
	_ =	sdelay $0x1  }
0x8a: {  	s1 =	srdreg.scid  }
0x8b: {  	s0 =	sand.u32 $0x1, s1  }
0x8c: {  	s16 =	sshll.u32 s0, $0xA;
	s2 =	sadd.s32 s3, s2  }
0x8d: {  	s2 =	sadd.s32 s2, s16  }
0x8e: {  	[smem:$0x3FBB] =	sst s2  }
0x8f: {  	_ = 	snop  }
0x90: {  	(tm) =	ssettm $0x1  }
0x91: {  	s17 =	sld [smem:$0x3FFB];
	_ =	sdelay $0x3  }
0x92: {  	_ =	strace s17  }
0x93: {  	s2 =	sld [smem:$0x3FFC];
	_ =	sdelay $0x3  }
0x94: {  	_ =	strace s2  }
0x95: {  	s2 =	sld [smem:$0x3FFD];
	_ =	sdelay $0x3  }
0x96: {  	_ =	strace s2  }
0x97: {  	_ =	strace $0x8FFFFFFF  }
0x98: {  	s18 =	sld [smem:$0x3FDB];
	_ =	sdelay $0x1  }
0x99: {  	s19 =	simm.s32 $_scs_section_size  }
0x9a: {  	s4 =	simm.s32 $_size__tile_overlayer_lowered;
	s5 =	simm.s32 $_tile_overlayer_lowered  }
0x9b: {  	s22 =	simm.s32 $0x1BFF;
	s21 =	sshll.u32 s5, $0x1;
	s2 =	sadd.s32 s19, s18  }
0x9c: {  	s6 =	simm.s32 $0x0;
	s20 =	sshll.u32 s4, $0x1;
	s4 =	sadd.s32 s21, s2  }
0x9d: {  	[timem:s6], [sflag:s22] =	dma.local [hbm:s4], s20  }
0x9e: {  	_ =	swait.ge [sflag:s22], s20  }
0x9f: {  	s3 =	ssub.s32 $0x0, s20;
	[sflag:s22] =	ssyncset.done $0x0  }
0xa0: {  	[sflag:s22] =	ssyncadd.s32 s3;
	_ =	sdelay $0x1  }
0xa1: {  	s23 =	simm.s32 $0x1B8B  }
0xa2: {  	_ =	swait.ge [sflag:s23], $0x1  }
0xa3: {  	[sflag:s23] =	ssyncset.done $0x0  }
0xa4: {  	s25 =	simm.s32 $0x1B8E;
	s24 =	sld [smem:$0x3FFE];
	[sflag:s23] =	ssyncadd.s32 $0xFFFFFFFF  }
0xa5: {  	s26 =	simm.s32 $execute0_lowered;
	[smem:$0x3FD2] =	sst s25  }
0xa6: {  	s4 =	sshll.u32 s26, $0x1;
	_ =	strace $0x8000004C;
	[dreg:$0x1] =	wrdreg $0xFFFFFFFF  }
0xa7: {  	s28 =	simm.s32 $_size_execute0_lowered;
	s2 =	sadd.s32 s2, s4;
	[dreg:$0x0] =	wrdreg $0x0  }
0xa8: {  	s4 =	sshll.u32 s28, $0x1;
	[dreg:$0x2] =	wrdreg s2  }
0xa9: {  	[dreg:$0x3] =	wrdreg s4  }
0xaa: {  	[dreg:$0x4] =	wrdreg $0xC0  }
0xab: {  	_ =	task [dreg:s6], $0x5FFFF  }
0xac: {  	[dreg:$0x1] =	wrdreg $0xFFFFFFFF  }
0xad: {  	[dreg:$0x0] =	wrdreg $0x60  }
0xae: {  	[dreg:$0x2] =	wrdreg s24  }
0xaf: {  	[dreg:$0x3] =	wrdreg $0x9  }
0xb0: {  	_ =	task.clear_ibuf [dreg:s6], $0x4FFFF;
	_ =	strace $0x9000004C  }
0xb1: {  	s29 =	simm.s32 $0x9;
	_ =	strace $0x8000004E  }
0xb2: {  	_ =	swait.ge [sflag:s29], $0x1  }
0xb3: {  	[sflag:s29] =	ssyncadd.s32 $0xFFFFFFFF  }
0xb4: {  	_ =	strace $0x9000004E  }
0xb5: {  	_ =	sfence  }
0xb6: {  	s30 =	sld [smem:$0x0];
	_ =	sdelay $0x2  }
0xb7: {  	s31 =	sshll.u32 s1, $0xD;
	s1 =	sshrl.u32 s1, $0x2  }
0xb8: {  	s3 =	sand.u32 $0x4000, s31;
	s1 =	sadd.s32 s1, s30  }
0xb9: {  	s0 =	sor.u32 s3, s0;
	s1 =	sshll.u32 s1, $0x11  }
0xba: {  	s0 =	sor.u32 s1, s0  }
0xbb: {  	s0 =	sadd.s32 $0x8F2B, s0  }
0xbc: {  	[sflag:s0] =	ssyncadd.remote.s32 $0x1  }
0xbd: {  	_ =	sfence.sel $0xFFFF  }
0xbe: {  	[dreg:$0x0] =	wrdreg $0xFFFFFFFF;
	(pc) =	sbr.abs _section_cstart, $3  }
0xbf: {  	[dreg:$0x1] =	wrdreg $0xFFFFFFFF  }
0xc0: {  	_ =	task.clear_ibuf [dreg:s6], $0x2FFFF;
	_ =	strace $0x9FFFFFFF  }
0xc1: {  	(tm) =	ssettm $0x7FFFFFFF  }
tec
execute0_lowered:
.L_overlay_start_1:
0x0: {  	(tag) =	ssettag $0x1  }
0x1: {  	s7 =	rddreg [dreg:$0x0]  }
0x2: {  	s0 =	rddreg [dreg:$0x1]  }
0x3: {  	s1 =	simm.s32 $0x0;
	s3 =	srdreg.scid;
	s11 =	simm.s32 $0x80  }
0x4: {  	s12 =	simm.s32 $0x50;
	s13 =	simm.s32 $0x100;
	s14 =	simm.s32 $0x2900  }
0x5: {  	s15 =	simm.s32 $0x1;
	s16 =	simm.s32 $0x2;
	s17 =	simm.s32 $0x5100  }
0x6: {  	s18 =	simm.s32 $0x0;
	[smem:$0x7FF] =	sst s1;
	s2 =	sadd.s32 $0x1A800, s7  }
0x7: {  	s6 =	sand.u32 $0x1, s3;
	s4 =	sadd.s32 $0x69C00, s7;
	s5 =	sadd.s32 $0x10A00, s7  }
0x8: {  	s3 =	stileid.u32;
	_ =	strace $0x8000004D;
	s8 =	ssub.s32 $0x2, s6  }
0x9: {  	s10 =	sshll.u32 s6, $0x4;
	s6 =	sadd.s32 $0x6C00, s7;
	s9 =	sshrl.u32 s8, $0x1  }
0xa: {  	s7 =	sadd.s32 $0x57CE00, s7;
	s31 =	sor.u32 s3, s10;
	s9 =	ssub.s32 s8, s9  }
0xb: {  	s10 =	simm.s32 $0x3;
	s8 =	smul.u32 $0x2710, s31;
	s9 =	smax.u32 s9, $0x1  }
.LBB2_1:
0xc: {  	s19 =	simm.s32 $0x0  }
.LBB2_2:
0xd: {  	s20 =	smul.u32 $0x50, s19;
	_ =	sdelay $0x1  }
0xe: {  	s20 =	sadd.s32 s8, s20  }
0xf: {  	s21 =	sshrl.u32 s20, $0x3  }
0x10: {  	s23 =	simm.s32 $0x0;
	s22 =	sadd.s32 s5, s21  }
0x11: {  	[tilespmem:s23], [sflag:$0x3] =	stream.linear.gather [hbm4b:s22+s23], $0x50, $0x38;
	[tilespmem:$0x7900] =	vst v63  }
0x12: {  	_ =	swait.ge [sflag:s10], $0x50  }
0x13: {  	[sflag:s10] =	ssyncset.done $0x0  }
0x14: {  	s21 =	sadd.s32 s6, s21;
	[sflag:s10] =	ssyncadd.s32 $0xFFFFFFB0  }
0x15: {  	[tilespmem:s11], [sflag:$0x3] =	stream.linear.gather [hbm4b:s21+s23], $0x50, $0x38;
	[tilespmem:$0x7900] =	vst v63  }
0x16: {  	_ =	swait.ge [sflag:s10], $0x50  }
0x17: {  	[sflag:s10] =	ssyncset.done $0x0  }
0x18: {  	[sflag:s10] =	ssyncadd.s32 $0xFFFFFFB0  }
0x19: {  	[tilespmem:s13], [sflag:$0x1] =	stream.indirect.gather [hbm4b:s2+s12], $0x80, s23, s12, $0xb8;
	[tilespmem:$0x7900] =	vst v63  }
0x1a: {  	_ = 	snop  }
0x1b: {  	[tilespmem:s14], [sflag:$0x2] =	stream.indirect.gather [hbm4b:s4+s12], $0x80, s11, s12, $0xb8;
	[tilespmem:$0x7900] =	vst v63  }
0x1c: {  	_ =	swait.ge [sflag:s15], $0x2800  }
0x1d: {  	[sflag:s15] =	ssyncset.done $0x0  }
0x1e: {  	[sflag:s15] =	ssyncadd.s32 $0xFFFFD800  }
0x1f: {  	_ =	swait.ge [sflag:s16], $0x2800  }
0x20: {  	[sflag:s16] =	ssyncset.done $0x0  }
0x21: {  	s22 =	simm.s32 $0x0;
	[sflag:s16] =	ssyncadd.s32 $0xFFFFD800  }
0x22: {  	v0 =	vld [tilespmem:s22+$0x170]  }
0x23: {  	v1 =	vld [tilespmem:s22+$0x2970]  }
0x24: {  	v2 =	vld [tilespmem:s22+$0x140]  }
0x25: {  	v3 =	vld [tilespmem:s22+$0x2940]  }
0x26: {  	v4 =	vld [tilespmem:s22+$0x150]  }
0x27: {  	v5 =	vld [tilespmem:s22+$0x2950]  }
0x28: {  	v6 =	vld [tilespmem:s22+$0x160];
	v0 =	vadd.f32 v1, v0  }
0x29: {  	v7 =	vld [tilespmem:s22+$0x100]  }
0x2a: {  	v1 =	vld [tilespmem:s22+$0x2960];
	v8 =	vand.u32 $0x7FFFFFFF, v0  }
0x2b: {  	v2 =	vadd.f32 v3, v2;
	v3 =	vld [tilespmem:s22+$0x130];
	v8 =	vsub.f32 $0.0e+00, v8  }
0x2c: {  	v4 =	vadd.f32 v5, v4;
	v5 =	vld [tilespmem:s22+$0x2930]  }
0x2d: {  	v10 =	vld [tilespmem:s22+$0x2900];
	v9 =	vand.u32 $0x7FFFFFFF, v2;
	v8 =	vmul.f32 $1.442695020e+00, v8  }
0x2e: {  	v11 =	vld [tilespmem:s22+$0x110];
	v9 =	vsub.f32 $0.0e+00, v9  }
0x2f: {  	v14 =	vld [tilespmem:s22+$0x2920];
	v1 =	vadd.f32 v1, v6;
	(erf) = vpow2.f32 v8  }
0x30: {  	v12 =	vand.u32 $0x7FFFFFFF, v4;
	v6 =	vld [tilespmem:s22+$0x2910];
	v8 =	vmul.f32 $1.442695020e+00, v9  }
0x31: {  	v12 =	vsub.f32 $0.0e+00, v12;
	v15 =	vadd.f32 v5, v3;
	v9 =	vld [tilespmem:s22+$0x120];
	v13 =	vand.u32 $0x7FFFFFFF, v1  }
0x32: {  	v3 =	vadd.f32 v10, v7;
	v13 =	vsub.f32 $0.0e+00, v13;
	(erf) = vpow2.f32 v8  }
0x33: {  	v12 =	vmul.f32 $1.442695020e+00, v12;
	v7 =	vand.u32 $0x7FFFFFFF, v15  }
0x34: {  	v7 =	vsub.f32 $0.0e+00, v7;
	v8 =	vand.u32 $0x7FFFFFFF, v3;
	v5 =	vmul.f32 $1.442695020e+00, v13  }
0x35: {  	(erf) = vpow2.f32 v12;
	v10 =	vadd.f32 v6, v11;
	v6 =	vsub.f32 $0.0e+00, v8  }
0x36: {  	(erf) = vpow2.f32 v5;
	v8 =	vadd.f32 v14, v9;
	v5 =	vmul.f32 $1.442695020e+00, v7;
	_ =	sdelay $0x1  }
0x37: {  	v9 =	vand.u32 $0x7FFFFFFF, v8;
	(erf) = vpow2.f32 v5;
	v11 =	vpop (erf)  }
0x38: {  	v6 =	vmul.f32 $1.442695020e+00, v6;
	v5 =	vsub.f32 $0.0e+00, v9;
	v9 =	vmul.f32 $1.833792400e-02, v11  }
0x39: {  	v7 =	vand.u32 $0x7FFFFFFF, v10  }
0x3a: {  	v7 =	vsub.f32 $0.0e+00, v7;
	(erf) = vpow2.f32 v6;
	v13 =	vpop (erf);
	v9 =	vsub.f32 $8.556748180e-02, v9  }
0x3b: {  	v6 =	vmax.f32 v2, $0.0e+00;
	v2 =	vmul.f32 $1.833792400e-02, v13  }
0x3c: {  	vm0 =	vge.f32 v3, $0.0e+00;
	v7 =	vmul.f32 $1.442695020e+00, v7;
	v9 =	vmul.f32 v9, v11  }
0x3d: {  	vm1 =	vge.f32 v10, $0.0e+00;
	v12 =	vmul.f32 $1.442695020e+00, v5;
	v5 =	vmax.f32 v4, $0.0e+00;
	v14 =	vpop (erf)  }
0x3e: {  	(erf) = vpow2.f32 v7;
	v4 =	vmul.f32 $1.833792400e-02, v14;
	v9 =	vadd.f32 $-1.937587410e-01, v9  }
0x3f: {  	v7 =	vmax.f32 v1, $0.0e+00;
	(erf) = vpow2.f32 v12;
	v1 =	vsub.f32 $8.556748180e-02, v2;
	v2 =	vpop (erf)  }
0x40: {  	v4 =	vsub.f32 $8.556748180e-02, v4;
	v12 =	vmul.f32 $1.833792400e-02, v2;
	v10 =	vpop (erf);
	v9 =	vmul.f32 v9, v11  }
0x41: {  	vm2 =	vge.f32 v8, $0.0e+00;
	v1 =	vmul.f32 v1, v13;
	v8 =	vadd.f32 $1.000000000e+00, v10  }
0x42: {  	v3 =	vmul.f32 v4, v14;
	v4 =	vsub.f32 $8.556748180e-02, v12;
	v9 =	vadd.f32 $3.176482920e-01, v9  }
0x43: {  	v1 =	vadd.f32 $-1.937587410e-01, v1;
	v10 =	vpop (erf);
	(erf) = vrcp.f32 v8  }
0x44: {  	v10 =	vadd.f32 $1.000000000e+00, v10;
	v4 =	vmul.f32 v4, v2;
	v9 =	vmul.f32 v9, v11  }
0x45: {  	v3 =	vadd.f32 $-1.937587410e-01, v3;
	v1 =	vmul.f32 v1, v13  }
0x46: {  	v4 =	vadd.f32 $-1.937587410e-01, v4;
	v9 =	vadd.f32 $-4.978750050e-01, v9  }
0x47: {  	s21 =	simm.s32 $0x80;
	v3 =	vmul.f32 v3, v14;
	v8 =	vpop (erf);
	v1 =	vadd.f32 $3.176482920e-01, v1;
	(erf) = vrcp.f32 v10  }
0x48: {  	v16 =	vld [tilespmem:s21+$0x2940];
	v8 =	vadd.f32 $1.000000000e+00, v8;
	v10 =	vpop (erf);
	v4 =	vmul.f32 v4, v2;
	v9 =	vmul.f32 v9, v11  }
0x49: {  	v12 =	vld [tilespmem:s21+$0x2970];
	v3 =	vadd.f32 $3.176482920e-01, v3;
	v1 =	vmul.f32 v1, v13;
	v10 =	vadd.f32 $1.000000000e+00, v10  }
0x4a: {  	(erf) = vrcp.f32 v8;
	v8 =	vld [tilespmem:s21+$0x170];
	v4 =	vadd.f32 $3.176482920e-01, v4;
	v9 =	vadd.f32 $9.999016520e-01, v9  }
0x4b: {  	v17 =	vld [tilespmem:s21+$0x150];
	v0 =	vmax.f32 v0, $0.0e+00;
	v3 =	vmul.f32 v3, v14;
	(erf) = vrcp.f32 v10  }
0x4c: {  	v1 =	vadd.f32 $-4.978750050e-01, v1;
	v10 =	vld [tilespmem:s21+$0x140];
	v4 =	vmul.f32 v4, v2;
	v9 =	vmul.f32 v9, v11;
	v11 =	vpop (erf)  }
0x4d: {  	v19 =	vld [tilespmem:s21+$0x2950];
	vm3 =	vge.f32 v15, $0.0e+00;
	v3 =	vadd.f32 $-4.978750050e-01, v3;
	v20 =	vsub.f32 $1.000000000e+00, v11  }
0x4e: {  	v21 =	vld [tilespmem:s21+$0x160];
	v1 =	vmul.f32 v1, v13;
	v4 =	vadd.f32 $-4.978750050e-01, v4;
	v0 =	vadd.f32 v9, v0  }
0x4f: {  	v18 =	vmul.f32 v3, v14;
	v3 =	vadd.f32 v12, v8;
	v8 =	vld [tilespmem:s21+$0x2960];
	v11 =	vsel vm3, v11, v20  }
0x50: {  	v1 =	vadd.f32 $9.999016520e-01, v1;
	v12 =	vld [tilespmem:s21+$0x100];
	v4 =	vmul.f32 v4, v2;
	v0 =	vmul.f32 v0, v11  }
0x51: {  	v10 =	vadd.f32 v16, v10;
	v15 =	vand.u32 $0x7FFFFFFF, v3;
	v11 =	vld [tilespmem:s21+$0x130]  }
0x52: {  	v13 =	vmul.f32 v1, v13;
	v15 =	vsub.f32 $0.0e+00, v15;
	v1 =	vadd.f32 $9.999016520e-01, v4;
	v4 =	vld [tilespmem:s21+$0x2930];
	[tilespmem:s22+$0x5130] =	vst v0  }
0x53: {  	v17 =	vadd.f32 v19, v17;
	v9 =	vadd.f32 $9.999016520e-01, v18;
	v0 =	vld [tilespmem:s21+$0x2900]  }
0x54: {  	v16 =	vand.u32 $0x7FFFFFFF, v10;
	v15 =	vmul.f32 $1.442695020e+00, v15;
	v18 =	vmul.f32 v1, v2;
	v1 =	vld [tilespmem:s21+$0x110]  }
0x55: {  	v16 =	vsub.f32 $0.0e+00, v16;
	v8 =	vadd.f32 v8, v21;
	v22 =	vld [tilespmem:s21+$0x2910]  }
0x56: {  	v9 =	vmul.f32 v9, v14;
	v14 =	vpop (erf);
	v2 =	vand.u32 $0x7FFFFFFF, v17;
	(erf) = vpow2.f32 v15;
	v15 =	vld [tilespmem:s21+$0x120]  }
0x57: {  	v16 =	vmul.f32 $1.442695020e+00, v16;
	v23 =	vand.u32 $0x7FFFFFFF, v8;
	v26 =	vld [tilespmem:s21+$0x2920];
	v2 =	vsub.f32 $0.0e+00, v2  }
0x58: {  	vm0 =	vmmov vm0;
	v13 =	vadd.f32 v13, v6;
	v23 =	vsub.f32 $0.0e+00, v23  }
0x59: {  	(erf) = vpow2.f32 v16;
	v2 =	vmul.f32 $1.442695020e+00, v2;
	v4 =	vadd.f32 v4, v11  }
0x5a: {  	v19 =	vpop (erf);
	v11 =	vadd.f32 v0, v12;
	v0 =	vmax.f32 v10, $0.0e+00;
	v10 =	vmul.f32 $1.442695020e+00, v23  }
0x5b: {  	v61 =	vpop (erf);
	v12 =	vand.u32 $0x7FFFFFFF, v4;
	(erf) = vpow2.f32 v2;
	v16 =	vadd.f32 v22, v1  }
0x5c: {  	v15 =	vadd.f32 v26, v15;
	v12 =	vsub.f32 $0.0e+00, v12;
	v2 =	vand.u32 $0x7FFFFFFF, v11  }
0x5d: {  	(erf) = vpow2.f32 v10;
	v10 =	vand.u32 $0x7FFFFFFF, v16;
	v2 =	vsub.f32 $0.0e+00, v2  }
0x5e: {  	v1 =	vmax.f32 v17, $0.0e+00;
	v12 =	vmul.f32 $1.442695020e+00, v12;
	v10 =	vsub.f32 $0.0e+00, v10  }
0x5f: {  	v62 =	vand.u32 $0x7FFFFFFF, v15;
	v17 =	vmul.f32 $1.442695020e+00, v2;
	v2 =	vmax.f32 v8, $0.0e+00  }
0x60: {  	(erf) = vpow2.f32 v12;
	v8 =	vpop (erf);
	v6 =	vmul.f32 $1.442695020e+00, v10;
	v12 =	vsub.f32 $0.0e+00, v62  }
0x61: {  	vm1 =	vmmov vm1;
	v20 =	vsub.f32 $1.000000000e+00, v14;
	v63 =	vmul.f32 $1.833792400e-02, v8  }
0x62: {  	v10 =	vadd.f32 v9, v5;
	v9 =	vadd.f32 v18, v7;
	v7 =	vmul.f32 $1.442695020e+00, v12  }
0x63: {  	v24 =	vsub.f32 $1.000000000e+00, v19;
	v5 =	vpop (erf);
	(erf) = vpow2.f32 v17;
	v12 =	vsub.f32 $8.556748180e-02, v63  }
0x64: {  	vm4 =	vge.f32 v11, $0.0e+00;
	v11 =	vmul.f32 $1.833792400e-02, v5;
	(erf) = vpow2.f32 v6;
	v6 =	vpop (erf)  }
0x65: {  	vm3 =	vge.f32 v16, $0.0e+00;
	v16 =	vmul.f32 $1.833792400e-02, v6;
	v12 =	vmul.f32 v12, v8  }
0x66: {  	vm5 =	vge.f32 v15, $0.0e+00;
	v11 =	vsub.f32 $8.556748180e-02, v11;
	(erf) = vpow2.f32 v7;
	v7 =	vpop (erf)  }
0x67: {  	v15 =	vsub.f32 $8.556748180e-02, v16;
	v16 =	vmul.f32 $1.833792400e-02, v7;
	v17 =	vadd.f32 $-1.937587410e-01, v12  }
0x68: {  	v14 =	vsel vm0, v14, v20;
	v18 =	vmul.f32 v11, v5;
	v12 =	vsel vm1, v19, v24  }
0x69: {  	v15 =	vmul.f32 v15, v6;
	v16 =	vsub.f32 $8.556748180e-02, v16;
	v17 =	vmul.f32 v17, v8;
	v19 =	vpop (erf)  }
0x6a: {  	v13 =	vmul.f32 v13, v14;
	v18 =	vadd.f32 $-1.937587410e-01, v18;
	v19 =	vadd.f32 $1.000000000e+00, v19  }
0x6b: {  	v14 =	vadd.f32 $-1.937587410e-01, v15;
	v15 =	vmul.f32 v16, v7;
	v16 =	vadd.f32 $3.176482920e-01, v17  }
0x6c: {  	v18 =	vmul.f32 v18, v5  }
0x6d: {  	vm2 =	vmmov vm2;
	v16 =	vmul.f32 v16, v8  }
0x6e: {  	v25 =	vsub.f32 $1.000000000e+00, v61;
	v18 =	vadd.f32 $3.176482920e-01, v18;
	v17 =	vpop (erf);
	v14 =	vmul.f32 v14, v6  }
0x6f: {  	(erf) = vrcp.f32 v19;
	v15 =	vadd.f32 $-1.937587410e-01, v15;
	v17 =	vadd.f32 $1.000000000e+00, v17;
	v19 =	vpop (erf)  }
0x70: {  	v11 =	vsel vm2, v61, v25;
	v19 =	vadd.f32 $1.000000000e+00, v19;
	v14 =	vadd.f32 $3.176482920e-01, v14  }
0x71: {  	v15 =	vmul.f32 v15, v7;
	v20 =	vadd.f32 $-4.978750050e-01, v16;
	(erf) = vrcp.f32 v17;
	v16 =	vpop (erf)  }
0x72: {  	s23 =	simm.s32 $0x100;
	[tilespmem:s22+$0x5100] =	vst v13;
	v18 =	vmul.f32 v18, v5;
	(erf) = vrcp.f32 v19;
	v16 =	vadd.f32 $1.000000000e+00, v16  }
0x73: {  	s24 =	simm.s32 $0x600;
	v13 =	vld [tilespmem:s23+$0x170];
	v17 =	vmul.f32 v14, v6;
	v14 =	vadd.f32 $3.176482920e-01, v15;
	v15 =	vmul.f32 v20, v8  }
.LBB2_3:
0x74: {  	v18 =	vadd.f32 $-4.978750050e-01, v18;
	(erf) = vrcp.f32 v16;
	v10 =	vmul.f32 v10, v12  }
0x75: {  	p0 =	sne.s32 s24, $0x9E00;
	v19 =	vld [tilespmem:s23+$0x2970];
	vm2 =	vmmov vm4;
	vm0 =	vmmov vm3;
	vm1 =	vmmov vm5  }
0x76: {  	v12 =	vld [tilespmem:s23+$0x140];
	v16 =	vadd.f32 $-4.978750050e-01, v17;
	v14 =	vmul.f32 v14, v7;
	v20 =	vadd.f32 $9.999016520e-01, v15  }
0x77: {  	v9 =	vmul.f32 v9, v11;
	v17 =	vld [tilespmem:s23+$0x2940];
	v18 =	vmul.f32 v18, v5;
	[tilespmem:s22+$0x5110] =	vst v10  }
0x78: {  	v10 =	vld [tilespmem:s23+$0x150];
	v11 =	vmul.f32 v16, v6;
	v14 =	vadd.f32 $-4.978750050e-01, v14;
	v8 =	vmul.f32 v20, v8;
	v15 =	vpop (erf)  }
0x79: {  	v21 =	vmax.f32 v3, $0.0e+00;
	v16 =	vld [tilespmem:s23+$0x2950];
	v18 =	vadd.f32 $9.999016520e-01, v18;
	v20 =	vsub.f32 $1.000000000e+00, v15;
	[tilespmem:s22+$0x5120] =	vst v9;
	s22 =	smov.u32 s21;
	s21 =	smov.u32 s23  }
0x7a: {  	vm3 =	vge.f32 v4, $0.0e+00;
	v9 =	vld [tilespmem:s21+$0x160];
	v3 =	vadd.f32 v19, v13;
	v4 =	vadd.f32 v8, v21;
	v13 =	vpop (erf)  }
0x7b: {  	v21 =	vadd.f32 $9.999016520e-01, v11;
	v14 =	vmul.f32 v14, v7;
	v8 =	vld [tilespmem:s21+$0x2960];
	v20 =	vsel vm3, v15, v20  }
0x7c: {  	v19 =	vld [tilespmem:s21+$0x100];
	v12 =	vadd.f32 v17, v12;
	v17 =	vand.u32 $0x7FFFFFFF, v3;
	v4 =	vmul.f32 v4, v20;
	v15 =	vpop (erf)  }
0x7d: {  	v5 =	vmul.f32 v18, v5;
	v14 =	vadd.f32 $9.999016520e-01, v14;
	v20 =	vld [tilespmem:s21+$0x130];
	v17 =	vsub.f32 $0.0e+00, v17  }
0x7e: {  	v6 =	vmul.f32 v21, v6;
	v18 =	vand.u32 $0x7FFFFFFF, v12;
	v10 =	vadd.f32 v16, v10;
	v16 =	vld [tilespmem:s21+$0x2930];
	[tilespmem:s22+$0x5130] =	vst v4;
	v11 =	vpop (erf)  }
0x7f: {  	v7 =	vmul.f32 v14, v7;
	v21 =	vld [tilespmem:s21+$0x2900];
	v4 =	vsub.f32 $0.0e+00, v18;
	v17 =	vmul.f32 $1.442695020e+00, v17  }
0x80: {  	v22 =	vsub.f32 $1.000000000e+00, v13;
	v14 =	vld [tilespmem:s21+$0x110];
	v18 =	vand.u32 $0x7FFFFFFF, v10;
	v8 =	vadd.f32 v8, v9  }
0x81: {  	v9 =	vmul.f32 $1.442695020e+00, v4;
	v23 =	vld [tilespmem:s21+$0x2910];
	v4 =	vsub.f32 $0.0e+00, v18;
	(erf) = vpow2.f32 v17  }
0x82: {  	v24 =	vsub.f32 $1.000000000e+00, v15;
	v25 =	vsub.f32 $1.000000000e+00, v11;
	v17 =	vld [tilespmem:s21+$0x120];
	v18 =	vand.u32 $0x7FFFFFFF, v8  }
0x83: {  	v26 =	vmul.f32 $1.442695020e+00, v4;
	v27 =	vld [tilespmem:s21+$0x2920];
	v18 =	vsub.f32 $0.0e+00, v18;
	v4 =	vadd.f32 v16, v20  }
0x84: {  	v12 =	vmax.f32 v12, $0.0e+00;
	v16 =	vadd.f32 v21, v19;
	(erf) = vpow2.f32 v9  }
0x85: {  	v9 =	vmul.f32 $1.442695020e+00, v18;
	v18 =	vand.u32 $0x7FFFFFFF, v4;
	(erf) = vpow2.f32 v26  }
0x86: {  	v19 =	vand.u32 $0x7FFFFFFF, v16;
	v14 =	vadd.f32 v23, v14;
	v18 =	vsub.f32 $0.0e+00, v18  }
0x87: {  	v20 =	vmax.f32 v10, $0.0e+00;
	v19 =	vsub.f32 $0.0e+00, v19;
	(erf) = vpow2.f32 v9  }
0x88: {  	v9 =	vand.u32 $0x7FFFFFFF, v14;
	v17 =	vadd.f32 v27, v17;
	v10 =	vmul.f32 $1.442695020e+00, v18  }
0x89: {  	v18 =	vmul.f32 $1.442695020e+00, v19;
	v9 =	vsub.f32 $0.0e+00, v9;
	v19 =	vmax.f32 v8, $0.0e+00  }
0x8a: {  	v23 =	vadd.f32 v5, v0;
	v21 =	vand.u32 $0x7FFFFFFF, v17;
	(erf) = vpow2.f32 v10;
	v8 =	vpop (erf)  }
0x8b: {  	v0 =	vmovc v12;
	v26 =	vmul.f32 $1.442695020e+00, v9;
	v27 =	vsub.f32 $0.0e+00, v21;
	v21 =	vmul.f32 $1.833792400e-02, v8  }
0x8c: {  	v10 =	vadd.f32 v6, v1;
	v1 =	vmovc v20;
	v9 =	vadd.f32 v7, v2;
	v2 =	vmovc v19;
	(erf) = vpow2.f32 v18  }
0x8d: {  	v18 =	vmul.f32 $1.442695020e+00, v27;
	v12 =	vsub.f32 $8.556748180e-02, v21;
	v5 =	vpop (erf);
	(erf) = vpow2.f32 v26  }
0x8e: {  	vm4 =	vge.f32 v16, $0.0e+00;
	vm3 =	vge.f32 v14, $0.0e+00;
	v16 =	vmul.f32 $1.833792400e-02, v5;
	v6 =	vpop (erf)  }
0x8f: {  	vm5 =	vge.f32 v17, $0.0e+00;
	v14 =	vmul.f32 $1.833792400e-02, v6;
	v12 =	vmul.f32 v12, v8  }
0x90: {  	v13 =	vsel vm2, v13, v22;
	v16 =	vsub.f32 $8.556748180e-02, v16;
	(erf) = vpow2.f32 v18;
	v7 =	vpop (erf)  }
0x91: {  	v14 =	vsub.f32 $8.556748180e-02, v14;
	v17 =	vmul.f32 $1.833792400e-02, v7;
	v19 =	vadd.f32 $-1.937587410e-01, v12  }
0x92: {  	v11 =	vsel vm1, v11, v25;
	v12 =	vsel vm0, v15, v24;
	v16 =	vmul.f32 v16, v5  }
0x93: {  	v14 =	vmul.f32 v14, v6;
	v15 =	vsub.f32 $8.556748180e-02, v17;
	v17 =	vmul.f32 v19, v8;
	v18 =	vpop (erf)  }
0x94: {  	v13 =	vmul.f32 v23, v13;
	v16 =	vadd.f32 $-1.937587410e-01, v16;
	v18 =	vadd.f32 $1.000000000e+00, v18  }
0x95: {  	v14 =	vadd.f32 $-1.937587410e-01, v14;
	v15 =	vmul.f32 v15, v7;
	v17 =	vadd.f32 $3.176482920e-01, v17;
	v19 =	vpop (erf)  }
0x96: {  	v19 =	vadd.f32 $1.000000000e+00, v19;
	v16 =	vmul.f32 v16, v5;
	v20 =	vpop (erf);
	(erf) = vrcp.f32 v18;
	[tilespmem:s22+$0x5100] =	vst v13  }
.Ltmp0:
0x97: {  	v18 =	vmul.f32 v14, v6;
	v14 =	vadd.f32 $-1.937587410e-01, v15;
	v15 =	vmul.f32 v17, v8;
	(pc) =	sbr.rel @p0 .LBB2_3-.Ltmp0, $4  }
0x98: {  	v17 =	vadd.f32 $1.000000000e+00, v20;
	v16 =	vadd.f32 $3.176482920e-01, v16;
	(erf) = vrcp.f32 v19  }
0x99: {  	v19 =	vadd.f32 $3.176482920e-01, v18;
	v14 =	vmul.f32 v14, v7;
	v15 =	vadd.f32 $-4.978750050e-01, v15;
	v13 =	vpop (erf)  }
0x9a: {  	s23 =	sshra.s32 s24, $0x2;
	v18 =	vmul.f32 v16, v5;
	v16 =	vadd.f32 $1.000000000e+00, v13;
	(erf) = vrcp.f32 v17  }
0x9b: {  	s24 =	sadd.s32 $0x200, s24;
	v13 =	vld [tilespmem:s23+$0x170];
	v17 =	vmul.f32 v19, v6;
	v14 =	vadd.f32 $3.176482920e-01, v14;
	v15 =	vmul.f32 v15, v8  }
0x9c: {  	v10 =	vmul.f32 v10, v12;
	v18 =	vadd.f32 $-4.978750050e-01, v18  }
0x9d: {  	v19 =	vld [tilespmem:s23+$0x2970];
	(erf) = vrcp.f32 v16;
	vm0 =	vmmov vm4;
	v9 =	vmul.f32 v9, v11  }
0x9e: {  	v32 =	vld [tilespmem:s23+$0x140];
	vm1 =	vmmov vm3;
	v34 =	vmul.f32 v14, v7;
	v35 =	vadd.f32 $9.999016520e-01, v15  }
0x9f: {  	v20 =	vld [tilespmem:s23+$0x2940];
	vm2 =	vmmov vm5;
	v33 =	vadd.f32 $-4.978750050e-01, v17;
	[tilespmem:s22+$0x5110] =	vst v10;
	v37 =	vmul.f32 v18, v5  }
0xa0: {  	v42 =	vmax.f32 v3, $0.0e+00;
	v36 =	vld [tilespmem:s23+$0x150];
	v10 =	vadd.f32 $-4.978750050e-01, v34;
	v8 =	vmul.f32 v35, v8;
	v39 =	vpop (erf)  }
0xa1: {  	v38 =	vld [tilespmem:s23+$0x2950];
	v16 =	vmul.f32 v33, v6;
	[tilespmem:s22+$0x5120] =	vst v9;
	v40 =	vadd.f32 $9.999016520e-01, v37;
	v41 =	vsub.f32 $1.000000000e+00, v39  }
0xa2: {  	vm8 =	vge.f32 v4, $0.0e+00;
	v21 =	vld [tilespmem:s23+$0x160];
	v3 =	vadd.f32 v19, v13;
	v43 =	vadd.f32 v8, v42  }
0xa3: {  	v44 =	vld [tilespmem:s23+$0x2960];
	v45 =	vadd.f32 $9.999016520e-01, v16;
	v10 =	vmul.f32 v10, v7;
	v14 =	vsel vm8, v39, v41  }
0xa4: {  	v46 =	vld [tilespmem:s23+$0x100];
	v12 =	vadd.f32 v20, v32;
	v54 =	vpop (erf);
	v49 =	vmul.f32 v40, v5;
	v4 =	vmul.f32 v43, v14  }
0xa5: {  	v48 =	vld [tilespmem:s23+$0x130];
	v61 =	vsub.f32 $1.000000000e+00, v54;
	v47 =	vand.u32 $0x7FFFFFFF, v3;
	v50 =	vadd.f32 $9.999016520e-01, v10  }
0xa6: {  	v51 =	vld [tilespmem:s23+$0x2930];
	v52 =	vand.u32 $0x7FFFFFFF, v12;
	v53 =	vmul.f32 v45, v6;
	v16 =	vsub.f32 $0.0e+00, v47;
	[tilespmem:s21+$0x5130] =	vst v4  }
0xa7: {  	v12 =	vmax.f32 v12, $0.0e+00;
	v3 =	vmax.f32 v3, $0.0e+00;
	v11 =	vadd.f32 v38, v36;
	v55 =	vld [tilespmem:s23+$0x2900]  }
0xa8: {  	v58 =	vpop (erf);
	v56 =	vsub.f32 $0.0e+00, v52;
	v8 =	vadd.f32 v44, v21;
	v16 =	vmul.f32 $1.442695020e+00, v16;
	v59 =	vld [tilespmem:s23+$0x110]  }
0xa9: {  	v24 =	vsub.f32 $1.000000000e+00, v58;
	v0 =	vadd.f32 v49, v0;
	v60 =	vand.u32 $0x7FFFFFFF, v11;
	v22 =	vld [tilespmem:s23+$0x2910]  }
0xaa: {  	v63 =	vld [tilespmem:s23+$0x120];
	v19 =	vsub.f32 $0.0e+00, v60;
	v23 =	vand.u32 $0x7FFFFFFF, v8;
	(erf) = vpow2.f32 v16  }
0xab: {  	v10 =	vadd.f32 v51, v48;
	v17 =	vmul.f32 $1.442695020e+00, v56;
	v26 =	vld [tilespmem:s23+$0x2920];
	v23 =	vsub.f32 $0.0e+00, v23  }
0xac: {  	v57 =	vmul.f32 v50, v7;
	v1 =	vadd.f32 v53, v1;
	v19 =	vmul.f32 $1.442695020e+00, v19  }
0xad: {  	v28 =	vand.u32 $0x7FFFFFFF, v10;
	(erf) = vpow2.f32 v17;
	v27 =	vmul.f32 $1.442695020e+00, v23  }
0xae: {  	v15 =	vsub.f32 $0.0e+00, v28;
	v13 =	vadd.f32 v55, v46;
	(erf) = vpow2.f32 v19  }
0xaf: {  	v62 =	vpop (erf);
	v4 =	vsel vm0, v54, v61;
	v18 =	vadd.f32 v22, v59;
	(erf) = vpow2.f32 v27  }
0xb0: {  	v15 =	vmul.f32 $1.442695020e+00, v15;
	v16 =	vadd.f32 v26, v63;
	v29 =	vand.u32 $0x7FFFFFFF, v13  }
0xb1: {  	v25 =	vsub.f32 $1.000000000e+00, v62;
	v30 =	vand.u32 $0x7FFFFFFF, v18;
	v17 =	vsub.f32 $0.0e+00, v29  }
0xb2: {  	v31 =	vand.u32 $0x7FFFFFFF, v16;
	(erf) = vpow2.f32 v15;
	v14 =	vsub.f32 $0.0e+00, v30  }
0xb3: {  	v0 =	vmul.f32 v0, v4;
	v34 =	vsub.f32 $0.0e+00, v31;
	v17 =	vmul.f32 $1.442695020e+00, v17;
	v32 =	vpop (erf)  }
0xb4: {  	v11 =	vmax.f32 v11, $0.0e+00;
	v33 =	vmul.f32 $1.442695020e+00, v14;
	v35 =	vmul.f32 $1.833792400e-02, v32  }
0xb5: {  	v9 =	vsel vm1, v58, v24;
	v36 =	vmul.f32 $1.442695020e+00, v34;
	(erf) = vpow2.f32 v17  }
0xb6: {  	v1 =	vmul.f32 v1, v9;
	v38 =	vpop (erf);
	(erf) = vpow2.f32 v33;
	v37 =	vsub.f32 $8.556748180e-02, v35  }
0xb7: {  	v8 =	vmax.f32 v8, $0.0e+00;
	v39 =	vmul.f32 $1.833792400e-02, v38;
	v40 =	vpop (erf);
	(erf) = vpow2.f32 v36  }
0xb8: {  	v2 =	vadd.f32 v57, v2;
	v41 =	vmul.f32 $1.833792400e-02, v40;
	v42 =	vpop (erf);
	v7 =	vmul.f32 v37, v32  }
0xb9: {  	vm15 =	vge.f32 v10, $0.0e+00;
	v5 =	vsub.f32 $8.556748180e-02, v39;
	v44 =	vmul.f32 $1.833792400e-02, v42  }
0xba: {  	v45 =	vsel vm2, v62, v25;
	v43 =	vsub.f32 $8.556748180e-02, v41;
	v7 =	vadd.f32 $-1.937587410e-01, v7  }
0xbb: {  	vm11 =	vge.f32 v16, $0.0e+00;
	v46 =	vpop (erf);
	v5 =	vmul.f32 v5, v38;
	v17 =	vsub.f32 $8.556748180e-02, v44  }
0xbc: {  	v19 =	vadd.f32 $1.000000000e+00, v46;
	v16 =	vmul.f32 v43, v40;
	v7 =	vmul.f32 v7, v32  }
0xbd: {  	v2 =	vmul.f32 v2, v45;
	v5 =	vadd.f32 $-1.937587410e-01, v5;
	v48 =	vmul.f32 v17, v42  }
0xbe: {  	v47 =	vadd.f32 $-1.937587410e-01, v16;
	v49 =	vpop (erf);
	(erf) = vrcp.f32 v19;
	v7 =	vadd.f32 $3.176482920e-01, v7  }
0xbf: {  	v5 =	vmul.f32 v5, v38;
	v17 =	vadd.f32 $1.000000000e+00, v49;
	v50 =	vpop (erf);
	v16 =	vadd.f32 $-1.937587410e-01, v48  }
0xc0: {  	v4 =	vmul.f32 v47, v40;
	v19 =	vadd.f32 $1.000000000e+00, v50;
	v7 =	vmul.f32 v7, v32  }
0xc1: {  	v5 =	vadd.f32 $3.176482920e-01, v5;
	v51 =	vpop (erf);
	(erf) = vrcp.f32 v17;
	v16 =	vmul.f32 v16, v42  }
0xc2: {  	v17 =	vadd.f32 $1.000000000e+00, v51;
	v4 =	vadd.f32 $3.176482920e-01, v4;
	(erf) = vrcp.f32 v19  }
0xc3: {  	v5 =	vmul.f32 v5, v38;
	v7 =	vadd.f32 $-4.978750050e-01, v7;
	v16 =	vadd.f32 $3.176482920e-01, v16  }
0xc4: {  	vm9 =	vge.f32 v13, $0.0e+00;
	(erf) = vrcp.f32 v17;
	v4 =	vmul.f32 v4, v40  }
0xc5: {  	v5 =	vadd.f32 $-4.978750050e-01, v5;
	v7 =	vmul.f32 v7, v32;
	v52 =	vmul.f32 v16, v42  }
0xc6: {  	vm10 =	vge.f32 v18, $0.0e+00;
	vm12 =	vmmov vm9;
	v4 =	vadd.f32 $-4.978750050e-01, v4  }
0xc7: {  	v5 =	vmul.f32 v5, v38;
	v7 =	vadd.f32 $9.999016520e-01, v7;
	v9 =	vadd.f32 $-4.978750050e-01, v52;
	v53 =	vpop (erf)  }
0xc8: {  	vm13 =	vmmov vm10;
	v4 =	vmul.f32 v4, v40;
	v54 =	vsub.f32 $1.000000000e+00, v53  }
0xc9: {  	v5 =	vadd.f32 $9.999016520e-01, v5;
	v7 =	vmul.f32 v7, v32;
	v9 =	vmul.f32 v9, v42  }
0xca: {  	vm14 =	vmmov vm11;
	v4 =	vadd.f32 $9.999016520e-01, v4;
	v55 =	vpop (erf);
	v10 =	vsel vm15, v53, v54  }
0xcb: {  	v5 =	vmul.f32 v5, v38;
	v3 =	vadd.f32 v7, v3;
	v9 =	vadd.f32 $9.999016520e-01, v9;
	v56 =	vpop (erf)  }
0xcc: {  	v57 =	vsub.f32 $1.000000000e+00, v55;
	v4 =	vmul.f32 v4, v40;
	v59 =	vsub.f32 $1.000000000e+00, v56  }
0xcd: {  	[tilespmem:s21+$0x5100] =	vst v0;
	v58 =	vpop (erf);
	v5 =	vadd.f32 v5, v12;
	v3 =	vmul.f32 v3, v10;
	v6 =	vmul.f32 v9, v42  }
0xce: {  	[tilespmem:s21+$0x5110] =	vst v1;
	v60 =	vsub.f32 $1.000000000e+00, v58;
	v7 =	vsel vm12, v55, v57;
	v4 =	vadd.f32 v4, v11  }
0xcf: {  	[tilespmem:s21+$0x5120] =	vst v2;
	v62 =	vsel vm13, v56, v59;
	v5 =	vmul.f32 v5, v7;
	v61 =	vadd.f32 v6, v8  }
0xd0: {  	[tilespmem:s23+$0x5130] =	vst v3;
	v0 =	vsel vm14, v58, v60;
	v63 =	vmul.f32 v4, v62  }
0xd1: {  	s19 =	sadd.s32 $0x1, s19;
	[tilespmem:s23+$0x5100] =	vst v5;
	v0 =	vmul.f32 v61, v0  }
0xd2: {  	s20 =	sshll.u32 s20, $0x4;
	p0 =	sne.s32 s19, $0x7D;
	[tilespmem:s23+$0x5110] =	vst v63  }
.Ltmp1:
0xd3: {  	s20 =	sadd.s32 s7, s20;
	[tilespmem:s23+$0x5120] =	vst v0;
	(pc) =	sbr.rel @p0 .LBB2_2-.Ltmp1, $4  }
0xd4: {  	[hbm4b:s20+s1] =	stream.linear.scatter [tilespmem:s17], [sflag:$0x3], $0x2800, $0x38;
	[tilespmem:$0x7900] =	vst v63  }
0xd5: {  	_ =	swait.ge [sflag:s10], $0x2800  }
0xd6: {  	[sflag:s10] =	ssyncset.done $0x0  }
0xd7: {  	[sflag:s10] =	ssyncadd.s32 $0xFFFFD800  }
0xd8: {  	s18 =	sadd.s32 $0x1, s18  }
0xd9: {  	p0 =	sne.s32 s18, s9  }
.Ltmp2:
0xda: {  	_ = 	snop;
	(pc) =	sbr.rel @p0 .LBB2_1-.Ltmp2, $1  }
0xdb: {  	_ =	sdelay $0x3  }
0xdc: {  	_ =	sfence.sel $0x180000  }
0xdd: {  	[bflag:$0x0] =	sbarrier.arrive $0xFFFF  }
0xde: {  	p0 =	sne.s32 s3, $0x0;
	_ =	strace $0x9000004D  }
0xdf: {  	s0 =	sadd.s32 @!p0 $0x100000, s0;
	[bflag:$0x2] =	sbarrier.arrive $0xFFFF  }
0xe0: {  	[sflag:s0] =	ssyncadd.tile.s32 @!p0 $0x1;
	_ =	shalt  }
.Lfunc_end2:
_tile_overlayer_lowered:
.L_overlay_start_2:
0xe1: {  	(tag) =	ssettag $0x2  }
0xe2: {  	s0 =	rddreg [dreg:$0x0];
	s2 =	stileid.u32  }
0xe3: {  	s1 =	rddreg [dreg:$0x1];
	p0 =	sne.s32 s2, $0x0  }
0xe4: {  	s3 =	rddreg [dreg:$0x2];
	[bflag:$0x3] =	sbarrier.arrive $0xFFFF;
	s2 =	simm.s32 @!p0 $0x1C03  }
0xe5: {  	[timem:s3], [sflag:s2] =	dma.local @!p0 [hbm:s0], s1  }
0xe6: {  	s0 =	simm.s32 @!p0 $0x3  }
0xe7: {  	_ =	swait.ge @!p0 [sflag:s0], s1  }
0xe8: {  	s1 =	ssub.s32 @!p0 $0x0, s1;
	[sflag:s0] =	ssyncset.done @!p0 $0x0  }
0xe9: {  	[sflag:s0] =	ssyncadd.s32 @!p0 s1  }
0xea: {  	[bflag:$0x3] =	sbarrier.arrive $0xFFFF  }
0xeb: {  	_ =	shalt  }

</sc_bundles>
